<compile_context>
chip_gen: v7x
topology: tpu7x:2x2x1
jax: 0.10.2.dev20260603
libtpu: 0.0.44.dev20260713+nightly
codegen_flags: <defaults>
</compile_context>

<pallas_src>
import functools

import jax
import jax.numpy as jnp
from jax import lax
from jax.experimental import pallas as pl
from jax.experimental.pallas import tpu as pltpu
from jax.experimental.pallas import tpu_sc as plsc

NC = 2
NS = 16
NW = NC * NS
CH = 128


def _sc_mesh():
    return plsc.VectorSubcoreMesh(
        core_axis_name="c", subcore_axis_name="s", num_cores=NC, num_subcores=NS
    )




GDEG = 80


def _make_sc_deg_perm(NP, D, CPD, PC, RPT):

    def body(dstd, ones_h, zeros_h, deg_out, deg_sh, didx, ones_v, sem):
        c = lax.axis_index("c")
        s = lax.axis_index("s")
        w = c * NS + s
        row0 = s * RPT
        pltpu.sync_copy(ones_h, ones_v)
        pltpu.sync_copy(zeros_h, deg_sh.at[pl.ds(row0, RPT)])
        plsc.subcore_barrier()

        def gb(g, carry):
            pltpu.sync_copy(dstd.at[w, pl.ds(g * GDEG, GDEG)], didx)

            def jb(j, carry2):
                pltpu.async_copy(ones_v, deg_sh.at[didx.at[j]], sem, add=True)
                return carry2

            lax.fori_loop(0, GDEG, jb, carry)

            def db(j, carry2):
                pltpu.make_async_copy(ones_v, deg_sh.at[pl.ds(0, CH)],
                                      sem).wait()
                return carry2

            return lax.fori_loop(0, GDEG, db, carry)

        lax.fori_loop(0, CPD // GDEG, gb, 0)
        plsc.subcore_barrier()
        pltpu.sync_copy(deg_sh.at[pl.ds(row0, RPT)],
                        deg_out.at[pl.ds(c * NP + row0, RPT)])

    return pl.kernel(
        body,
        out_type=jax.ShapeDtypeStruct((NC * NP, D), jnp.float32),
        mesh=_sc_mesh(),
        scratch_types=[
            pltpu.VMEM_SHARED((NP, D), jnp.float32),
            pltpu.VMEM((GDEG, CH), jnp.int32),
            pltpu.VMEM((CH, D), jnp.float32),
            pltpu.SemaphoreType.DMA,
        ],
    )


def _make_sc_perm(NP, D, PC):

    def body(permp, feat, fneg_out, pidx, fr0, fr1, sem):
        c = lax.axis_index("c")
        s = lax.axis_index("s")
        w = c * NS + s
        pltpu.sync_copy(permp.at[w], pidx.at[pl.ds(0, PC)])
        bufs = [fr0, fr1]
        for j in range(PC):
            fr = bufs[j % 2]
            pltpu.async_copy(feat.at[pidx.at[j]], fr, sem).wait()
            pltpu.sync_copy(fr, fneg_out.at[pl.ds(w * PC * CH + j * CH, CH)])

    return pl.kernel(
        body,
        out_type=jax.ShapeDtypeStruct((NW * PC * CH, D), jnp.float32),
        mesh=_sc_mesh(),
        scratch_types=[
            pltpu.VMEM((8, CH), jnp.int32),
            pltpu.VMEM((CH, D), jnp.float32),
            pltpu.VMEM((CH, D), jnp.float32),
            pltpu.SemaphoreType.DMA,
        ],
    )


GRP = 16


def _make_sc_prop(NP, D, CPT, RPT):

    NG = CPT // GRP

    def body(x2, srcw, dst16, zerosD, agg_out,
             agg_sh, sidx0, didx0, sidx1, didx1, rows0, rows1,
             gsem, ssem, isem):
        c = lax.axis_index("c")
        s = lax.axis_index("s")
        w = c * NS + s
        row0 = s * RPT
        pltpu.sync_copy(zerosD, agg_sh.at[pl.ds(row0, RPT)])
        pltpu.sync_copy(srcw.at[w, pl.ds(0, GRP)], sidx0)
        pltpu.sync_copy(dst16.at[s, pl.ds(0, GRP)], didx0)
        plsc.subcore_barrier()

        def drain_g(buf):
            pltpu.make_async_copy(zerosD.at[pl.ds(0, CH)], buf, gsem).wait()

        def drain_s():
            pltpu.make_async_copy(rows0, agg_sh.at[pl.ds(0, CH)], ssem).wait()

        def drain_i(buf):
            pltpu.make_async_copy(srcw.at[w, pl.ds(0, GRP)], buf, isem).wait()

        def prefetch(g, sbuf, dbuf):
            pltpu.async_copy(srcw.at[w, pl.ds(g * GRP, GRP)], sbuf, isem)
            pltpu.async_copy(dst16.at[s, pl.ds(g * GRP, GRP)], dbuf, isem)

        def run_group(sidx, didx):
            pltpu.async_copy(x2.at[sidx.at[0]], rows0, gsem)

            def pair(t, carry2):
                j = 2 * t
                drain_g(rows0)

                @pl.when(t > 0)
                def _():
                    drain_s()

                pltpu.async_copy(x2.at[sidx.at[j + 1]], rows1, gsem)
                pltpu.async_copy(rows0, agg_sh.at[didx.at[j]], ssem, add=True)
                drain_g(rows1)
                drain_s()

                @pl.when(j + 2 < GRP)
                def _():
                    pltpu.async_copy(x2.at[sidx.at[j + 2]], rows0, gsem)

                pltpu.async_copy(rows1, agg_sh.at[didx.at[j + 1]], ssem,
                                 add=True)
                return carry2

            lax.fori_loop(0, GRP // 2, pair, 0)
            drain_s()

        def g2(t, carry):
            g = 2 * t
            prefetch(g + 1, sidx1, didx1)
            run_group(sidx0, didx0)
            drain_i(sidx1)
            drain_i(didx1)

            @pl.when(g + 2 < NG)
            def _():
                prefetch(g + 2, sidx0, didx0)

            run_group(sidx1, didx1)

            @pl.when(g + 2 < NG)
            def _():
                drain_i(sidx0)
                drain_i(didx0)

            return carry

        lax.fori_loop(0, NG // 2, g2, 0)
        plsc.subcore_barrier()
        pltpu.sync_copy(agg_sh.at[pl.ds(row0, RPT)],
                        agg_out.at[pl.ds(c * NP + row0, RPT)])

    return pl.kernel(
        body,
        out_type=jax.ShapeDtypeStruct((NC * NP, D), jnp.float32),
        mesh=_sc_mesh(),
        scratch_types=[
            pltpu.VMEM_SHARED((NP, D), jnp.float32),
            pltpu.VMEM((GRP, CH), jnp.int32),
            pltpu.VMEM((GRP, CH), jnp.int32),
            pltpu.VMEM((GRP, CH), jnp.int32),
            pltpu.VMEM((GRP, CH), jnp.int32),
            pltpu.VMEM((CH, D), jnp.float32),
            pltpu.VMEM((CH, D), jnp.float32),
            pltpu.SemaphoreType.DMA,
            pltpu.SemaphoreType.DMA,
            pltpu.SemaphoreType.DMA,
        ],
    )




def _norm_from(d_ref):
    deg = d_ref[...]
    return jnp.where(deg > 0.0, lax.rsqrt(jnp.maximum(deg, 1.0)), 0.0)


def _tc_prescale(f2, deg2d, NP, D, RPT):
    def body(f_ref, d_ref, o_ref):
        o_ref[...] = f_ref[...] * _norm_from(d_ref)

    nb = (2 * NP) // RPT
    return pl.pallas_call(
        body,
        grid=(nb,),
        in_specs=[
            pl.BlockSpec((RPT, D), lambda i: (i, 0)),
            pl.BlockSpec((RPT, 1), lambda i: (i % (nb // 2), 0)),
        ],
        out_specs=pl.BlockSpec((RPT, D), lambda i: (i, 0)),
        out_shape=jax.ShapeDtypeStruct((2 * NP, D), jnp.float32),
    )(f2, deg2d)


def _tc_layer(agg, deg2d, W, b, NP, D, RPT):

    def body(a_ref, d_ref, w_ref, b_ref, o_ref):
        norm = _norm_from(d_ref)
        h = jnp.dot(a_ref[...] * norm, w_ref[...],
                    preferred_element_type=jnp.float32) + b_ref[...]
        o_ref[...] = jnp.maximum(h, 0.0) * norm

    nb = (2 * NP) // RPT
    return pl.pallas_call(
        body,
        grid=(nb,),
        in_specs=[
            pl.BlockSpec((RPT, D), lambda i: (i, 0)),
            pl.BlockSpec((RPT, 1), lambda i: (i % (nb // 2), 0)),
            pl.BlockSpec((D, D), lambda i: (0, 0)),
            pl.BlockSpec((1, D), lambda i: (0, 0)),
        ],
        out_specs=pl.BlockSpec((RPT, D), lambda i: (i, 0)),
        out_shape=jax.ShapeDtypeStruct((2 * NP, D), jnp.float32),
    )(agg, deg2d, W, b.reshape(1, D))


def _tc_loss(agg2, deg2d, W1, b1, Wd, N, NP, D, RPT):
    nh = NP // RPT

    def body(a_ref, d_ref, w1_ref, b1_ref, wd_ref, o_ref, spos_ref):
        i = pl.program_id(0)
        norm = _norm_from(d_ref)
        rowid = ((i % nh) * RPT
                 + lax.broadcasted_iota(jnp.int32, (RPT, 1), 0))
        real = rowid < N

        @pl.when(i == 0)
        def _():
            spos_ref[...] = jnp.zeros_like(spos_ref)

        @pl.when(i < nh)
        def _():
            nm = jnp.where(real, norm, 0.0)
            spos_ref[...] += jnp.sum(a_ref[...] * nm, axis=0, keepdims=True)

        @pl.when(i >= nh)
        def _():
            summary = jax.nn.sigmoid(
                jnp.dot(spos_ref[...] / N, w1_ref[...],
                        preferred_element_type=jnp.float32) + b1_ref[...])
            ws = lax.dot_general(summary, wd_ref[...],
                                 (((1,), (1,)), ((), ())),
                                 preferred_element_type=jnp.float32)
            h = jnp.dot(a_ref[...] * norm, w1_ref[...],
                        preferred_element_type=jnp.float32) + b1_ref[...]
            logits = lax.dot_general(h, ws, (((1,), (1,)), ((), ())),
                                     preferred_element_type=jnp.float32)
            sign = jnp.where(i < 2 * nh, -1.0, 1.0)
            val = jnp.where(real, jax.nn.softplus(sign * logits), 0.0)
            part = (jnp.sum(val) / N).reshape(1, 1)

            @pl.when(i == nh)
            def _():
                o_ref[...] = jnp.zeros_like(o_ref)

            o_ref[...] += part

    def agg_idx(i):
        return (jnp.where(i < nh, i, i - nh), 0)

    def deg_idx(i):
        return (i % nh, 0)

    return pl.pallas_call(
        body,
        grid=(3 * nh,),
        in_specs=[
            pl.BlockSpec((RPT, D), agg_idx),
            pl.BlockSpec((RPT, 1), deg_idx),
            pl.BlockSpec((D, D), lambda i: (0, 0)),
            pl.BlockSpec((1, D), lambda i: (0, 0)),
            pl.BlockSpec((D, D), lambda i: (0, 0)),
        ],
        out_specs=pl.BlockSpec((1, 1), lambda i: (0, 0)),
        out_shape=jax.ShapeDtypeStruct((1, 1), jnp.float32),
        scratch_shapes=[pltpu.VMEM((1, D), jnp.float32)],
    )(agg2, deg2d, W1, b1.reshape(1, D), Wd)




def kernel(features, edge_index, W0, b0, W1, b1, Wd):
    N, D = features.shape
    E = edge_index.shape[1]
    NP = (N // 256 + 1) * 256
    RPT = NP // NS
    CPT = -(-E // (NS * CH * GRP)) * GRP
    CPD = -(-E // (NW * CH * GDEG)) * GDEG
    PC = -(-(NP // NW) // CH)

    src = edge_index[0].astype(jnp.int32)
    dst = edge_index[1].astype(jnp.int32)
    perm = jax.random.permutation(jax.random.key(42), N).astype(jnp.int32)

    src16 = jnp.pad(src, (0, NS * CPT * CH - E)).reshape(NS, CPT, CH)
    srcw = jnp.concatenate([src16, src16 + NP]).reshape(NW, CPT, CH)
    dst16 = jnp.pad(dst, (0, NS * CPT * CH - E),
                    constant_values=N).reshape(NS, CPT, CH)
    dstd = jnp.pad(dst, (0, NW * CPD * CH - E),
                   constant_values=N).reshape(NW, CPD, CH)
    permp = jnp.pad(perm, (0, NW * PC * CH - N)).reshape(NW, PC, CH)
    zerosD = jnp.zeros((RPT, D), jnp.float32)
    onesD = jnp.ones((CH, D), jnp.float32)

    deg2 = _make_sc_deg_perm(NP, D, CPD, PC, RPT)(dstd, onesD, zerosD)
    fneg_raw = _make_sc_perm(NP, D, PC)(permp, features)
    deg2d = (deg2[:NP, 0] + deg2[NP:, 0]).reshape(NP, 1)

    fpad = jnp.pad(features, ((0, NP - N), (0, 0)))
    f2 = jnp.concatenate([fpad, fneg_raw[:NP]], axis=0)

    RB = 8 * RPT
    prop = _make_sc_prop(NP, D, CPT, RPT)
    x0 = _tc_prescale(f2, deg2d, NP, D, RB)
    agg1 = prop(x0, srcw, dst16, zerosD)
    x1 = _tc_layer(agg1, deg2d, W0, b0, NP, D, RB)
    agg2 = prop(x1, srcw, dst16, zerosD)
    loss = _tc_loss(agg2, deg2d, W1, b1, Wd, N, NP, D, RB)
    return loss[0, 0]

# --- scband reference (transcript-rebuilt; emitter-appended) ---
"""Pipeline reference for scband-dgi-68805376082557 (READ-ONLY COPY).

The authoritative reference and input builder live on the scoring server;
editing this copy changes nothing except your own understanding.
"""

import jax, jax.numpy as jnp
import numpy as np

N = 10000
E = 320000
D = 128


def setup_inputs(seed: int = 0):
    key = jax.random.key(seed)
    ks = jax.random.split(key, 8)
    features = jax.random.normal(ks[0], (N, D), dtype=jnp.float32)
    edge_index = jax.random.randint(ks[1], (2, E), 0, N).astype(jnp.int64)
    W0 = jax.random.normal(ks[2], (D, D), dtype=jnp.float32) * 0.05
    b0 = jnp.zeros((D,), dtype=jnp.float32)
    W1 = jax.random.normal(ks[3], (D, D), dtype=jnp.float32) * 0.05
    b1 = jnp.zeros((D,), dtype=jnp.float32)
    Wd = jax.random.normal(ks[4], (D, D), dtype=jnp.float32) * 0.05
    return {"features": features, "edge_index": edge_index, "W0": W0, "b0": b0, "W1": W1, "b1": b1, "Wd": Wd}


def _gcn_layer(x, src, dst, norm, W, b):
    # symmetric-normalized GraphConv: D^-1/2 A D^-1/2 X W + b
    m = x[src] * norm[src][:, None]
    agg = jnp.zeros_like(x).at[dst].add(m)
    h = agg * norm[:, None]
    return h @ W + b


def _encode(x, src, dst, norm, W0, b0, W1, b1):
    h = jax.nn.relu(_gcn_layer(x, src, dst, norm, W0, b0))
    h = _gcn_layer(h, src, dst, norm, W1, b1)
    return h


def reference(features, edge_index, W0, b0, W1, b1, Wd):
    src = edge_index[0]
    dst = edge_index[1]
    n = features.shape[0]
    deg = jnp.zeros((n,), dtype=jnp.float32).at[dst].add(1.0)
    norm = jnp.where(deg > 0, jax.lax.rsqrt(jnp.maximum(deg, 1.0)), 0.0)
    # positive: encode real features
    pos = _encode(features, src, dst, norm, W0, b0, W1, b1)
    # negative: corrupt by permuting node features (fixed permutation)
    perm = jax.random.permutation(jax.random.key(42), n)
    neg = _encode(features[perm], src, dst, norm, W0, b0, W1, b1)
    # readout summary from positive embeddings
    summary = jax.nn.sigmoid(jnp.mean(pos, axis=0))
    # bilinear discriminator: h @ (Wd @ s)
    ws = Wd @ summary
    pos_logits = pos @ ws
    neg_logits = neg @ ws
    # BCEWithLogits: target=1 -> softplus(-x); target=0 -> softplus(x)
    l1 = jnp.mean(jax.nn.softplus(-pos_logits))
    l2 = jnp.mean(jax.nn.softplus(neg_logits))
    return l1 + l2

if __name__ == "__main__":
    import jax
    _d = setup_inputs()
    print(jax.jit(kernel)(*tuple(_d.values())))

</pallas_src>

<mosaic_0001>
#map = affine_map<(d0, d1) -> (0, 0, 0)>
#map1 = affine_map<(d0, d1) -> (0, 0)>
module attributes {stable_mosaic.version = 14 : i64} {
  func.func @body(%arg0: i32, %arg1: i32, %arg2: memref<32x3x128xi32, #tpu.memory_space<hbm>>, %arg3: memref<10000x128xf32, #tpu.memory_space<hbm>>, %arg4: memref<12288x128xf32, #tpu.memory_space<hbm>>, %arg5: memref<8x128xi32, #tpu.memory_space<vmem>>, %arg6: memref<128x128xf32, #tpu.memory_space<vmem>>, %arg7: memref<128x128xf32, #tpu.memory_space<vmem>>, %arg8: memref<!tpu.dma_semaphore, #tpu.memory_space<semaphore_mem>>) attributes {dimension_semantics = [#tpu.dimension_semantics<core_parallel>, #tpu.dimension_semantics<subcore_parallel>], iteration_bounds = array<i64: 2, 16>, scalar_prefetch = 0 : i64, scratch_operands = 4 : i64, tpu.core_type = #tpu.core_type<sc_vector_subcore>, window_params = [{transform_indices = #map}, {transform_indices = #map1}, {transform_indices = #map1}]} {
    %mul3A = arith.constant 16 : i32
    %mul3A_0 = arith.muli %arg0, %mul3A : i32
    %add3A = arith.addi %mul3A_0, %arg1 : i32
    "tpu.region"() ({
      %run_scoped3A = tpu.sem_alloc : memref<!tpu.dma_semaphore, #tpu.memory_space<semaphore_mem>>
      %dma_start3A_59 = arith.constant 0 : i32
      %dma_start3A_60 = arith.constant 0 : i32
      %dma_start3A_61 = tpu.memref_slice %arg5[%dma_start3A_59, %dma_start3A_60] : memref<8x128xi32, #tpu.memory_space<vmem>> -> memref<3x128xi32, #tpu.memory_space<vmem>>
      %dma_start3A_62 = arith.constant 0 : i32
      %dma_start3A_63 = arith.constant 0 : i32
      %dma_start3A_64 = tpu.memref_slice %arg2[%add3A, %dma_start3A_62, %dma_start3A_63] : memref<32x3x128xi32, #tpu.memory_space<hbm>> -> memref<1x3x128xi32, #tpu.memory_space<hbm>>
      %dma_start3A_65 = tpu.memref_squeeze %dma_start3A_64 : memref<1x3x128xi32, #tpu.memory_space<hbm>> -> memref<3x128xi32, #tpu.memory_space<hbm>>
      %dma_start3A_66 = arith.constant 0 : i32
      %dma_start3A_67 = arith.constant 0 : i32
      %dma_start3A_68 = tpu.memref_slice %arg5[%dma_start3A_66, %dma_start3A_67] : memref<8x128xi32, #tpu.memory_space<vmem>> -> memref<3x128xi32, #tpu.memory_space<vmem>>
      %dma_start3A_69 = arith.constant 0 : i32
      %dma_start3A_70 = arith.constant 0 : i32
      %dma_start3A_71 = tpu.memref_slice %arg2[%add3A, %dma_start3A_69, %dma_start3A_70] : memref<32x3x128xi32, #tpu.memory_space<hbm>> -> memref<1x3x128xi32, #tpu.memory_space<hbm>>
      %dma_start3A_72 = tpu.memref_squeeze %dma_start3A_71 : memref<1x3x128xi32, #tpu.memory_space<hbm>> -> memref<3x128xi32, #tpu.memory_space<hbm>>
      tpu.enqueue_dma source(%dma_start3A_72 : memref<3x128xi32, #tpu.memory_space<hbm>>) target(%dma_start3A_68 : memref<3x128xi32, #tpu.memory_space<vmem>>) target_semaphore(%run_scoped3A : memref<!tpu.dma_semaphore, #tpu.memory_space<semaphore_mem>>)
      %dma_wait3A_73 = arith.constant 0 : i32
      %dma_wait3A_74 = arith.constant 0 : i32
      %dma_wait3A_75 = tpu.memref_slice %arg5[%dma_wait3A_73, %dma_wait3A_74] : memref<8x128xi32, #tpu.memory_space<vmem>> -> memref<3x128xi32, #tpu.memory_space<vmem>>
      %dma_wait3A_76 = arith.constant 0 : i32
      %dma_wait3A_77 = arith.constant 0 : i32
      %dma_wait3A_78 = tpu.memref_slice %arg2[%add3A, %dma_wait3A_76, %dma_wait3A_77] : memref<32x3x128xi32, #tpu.memory_space<hbm>> -> memref<1x3x128xi32, #tpu.memory_space<hbm>>
      %dma_wait3A_79 = tpu.memref_squeeze %dma_wait3A_78 : memref<1x3x128xi32, #tpu.memory_space<hbm>> -> memref<3x128xi32, #tpu.memory_space<hbm>>
      %dma_wait3A_80 = arith.constant 0 : i32
      %dma_wait3A_81 = arith.constant 0 : i32
      %dma_wait3A_82 = tpu.memref_slice %arg5[%dma_wait3A_80, %dma_wait3A_81] : memref<8x128xi32, #tpu.memory_space<vmem>> -> memref<3x128xi32, #tpu.memory_space<vmem>>
      %dma_wait3A_83 = arith.constant 0 : i32
      %dma_wait3A_84 = arith.constant 0 : i32
      %dma_wait3A_85 = tpu.memref_slice %arg2[%add3A, %dma_wait3A_83, %dma_wait3A_84] : memref<32x3x128xi32, #tpu.memory_space<hbm>> -> memref<1x3x128xi32, #tpu.memory_space<hbm>>
      %dma_wait3A_86 = tpu.memref_squeeze %dma_wait3A_85 : memref<1x3x128xi32, #tpu.memory_space<hbm>> -> memref<3x128xi32, #tpu.memory_space<hbm>>
      tpu.wait_dma2 semaphore(%run_scoped3A : memref<!tpu.dma_semaphore, #tpu.memory_space<semaphore_mem>>) src(%dma_wait3A_86 : memref<3x128xi32, #tpu.memory_space<hbm>>) dst(%dma_wait3A_82 : memref<3x128xi32, #tpu.memory_space<vmem>>)
      tpu.yield
    }) : () -> ()
    %dma_start3A = arith.constant 0 : i32
    %dma_start3A_1 = arith.constant 0 : i32
    %dma_start3A_2 = tpu.memref_slice %arg5[%dma_start3A, %dma_start3A_1] : memref<8x128xi32, #tpu.memory_space<vmem>> -> memref<1x128xi32, #tpu.memory_space<vmem>>
    %dma_start3A_3 = tpu.memref_squeeze %dma_start3A_2 : memref<1x128xi32, #tpu.memory_space<vmem>> -> memref<128xi32, #tpu.memory_space<vmem>>
    %dma_start3A_4 = arith.constant 0 : i32
    %dma_start3A_5 = arith.constant 0 : i32
    %dma_start3A_6 = tpu.memref_slice %arg3[%dma_start3A_4, %dma_start3A_5] : memref<10000x128xf32, #tpu.memory_space<hbm>> -> memref<10000x128xf32, #tpu.memory_space<hbm>>
    tpu.enqueue_indirect_dma source(%dma_start3A_6 : memref<10000x128xf32, #tpu.memory_space<hbm>>) target(%arg6 : memref<128x128xf32, #tpu.memory_space<vmem>>) offsets(%dma_start3A_3 : memref<128xi32, #tpu.memory_space<vmem>>) semaphore(%arg8 : memref<!tpu.dma_semaphore, #tpu.memory_space<semaphore_mem>>)
    %dma_wait3A = arith.constant 0 : i32
    %dma_wait3A_7 = arith.constant 0 : i32
    %dma_wait3A_8 = tpu.memref_slice %arg5[%dma_wait3A, %dma_wait3A_7] : memref<8x128xi32, #tpu.memory_space<vmem>> -> memref<1x128xi32, #tpu.memory_space<vmem>>
    %dma_wait3A_9 = tpu.memref_squeeze %dma_wait3A_8 : memref<1x128xi32, #tpu.memory_space<vmem>> -> memref<128xi32, #tpu.memory_space<vmem>>
    %dma_wait3A_10 = arith.constant 0 : i32
    %dma_wait3A_11 = arith.constant 0 : i32
    %dma_wait3A_12 = tpu.memref_slice %arg3[%dma_wait3A_10, %dma_wait3A_11] : memref<10000x128xf32, #tpu.memory_space<hbm>> -> memref<10000x128xf32, #tpu.memory_space<hbm>>
    tpu.wait_indirect_dma semaphore(%arg8 : memref<!tpu.dma_semaphore, #tpu.memory_space<semaphore_mem>>) src(%dma_wait3A_12 : memref<10000x128xf32, #tpu.memory_space<hbm>>) dst(%arg6 : memref<128x128xf32, #tpu.memory_space<vmem>>)
    %mul3A_13 = arith.constant 3 : i32
    %mul3A_14 = arith.muli %add3A, %mul3A_13 : i32
    %mul3A_15 = arith.constant 128 : i32
    %mul3A_16 = arith.muli %mul3A_14, %mul3A_15 : i32
    %add3A_17 = arith.constant 0 : i32
    %add3A_18 = arith.addi %mul3A_16, %add3A_17 : i32
    "tpu.region"() ({
      %run_scoped3A = tpu.sem_alloc : memref<!tpu.dma_semaphore, #tpu.memory_space<semaphore_mem>>
      %dma_start3A_59 = arith.constant 0 : i32
      %dma_start3A_60 = tpu.memref_slice %arg4[%add3A_18, %dma_start3A_59] : memref<12288x128xf32, #tpu.memory_space<hbm>> -> memref<128x128xf32, #tpu.memory_space<hbm>>
      %dma_start3A_61 = arith.constant 0 : i32
      %dma_start3A_62 = tpu.memref_slice %arg4[%add3A_18, %dma_start3A_61] : memref<12288x128xf32, #tpu.memory_space<hbm>> -> memref<128x128xf32, #tpu.memory_space<hbm>>
      tpu.enqueue_dma source(%arg6 : memref<128x128xf32, #tpu.memory_space<vmem>>) target(%dma_start3A_62 : memref<128x128xf32, #tpu.memory_space<hbm>>) target_semaphore(%run_scoped3A : memref<!tpu.dma_semaphore, #tpu.memory_space<semaphore_mem>>)
      %dma_wait3A_63 = arith.constant 0 : i32
      %dma_wait3A_64 = tpu.memref_slice %arg4[%add3A_18, %dma_wait3A_63] : memref<12288x128xf32, #tpu.memory_space<hbm>> -> memref<128x128xf32, #tpu.memory_space<hbm>>
      %dma_wait3A_65 = arith.constant 0 : i32
      %dma_wait3A_66 = tpu.memref_slice %arg4[%add3A_18, %dma_wait3A_65] : memref<12288x128xf32, #tpu.memory_space<hbm>> -> memref<128x128xf32, #tpu.memory_space<hbm>>
      tpu.wait_dma2 semaphore(%run_scoped3A : memref<!tpu.dma_semaphore, #tpu.memory_space<semaphore_mem>>) src(%arg6 : memref<128x128xf32, #tpu.memory_space<vmem>>) dst(%dma_wait3A_66 : memref<128x128xf32, #tpu.memory_space<hbm>>)
      tpu.yield
    }) : () -> ()
    %dma_start3A_19 = arith.constant 1 : i32
    %dma_start3A_20 = arith.constant 0 : i32
    %dma_start3A_21 = tpu.memref_slice %arg5[%dma_start3A_19, %dma_start3A_20] : memref<8x128xi32, #tpu.memory_space<vmem>> -> memref<1x128xi32, #tpu.memory_space<vmem>>
    %dma_start3A_22 = tpu.memref_squeeze %dma_start3A_21 : memref<1x128xi32, #tpu.memory_space<vmem>> -> memref<128xi32, #tpu.memory_space<vmem>>
    %dma_start3A_23 = arith.constant 0 : i32
    %dma_start3A_24 = arith.constant 0 : i32
    %dma_start3A_25 = tpu.memref_slice %arg3[%dma_start3A_23, %dma_start3A_24] : memref<10000x128xf32, #tpu.memory_space<hbm>> -> memref<10000x128xf32, #tpu.memory_space<hbm>>
    tpu.enqueue_indirect_dma source(%dma_start3A_25 : memref<10000x128xf32, #tpu.memory_space<hbm>>) target(%arg7 : memref<128x128xf32, #tpu.memory_space<vmem>>) offsets(%dma_start3A_22 : memref<128xi32, #tpu.memory_space<vmem>>) semaphore(%arg8 : memref<!tpu.dma_semaphore, #tpu.memory_space<semaphore_mem>>)
    %dma_wait3A_26 = arith.constant 1 : i32
    %dma_wait3A_27 = arith.constant 0 : i32
    %dma_wait3A_28 = tpu.memref_slice %arg5[%dma_wait3A_26, %dma_wait3A_27] : memref<8x128xi32, #tpu.memory_space<vmem>> -> memref<1x128xi32, #tpu.memory_space<vmem>>
    %dma_wait3A_29 = tpu.memref_squeeze %dma_wait3A_28 : memref<1x128xi32, #tpu.memory_space<vmem>> -> memref<128xi32, #tpu.memory_space<vmem>>
    %dma_wait3A_30 = arith.constant 0 : i32
    %dma_wait3A_31 = arith.constant 0 : i32
    %dma_wait3A_32 = tpu.memref_slice %arg3[%dma_wait3A_30, %dma_wait3A_31] : memref<10000x128xf32, #tpu.memory_space<hbm>> -> memref<10000x128xf32, #tpu.memory_space<hbm>>
    tpu.wait_indirect_dma semaphore(%arg8 : memref<!tpu.dma_semaphore, #tpu.memory_space<semaphore_mem>>) src(%dma_wait3A_32 : memref<10000x128xf32, #tpu.memory_space<hbm>>) dst(%arg7 : memref<128x128xf32, #tpu.memory_space<vmem>>)
    %mul3A_33 = arith.constant 3 : i32
    %mul3A_34 = arith.muli %add3A, %mul3A_33 : i32
    %mul3A_35 = arith.constant 128 : i32
    %mul3A_36 = arith.muli %mul3A_34, %mul3A_35 : i32
    %add3A_37 = arith.constant 128 : i32
    %add3A_38 = arith.addi %mul3A_36, %add3A_37 : i32
    "tpu.region"() ({
      %run_scoped3A = tpu.sem_alloc : memref<!tpu.dma_semaphore, #tpu.memory_space<semaphore_mem>>
      %dma_start3A_59 = arith.constant 0 : i32
      %dma_start3A_60 = tpu.memref_slice %arg4[%add3A_38, %dma_start3A_59] : memref<12288x128xf32, #tpu.memory_space<hbm>> -> memref<128x128xf32, #tpu.memory_space<hbm>>
      %dma_start3A_61 = arith.constant 0 : i32
      %dma_start3A_62 = tpu.memref_slice %arg4[%add3A_38, %dma_start3A_61] : memref<12288x128xf32, #tpu.memory_space<hbm>> -> memref<128x128xf32, #tpu.memory_space<hbm>>
      tpu.enqueue_dma source(%arg7 : memref<128x128xf32, #tpu.memory_space<vmem>>) target(%dma_start3A_62 : memref<128x128xf32, #tpu.memory_space<hbm>>) target_semaphore(%run_scoped3A : memref<!tpu.dma_semaphore, #tpu.memory_space<semaphore_mem>>)
      %dma_wait3A_63 = arith.constant 0 : i32
      %dma_wait3A_64 = tpu.memref_slice %arg4[%add3A_38, %dma_wait3A_63] : memref<12288x128xf32, #tpu.memory_space<hbm>> -> memref<128x128xf32, #tpu.memory_space<hbm>>
      %dma_wait3A_65 = arith.constant 0 : i32
      %dma_wait3A_66 = tpu.memref_slice %arg4[%add3A_38, %dma_wait3A_65] : memref<12288x128xf32, #tpu.memory_space<hbm>> -> memref<128x128xf32, #tpu.memory_space<hbm>>
      tpu.wait_dma2 semaphore(%run_scoped3A : memref<!tpu.dma_semaphore, #tpu.memory_space<semaphore_mem>>) src(%arg7 : memref<128x128xf32, #tpu.memory_space<vmem>>) dst(%dma_wait3A_66 : memref<128x128xf32, #tpu.memory_space<hbm>>)
      tpu.yield
    }) : () -> ()
    %dma_start3A_39 = arith.constant 2 : i32
    %dma_start3A_40 = arith.constant 0 : i32
    %dma_start3A_41 = tpu.memref_slice %arg5[%dma_start3A_39, %dma_start3A_40] : memref<8x128xi32, #tpu.memory_space<vmem>> -> memref<1x128xi32, #tpu.memory_space<vmem>>
    %dma_start3A_42 = tpu.memref_squeeze %dma_start3A_41 : memref<1x128xi32, #tpu.memory_space<vmem>> -> memref<128xi32, #tpu.memory_space<vmem>>
    %dma_start3A_43 = arith.constant 0 : i32
    %dma_start3A_44 = arith.constant 0 : i32
    %dma_start3A_45 = tpu.memref_slice %arg3[%dma_start3A_43, %dma_start3A_44] : memref<10000x128xf32, #tpu.memory_space<hbm>> -> memref<10000x128xf32, #tpu.memory_space<hbm>>
    tpu.enqueue_indirect_dma source(%dma_start3A_45 : memref<10000x128xf32, #tpu.memory_space<hbm>>) target(%arg6 : memref<128x128xf32, #tpu.memory_space<vmem>>) offsets(%dma_start3A_42 : memref<128xi32, #tpu.memory_space<vmem>>) semaphore(%arg8 : memref<!tpu.dma_semaphore, #tpu.memory_space<semaphore_mem>>)
    %dma_wait3A_46 = arith.constant 2 : i32
    %dma_wait3A_47 = arith.constant 0 : i32
    %dma_wait3A_48 = tpu.memref_slice %arg5[%dma_wait3A_46, %dma_wait3A_47] : memref<8x128xi32, #tpu.memory_space<vmem>> -> memref<1x128xi32, #tpu.memory_space<vmem>>
    %dma_wait3A_49 = tpu.memref_squeeze %dma_wait3A_48 : memref<1x128xi32, #tpu.memory_space<vmem>> -> memref<128xi32, #tpu.memory_space<vmem>>
    %dma_wait3A_50 = arith.constant 0 : i32
    %dma_wait3A_51 = arith.constant 0 : i32
    %dma_wait3A_52 = tpu.memref_slice %arg3[%dma_wait3A_50, %dma_wait3A_51] : memref<10000x128xf32, #tpu.memory_space<hbm>> -> memref<10000x128xf32, #tpu.memory_space<hbm>>
    tpu.wait_indirect_dma semaphore(%arg8 : memref<!tpu.dma_semaphore, #tpu.memory_space<semaphore_mem>>) src(%dma_wait3A_52 : memref<10000x128xf32, #tpu.memory_space<hbm>>) dst(%arg6 : memref<128x128xf32, #tpu.memory_space<vmem>>)
    %mul3A_53 = arith.constant 3 : i32
    %mul3A_54 = arith.muli %add3A, %mul3A_53 : i32
    %mul3A_55 = arith.constant 128 : i32
    %mul3A_56 = arith.muli %mul3A_54, %mul3A_55 : i32
    %add3A_57 = arith.constant 256 : i32
    %add3A_58 = arith.addi %mul3A_56, %add3A_57 : i32
    "tpu.region"() ({
      %run_scoped3A = tpu.sem_alloc : memref<!tpu.dma_semaphore, #tpu.memory_space<semaphore_mem>>
      %dma_start3A_59 = arith.constant 0 : i32
      %dma_start3A_60 = tpu.memref_slice %arg4[%add3A_58, %dma_start3A_59] : memref<12288x128xf32, #tpu.memory_space<hbm>> -> memref<128x128xf32, #tpu.memory_space<hbm>>
      %dma_start3A_61 = arith.constant 0 : i32
      %dma_start3A_62 = tpu.memref_slice %arg4[%add3A_58, %dma_start3A_61] : memref<12288x128xf32, #tpu.memory_space<hbm>> -> memref<128x128xf32, #tpu.memory_space<hbm>>
      tpu.enqueue_dma source(%arg6 : memref<128x128xf32, #tpu.memory_space<vmem>>) target(%dma_start3A_62 : memref<128x128xf32, #tpu.memory_space<hbm>>) target_semaphore(%run_scoped3A : memref<!tpu.dma_semaphore, #tpu.memory_space<semaphore_mem>>)
      %dma_wait3A_63 = arith.constant 0 : i32
      %dma_wait3A_64 = tpu.memref_slice %arg4[%add3A_58, %dma_wait3A_63] : memref<12288x128xf32, #tpu.memory_space<hbm>> -> memref<128x128xf32, #tpu.memory_space<hbm>>
      %dma_wait3A_65 = arith.constant 0 : i32
      %dma_wait3A_66 = tpu.memref_slice %arg4[%add3A_58, %dma_wait3A_65] : memref<12288x128xf32, #tpu.memory_space<hbm>> -> memref<128x128xf32, #tpu.memory_space<hbm>>
      tpu.wait_dma2 semaphore(%run_scoped3A : memref<!tpu.dma_semaphore, #tpu.memory_space<semaphore_mem>>) src(%arg6 : memref<128x128xf32, #tpu.memory_space<vmem>>) dst(%dma_wait3A_66 : memref<128x128xf32, #tpu.memory_space<hbm>>)
      tpu.yield
    }) : () -> ()
    return
  }
}

#map = affine_map<(d0, d1) -> (0, 0)>
#map1 = affine_map<(d0, d1) -> (0, 0, 0)>
module attributes {stable_mosaic.version = 14 : i64} {
  func.func @body(%arg0: i32, %arg1: i32, %arg2: memref<20480x128xf32, #tpu.memory_space<hbm>>, %arg3: memref<32x160x128xi32, #tpu.memory_space<hbm>>, %arg4: memref<16x160x128xi32, #tpu.memory_space<hbm>>, %arg5: memref<640x128xf32, #tpu.memory_space<hbm>>, %arg6: memref<20480x128xf32, #tpu.memory_space<hbm>>, %arg7: memref<10240x128xf32, #tpu.memory_space<vmem_shared>>, %arg8: memref<16x128xi32, #tpu.memory_space<vmem>>, %arg9: memref<16x128xi32, #tpu.memory_space<vmem>>, %arg10: memref<16x128xi32, #tpu.memory_space<vmem>>, %arg11: memref<16x128xi32, #tpu.memory_space<vmem>>, %arg12: memref<128x128xf32, #tpu.memory_space<vmem>>, %arg13: memref<128x128xf32, #tpu.memory_space<vmem>>, %arg14: memref<!tpu.dma_semaphore, #tpu.memory_space<semaphore_mem>>, %arg15: memref<!tpu.dma_semaphore, #tpu.memory_space<semaphore_mem>>, %arg16: memref<!tpu.dma_semaphore, #tpu.memory_space<semaphore_mem>>) attributes {dimension_semantics = [#tpu.dimension_semantics<core_parallel>, #tpu.dimension_semantics<subcore_parallel>], iteration_bounds = array<i64: 2, 16>, scalar_prefetch = 0 : i64, scratch_operands = 10 : i64, tpu.core_type = #tpu.core_type<sc_vector_subcore>, window_params = [{transform_indices = #map}, {transform_indices = #map1}, {transform_indices = #map1}, {transform_indices = #map}, {transform_indices = #map}]} {
    %mul3A = arith.constant 16 : i32
    %mul3A_0 = arith.muli %arg0, %mul3A : i32
    %add3A = arith.addi %mul3A_0, %arg1 : i32
    %mul3A_1 = arith.constant 640 : i32
    %mul3A_2 = arith.muli %arg1, %mul3A_1 : i32
    "tpu.region"() ({
      %run_scoped3A = tpu.sem_alloc : memref<!tpu.dma_semaphore, #tpu.memory_space<semaphore_mem>>
      %dma_start3A = arith.constant 0 : i32
      %dma_start3A_12 = tpu.memref_slice %arg7[%mul3A_2, %dma_start3A] : memref<10240x128xf32, #tpu.memory_space<vmem_shared>> -> memref<640x128xf32, #tpu.memory_space<vmem_shared>>
      tpu.enqueue_dma source(%arg5 : memref<640x128xf32, #tpu.memory_space<hbm>>) target(%dma_start3A_12 : memref<640x128xf32, #tpu.memory_space<vmem_shared>>) target_semaphore(%run_scoped3A : memref<!tpu.dma_semaphore, #tpu.memory_space<semaphore_mem>>)
      %dma_wait3A = arith.constant 0 : i32
      %dma_wait3A_13 = tpu.memref_slice %arg7[%mul3A_2, %dma_wait3A] : memref<10240x128xf32, #tpu.memory_space<vmem_shared>> -> memref<640x128xf32, #tpu.memory_space<vmem_shared>>
      tpu.wait_dma2 semaphore(%run_scoped3A : memref<!tpu.dma_semaphore, #tpu.memory_space<semaphore_mem>>) src(%arg5 : memref<640x128xf32, #tpu.memory_space<hbm>>) dst(%dma_wait3A_13 : memref<640x128xf32, #tpu.memory_space<vmem_shared>>)
      tpu.yield
    }) : () -> ()
    "tpu.region"() ({
      %run_scoped3A = tpu.sem_alloc : memref<!tpu.dma_semaphore, #tpu.memory_space<semaphore_mem>>
      %dma_start3A = arith.constant 0 : i32
      %dma_start3A_12 = arith.constant 0 : i32
      %dma_start3A_13 = tpu.memref_slice %arg3[%add3A, %dma_start3A, %dma_start3A_12] : memref<32x160x128xi32, #tpu.memory_space<hbm>> -> memref<1x16x128xi32, #tpu.memory_space<hbm>>
      %dma_start3A_14 = tpu.memref_squeeze %dma_start3A_13 : memref<1x16x128xi32, #tpu.memory_space<hbm>> -> memref<16x128xi32, #tpu.memory_space<hbm>>
      %dma_start3A_15 = arith.constant 0 : i32
      %dma_start3A_16 = arith.constant 0 : i32
      %dma_start3A_17 = tpu.memref_slice %arg3[%add3A, %dma_start3A_15, %dma_start3A_16] : memref<32x160x128xi32, #tpu.memory_space<hbm>> -> memref<1x16x128xi32, #tpu.memory_space<hbm>>
      %dma_start3A_18 = tpu.memref_squeeze %dma_start3A_17 : memref<1x16x128xi32, #tpu.memory_space<hbm>> -> memref<16x128xi32, #tpu.memory_space<hbm>>
      tpu.enqueue_dma source(%dma_start3A_18 : memref<16x128xi32, #tpu.memory_space<hbm>>) target(%arg8 : memref<16x128xi32, #tpu.memory_space<vmem>>) target_semaphore(%run_scoped3A : memref<!tpu.dma_semaphore, #tpu.memory_space<semaphore_mem>>)
      %dma_wait3A = arith.constant 0 : i32
      %dma_wait3A_19 = arith.constant 0 : i32
      %dma_wait3A_20 = tpu.memref_slice %arg3[%add3A, %dma_wait3A, %dma_wait3A_19] : memref<32x160x128xi32, #tpu.memory_space<hbm>> -> memref<1x16x128xi32, #tpu.memory_space<hbm>>
      %dma_wait3A_21 = tpu.memref_squeeze %dma_wait3A_20 : memref<1x16x128xi32, #tpu.memory_space<hbm>> -> memref<16x128xi32, #tpu.memory_space<hbm>>
      %dma_wait3A_22 = arith.constant 0 : i32
      %dma_wait3A_23 = arith.constant 0 : i32
      %dma_wait3A_24 = tpu.memref_slice %arg3[%add3A, %dma_wait3A_22, %dma_wait3A_23] : memref<32x160x128xi32, #tpu.memory_space<hbm>> -> memref<1x16x128xi32, #tpu.memory_space<hbm>>
      %dma_wait3A_25 = tpu.memref_squeeze %dma_wait3A_24 : memref<1x16x128xi32, #tpu.memory_space<hbm>> -> memref<16x128xi32, #tpu.memory_space<hbm>>
      tpu.wait_dma2 semaphore(%run_scoped3A : memref<!tpu.dma_semaphore, #tpu.memory_space<semaphore_mem>>) src(%dma_wait3A_25 : memref<16x128xi32, #tpu.memory_space<hbm>>) dst(%arg8 : memref<16x128xi32, #tpu.memory_space<vmem>>)
      tpu.yield
    }) : () -> ()
    "tpu.region"() ({
      %run_scoped3A = tpu.sem_alloc : memref<!tpu.dma_semaphore, #tpu.memory_space<semaphore_mem>>
      %dma_start3A = arith.constant 0 : i32
      %dma_start3A_12 = arith.constant 0 : i32
      %dma_start3A_13 = tpu.memref_slice %arg4[%arg1, %dma_start3A, %dma_start3A_12] : memref<16x160x128xi32, #tpu.memory_space<hbm>> -> memref<1x16x128xi32, #tpu.memory_space<hbm>>
      %dma_start3A_14 = tpu.memref_squeeze %dma_start3A_13 : memref<1x16x128xi32, #tpu.memory_space<hbm>> -> memref<16x128xi32, #tpu.memory_space<hbm>>
      %dma_start3A_15 = arith.constant 0 : i32
      %dma_start3A_16 = arith.constant 0 : i32
      %dma_start3A_17 = tpu.memref_slice %arg4[%arg1, %dma_start3A_15, %dma_start3A_16] : memref<16x160x128xi32, #tpu.memory_space<hbm>> -> memref<1x16x128xi32, #tpu.memory_space<hbm>>
      %dma_start3A_18 = tpu.memref_squeeze %dma_start3A_17 : memref<1x16x128xi32, #tpu.memory_space<hbm>> -> memref<16x128xi32, #tpu.memory_space<hbm>>
      tpu.enqueue_dma source(%dma_start3A_18 : memref<16x128xi32, #tpu.memory_space<hbm>>) target(%arg9 : memref<16x128xi32, #tpu.memory_space<vmem>>) target_semaphore(%run_scoped3A : memref<!tpu.dma_semaphore, #tpu.memory_space<semaphore_mem>>)
      %dma_wait3A = arith.constant 0 : i32
      %dma_wait3A_19 = arith.constant 0 : i32
      %dma_wait3A_20 = tpu.memref_slice %arg4[%arg1, %dma_wait3A, %dma_wait3A_19] : memref<16x160x128xi32, #tpu.memory_space<hbm>> -> memref<1x16x128xi32, #tpu.memory_space<hbm>>
      %dma_wait3A_21 = tpu.memref_squeeze %dma_wait3A_20 : memref<1x16x128xi32, #tpu.memory_space<hbm>> -> memref<16x128xi32, #tpu.memory_space<hbm>>
      %dma_wait3A_22 = arith.constant 0 : i32
      %dma_wait3A_23 = arith.constant 0 : i32
      %dma_wait3A_24 = tpu.memref_slice %arg4[%arg1, %dma_wait3A_22, %dma_wait3A_23] : memref<16x160x128xi32, #tpu.memory_space<hbm>> -> memref<1x16x128xi32, #tpu.memory_space<hbm>>
      %dma_wait3A_25 = tpu.memref_squeeze %dma_wait3A_24 : memref<1x16x128xi32, #tpu.memory_space<hbm>> -> memref<16x128xi32, #tpu.memory_space<hbm>>
      tpu.wait_dma2 semaphore(%run_scoped3A : memref<!tpu.dma_semaphore, #tpu.memory_space<semaphore_mem>>) src(%dma_wait3A_25 : memref<16x128xi32, #tpu.memory_space<hbm>>) dst(%arg9 : memref<16x128xi32, #tpu.memory_space<vmem>>)
      tpu.yield
    }) : () -> ()
    %barrier3A = arith.constant 0 : index
    tpu.barrier barrier_id(%barrier3A)
    %scan3A = arith.constant 0 : i32
    %scan3A_3 = arith.constant 0 : i32
    %scan3A_4 = arith.constant 5 : i32
    %scan3A_5 = arith.addi %scan3A_3, %scan3A_4 : i32
    %scan3A_6 = arith.constant 1 : i32
    scf.for %scan3A_12 = %scan3A_3 to %scan3A_5 step %scan3A_6  : i32 {
      %mul3A_13 = arith.constant 2 : i32
      %mul3A_14 = arith.muli %mul3A_13, %scan3A_12 : i32
      %add3A_15 = arith.constant 1 : i32
      %add3A_16 = arith.addi %mul3A_14, %add3A_15 : i32
      %mul3A_17 = arith.constant 16 : i32
      %mul3A_18 = arith.muli %add3A_16, %mul3A_17 : i32
      %dma_start3A = arith.constant 0 : i32
      %dma_start3A_19 = tpu.memref_slice %arg3[%add3A, %mul3A_18, %dma_start3A] : memref<32x160x128xi32, #tpu.memory_space<hbm>> -> memref<1x16x128xi32, #tpu.memory_space<hbm>>
      %dma_start3A_20 = tpu.memref_squeeze %dma_start3A_19 : memref<1x16x128xi32, #tpu.memory_space<hbm>> -> memref<16x128xi32, #tpu.memory_space<hbm>>
      %dma_start3A_21 = arith.constant 0 : i32
      %dma_start3A_22 = tpu.memref_slice %arg3[%add3A, %mul3A_18, %dma_start3A_21] : memref<32x160x128xi32, #tpu.memory_space<hbm>> -> memref<1x16x128xi32, #tpu.memory_space<hbm>>
      %dma_start3A_23 = tpu.memref_squeeze %dma_start3A_22 : memref<1x16x128xi32, #tpu.memory_space<hbm>> -> memref<16x128xi32, #tpu.memory_space<hbm>>
      tpu.enqueue_dma source(%dma_start3A_23 : memref<16x128xi32, #tpu.memory_space<hbm>>) target(%arg10 : memref<16x128xi32, #tpu.memory_space<vmem>>) target_semaphore(%arg16 : memref<!tpu.dma_semaphore, #tpu.memory_space<semaphore_mem>>)
      %mul3A_24 = arith.constant 16 : i32
      %mul3A_25 = arith.muli %add3A_16, %mul3A_24 : i32
      %dma_start3A_26 = arith.constant 0 : i32
      %dma_start3A_27 = tpu.memref_slice %arg4[%arg1, %mul3A_25, %dma_start3A_26] : memref<16x160x128xi32, #tpu.memory_space<hbm>> -> memref<1x16x128xi32, #tpu.memory_space<hbm>>
      %dma_start3A_28 = tpu.memref_squeeze %dma_start3A_27 : memref<1x16x128xi32, #tpu.memory_space<hbm>> -> memref<16x128xi32, #tpu.memory_space<hbm>>
      %dma_start3A_29 = arith.constant 0 : i32
      %dma_start3A_30 = tpu.memref_slice %arg4[%arg1, %mul3A_25, %dma_start3A_29] : memref<16x160x128xi32, #tpu.memory_space<hbm>> -> memref<1x16x128xi32, #tpu.memory_space<hbm>>
      %dma_start3A_31 = tpu.memref_squeeze %dma_start3A_30 : memref<1x16x128xi32, #tpu.memory_space<hbm>> -> memref<16x128xi32, #tpu.memory_space<hbm>>
      tpu.enqueue_dma source(%dma_start3A_31 : memref<16x128xi32, #tpu.memory_space<hbm>>) target(%arg11 : memref<16x128xi32, #tpu.memory_space<vmem>>) target_semaphore(%arg16 : memref<!tpu.dma_semaphore, #tpu.memory_space<semaphore_mem>>)
      %dma_start3A_32 = arith.constant 0 : i32
      %dma_start3A_33 = arith.constant 0 : i32
      %dma_start3A_34 = tpu.memref_slice %arg8[%dma_start3A_32, %dma_start3A_33] : memref<16x128xi32, #tpu.memory_space<vmem>> -> memref<1x128xi32, #tpu.memory_space<vmem>>
      %dma_start3A_35 = tpu.memref_squeeze %dma_start3A_34 : memref<1x128xi32, #tpu.memory_space<vmem>> -> memref<128xi32, #tpu.memory_space<vmem>>
      %dma_start3A_36 = arith.constant 0 : i32
      %dma_start3A_37 = arith.constant 0 : i32
      %dma_start3A_38 = tpu.memref_slice %arg2[%dma_start3A_36, %dma_start3A_37] : memref<20480x128xf32, #tpu.memory_space<hbm>> -> memref<20480x128xf32, #tpu.memory_space<hbm>>
      tpu.enqueue_indirect_dma source(%dma_start3A_38 : memref<20480x128xf32, #tpu.memory_space<hbm>>) target(%arg12 : memref<128x128xf32, #tpu.memory_space<vmem>>) offsets(%dma_start3A_35 : memref<128xi32, #tpu.memory_space<vmem>>) semaphore(%arg14 : memref<!tpu.dma_semaphore, #tpu.memory_space<semaphore_mem>>)
      %scan3A_39 = arith.constant 0 : i32
      %scan3A_40 = arith.constant 0 : i32
      %scan3A_41 = arith.constant 8 : i32
      %scan3A_42 = arith.addi %scan3A_40, %scan3A_41 : i32
      %scan3A_43 = arith.constant 1 : i32
      scf.for %scan3A_96 = %scan3A_40 to %scan3A_42 step %scan3A_43  : i32 {
        %mul3A_97 = arith.constant 2 : i32
        %mul3A_98 = arith.muli %mul3A_97, %scan3A_96 : i32
        %dma_wait3A_99 = arith.constant 0 : i32
        %dma_wait3A_100 = arith.constant 0 : i32
        %dma_wait3A_101 = tpu.memref_slice %arg5[%dma_wait3A_99, %dma_wait3A_100] : memref<640x128xf32, #tpu.memory_space<hbm>> -> memref<128x128xf32, #tpu.memory_space<hbm>>
        %dma_wait3A_102 = arith.constant 0 : i32
        %dma_wait3A_103 = arith.constant 0 : i32
        %dma_wait3A_104 = tpu.memref_slice %arg5[%dma_wait3A_102, %dma_wait3A_103] : memref<640x128xf32, #tpu.memory_space<hbm>> -> memref<128x128xf32, #tpu.memory_space<hbm>>
        tpu.wait_dma2 semaphore(%arg14 : memref<!tpu.dma_semaphore, #tpu.memory_space<semaphore_mem>>) src(%dma_wait3A_104 : memref<128x128xf32, #tpu.memory_space<hbm>>) dst(%arg12 : memref<128x128xf32, #tpu.memory_space<vmem>>)
        %gt3A = arith.constant 0 : i32
        %gt3A_105 = arith.cmpi sgt, %scan3A_96, %gt3A : i32
        %convert_element_type3A_106 = arith.extui %gt3A_105 : i1 to i32
        %cond3A_107 = arith.constant 0 : i32
        %cond3A_108 = arith.cmpi ne, %convert_element_type3A_106, %cond3A_107 : i32
        scf.if %cond3A_108 {
          %dma_wait3A_150 = arith.constant 0 : i32
          %dma_wait3A_151 = arith.constant 0 : i32
          %dma_wait3A_152 = tpu.memref_slice %arg7[%dma_wait3A_150, %dma_wait3A_151] : memref<10240x128xf32, #tpu.memory_space<vmem_shared>> -> memref<128x128xf32, #tpu.memory_space<vmem_shared>>
          %dma_wait3A_153 = arith.constant 0 : i32
          %dma_wait3A_154 = arith.constant 0 : i32
          %dma_wait3A_155 = tpu.memref_slice %arg7[%dma_wait3A_153, %dma_wait3A_154] : memref<10240x128xf32, #tpu.memory_space<vmem_shared>> -> memref<128x128xf32, #tpu.memory_space<vmem_shared>>
          tpu.wait_dma2 semaphore(%arg15 : memref<!tpu.dma_semaphore, #tpu.memory_space<semaphore_mem>>) src(%arg12 : memref<128x128xf32, #tpu.memory_space<vmem>>) dst(%dma_wait3A_155 : memref<128x128xf32, #tpu.memory_space<vmem_shared>>)
        } else {
        }
        %add3A_109 = arith.constant 1 : i32
        %add3A_110 = arith.addi %mul3A_98, %add3A_109 : i32
        %dma_start3A_111 = arith.constant 0 : i32
        %dma_start3A_112 = tpu.memref_slice %arg8[%add3A_110, %dma_start3A_111] : memref<16x128xi32, #tpu.memory_space<vmem>> -> memref<1x128xi32, #tpu.memory_space<vmem>>
        %dma_start3A_113 = tpu.memref_squeeze %dma_start3A_112 : memref<1x128xi32, #tpu.memory_space<vmem>> -> memref<128xi32, #tpu.memory_space<vmem>>
        %dma_start3A_114 = arith.constant 0 : i32
        %dma_start3A_115 = arith.constant 0 : i32
        %dma_start3A_116 = tpu.memref_slice %arg2[%dma_start3A_114, %dma_start3A_115] : memref<20480x128xf32, #tpu.memory_space<hbm>> -> memref<20480x128xf32, #tpu.memory_space<hbm>>
        tpu.enqueue_indirect_dma source(%dma_start3A_116 : memref<20480x128xf32, #tpu.memory_space<hbm>>) target(%arg13 : memref<128x128xf32, #tpu.memory_space<vmem>>) offsets(%dma_start3A_113 : memref<128xi32, #tpu.memory_space<vmem>>) semaphore(%arg14 : memref<!tpu.dma_semaphore, #tpu.memory_space<semaphore_mem>>)
        %dma_start3A_117 = arith.constant 0 : i32
        %dma_start3A_118 = tpu.memref_slice %arg9[%mul3A_98, %dma_start3A_117] : memref<16x128xi32, #tpu.memory_space<vmem>> -> memref<1x128xi32, #tpu.memory_space<vmem>>
        %dma_start3A_119 = tpu.memref_squeeze %dma_start3A_118 : memref<1x128xi32, #tpu.memory_space<vmem>> -> memref<128xi32, #tpu.memory_space<vmem>>
        %dma_start3A_120 = arith.constant 0 : i32
        %dma_start3A_121 = arith.constant 0 : i32
        %dma_start3A_122 = tpu.memref_slice %arg7[%dma_start3A_120, %dma_start3A_121] : memref<10240x128xf32, #tpu.memory_space<vmem_shared>> -> memref<10240x128xf32, #tpu.memory_space<vmem_shared>>
        tpu.enqueue_indirect_dma source(%arg12 : memref<128x128xf32, #tpu.memory_space<vmem>>) target(%dma_start3A_122 : memref<10240x128xf32, #tpu.memory_space<vmem_shared>>) offsets(%dma_start3A_119 : memref<128xi32, #tpu.memory_space<vmem>>) semaphore(%arg15 : memref<!tpu.dma_semaphore, #tpu.memory_space<semaphore_mem>>) {add = true}
        %dma_wait3A_123 = arith.constant 0 : i32
        %dma_wait3A_124 = arith.constant 0 : i32
        %dma_wait3A_125 = tpu.memref_slice %arg5[%dma_wait3A_123, %dma_wait3A_124] : memref<640x128xf32, #tpu.memory_space<hbm>> -> memref<128x128xf32, #tpu.memory_space<hbm>>
        %dma_wait3A_126 = arith.constant 0 : i32
        %dma_wait3A_127 = arith.constant 0 : i32
        %dma_wait3A_128 = tpu.memref_slice %arg5[%dma_wait3A_126, %dma_wait3A_127] : memref<640x128xf32, #tpu.memory_space<hbm>> -> memref<128x128xf32, #tpu.memory_space<hbm>>
        tpu.wait_dma2 semaphore(%arg14 : memref<!tpu.dma_semaphore, #tpu.memory_space<semaphore_mem>>) src(%dma_wait3A_128 : memref<128x128xf32, #tpu.memory_space<hbm>>) dst(%arg13 : memref<128x128xf32, #tpu.memory_space<vmem>>)
        %dma_wait3A_129 = arith.constant 0 : i32
        %dma_wait3A_130 = arith.constant 0 : i32
        %dma_wait3A_131 = tpu.memref_slice %arg7[%dma_wait3A_129, %dma_wait3A_130] : memref<10240x128xf32, #tpu.memory_space<vmem_shared>> -> memref<128x128xf32, #tpu.memory_space<vmem_shared>>
        %dma_wait3A_132 = arith.constant 0 : i32
        %dma_wait3A_133 = arith.constant 0 : i32
        %dma_wait3A_134 = tpu.memref_slice %arg7[%dma_wait3A_132, %dma_wait3A_133] : memref<10240x128xf32, #tpu.memory_space<vmem_shared>> -> memref<128x128xf32, #tpu.memory_space<vmem_shared>>
        tpu.wait_dma2 semaphore(%arg15 : memref<!tpu.dma_semaphore, #tpu.memory_space<semaphore_mem>>) src(%arg12 : memref<128x128xf32, #tpu.memory_space<vmem>>) dst(%dma_wait3A_134 : memref<128x128xf32, #tpu.memory_space<vmem_shared>>)
        %add3A_135 = arith.constant 2 : i32
        %add3A_136 = arith.addi %mul3A_98, %add3A_135 : i32
        %lt3A_137 = arith.constant 16 : i32
        %lt3A_138 = arith.cmpi slt, %add3A_136, %lt3A_137 : i32
        %convert_element_type3A_139 = arith.extui %lt3A_138 : i1 to i32
        %cond3A_140 = arith.constant 0 : i32
        %cond3A_141 = arith.cmpi ne, %convert_element_type3A_139, %cond3A_140 : i32
        scf.if %cond3A_141 {
          %add3A_150 = arith.constant 2 : i32
          %add3A_151 = arith.addi %mul3A_98, %add3A_150 : i32
          %dma_start3A_152 = arith.constant 0 : i32
          %dma_start3A_153 = tpu.memref_slice %arg8[%add3A_151, %dma_start3A_152] : memref<16x128xi32, #tpu.memory_space<vmem>> -> memref<1x128xi32, #tpu.memory_space<vmem>>
          %dma_start3A_154 = tpu.memref_squeeze %dma_start3A_153 : memref<1x128xi32, #tpu.memory_space<vmem>> -> memref<128xi32, #tpu.memory_space<vmem>>
          %dma_start3A_155 = arith.constant 0 : i32
          %dma_start3A_156 = arith.constant 0 : i32
          %dma_start3A_157 = tpu.memref_slice %arg2[%dma_start3A_155, %dma_start3A_156] : memref<20480x128xf32, #tpu.memory_space<hbm>> -> memref<20480x128xf32, #tpu.memory_space<hbm>>
          tpu.enqueue_indirect_dma source(%dma_start3A_157 : memref<20480x128xf32, #tpu.memory_space<hbm>>) target(%arg12 : memref<128x128xf32, #tpu.memory_space<vmem>>) offsets(%dma_start3A_154 : memref<128xi32, #tpu.memory_space<vmem>>) semaphore(%arg14 : memref<!tpu.dma_semaphore, #tpu.memory_space<semaphore_mem>>)
        } else {
        }
        %add3A_142 = arith.constant 1 : i32
        %add3A_143 = arith.addi %mul3A_98, %add3A_142 : i32
        %dma_start3A_144 = arith.constant 0 : i32
        %dma_start3A_145 = tpu.memref_slice %arg9[%add3A_143, %dma_start3A_144] : memref<16x128xi32, #tpu.memory_space<vmem>> -> memref<1x128xi32, #tpu.memory_space<vmem>>
        %dma_start3A_146 = tpu.memref_squeeze %dma_start3A_145 : memref<1x128xi32, #tpu.memory_space<vmem>> -> memref<128xi32, #tpu.memory_space<vmem>>
        %dma_start3A_147 = arith.constant 0 : i32
        %dma_start3A_148 = arith.constant 0 : i32
        %dma_start3A_149 = tpu.memref_slice %arg7[%dma_start3A_147, %dma_start3A_148] : memref<10240x128xf32, #tpu.memory_space<vmem_shared>> -> memref<10240x128xf32, #tpu.memory_space<vmem_shared>>
        tpu.enqueue_indirect_dma source(%arg13 : memref<128x128xf32, #tpu.memory_space<vmem>>) target(%dma_start3A_149 : memref<10240x128xf32, #tpu.memory_space<vmem_shared>>) offsets(%dma_start3A_146 : memref<128xi32, #tpu.memory_space<vmem>>) semaphore(%arg15 : memref<!tpu.dma_semaphore, #tpu.memory_space<semaphore_mem>>) {add = true}
      }
      %scan3A_44 = arith.constant 8 : i32
      %dma_wait3A = arith.constant 0 : i32
      %dma_wait3A_45 = arith.constant 0 : i32
      %dma_wait3A_46 = tpu.memref_slice %arg7[%dma_wait3A, %dma_wait3A_45] : memref<10240x128xf32, #tpu.memory_space<vmem_shared>> -> memref<128x128xf32, #tpu.memory_space<vmem_shared>>
      %dma_wait3A_47 = arith.constant 0 : i32
      %dma_wait3A_48 = arith.constant 0 : i32
      %dma_wait3A_49 = tpu.memref_slice %arg7[%dma_wait3A_47, %dma_wait3A_48] : memref<10240x128xf32, #tpu.memory_space<vmem_shared>> -> memref<128x128xf32, #tpu.memory_space<vmem_shared>>
      tpu.wait_dma2 semaphore(%arg15 : memref<!tpu.dma_semaphore, #tpu.memory_space<semaphore_mem>>) src(%arg12 : memref<128x128xf32, #tpu.memory_space<vmem>>) dst(%dma_wait3A_49 : memref<128x128xf32, #tpu.memory_space<vmem_shared>>)
      %dma_wait3A_50 = arith.constant 0 : i32
      %dma_wait3A_51 = arith.constant 0 : i32
      %dma_wait3A_52 = tpu.memref_slice %arg3[%add3A, %dma_wait3A_50, %dma_wait3A_51] : memref<32x160x128xi32, #tpu.memory_space<hbm>> -> memref<1x16x128xi32, #tpu.memory_space<hbm>>
      %dma_wait3A_53 = tpu.memref_squeeze %dma_wait3A_52 : memref<1x16x128xi32, #tpu.memory_space<hbm>> -> memref<16x128xi32, #tpu.memory_space<hbm>>
      %dma_wait3A_54 = arith.constant 0 : i32
      %dma_wait3A_55 = arith.constant 0 : i32
      %dma_wait3A_56 = tpu.memref_slice %arg3[%add3A, %dma_wait3A_54, %dma_wait3A_55] : memref<32x160x128xi32, #tpu.memory_space<hbm>> -> memref<1x16x128xi32, #tpu.memory_space<hbm>>
      %dma_wait3A_57 = tpu.memref_squeeze %dma_wait3A_56 : memref<1x16x128xi32, #tpu.memory_space<hbm>> -> memref<16x128xi32, #tpu.memory_space<hbm>>
      tpu.wait_dma2 semaphore(%arg16 : memref<!tpu.dma_semaphore, #tpu.memory_space<semaphore_mem>>) src(%dma_wait3A_57 : memref<16x128xi32, #tpu.memory_space<hbm>>) dst(%arg10 : memref<16x128xi32, #tpu.memory_space<vmem>>)
      %dma_wait3A_58 = arith.constant 0 : i32
      %dma_wait3A_59 = arith.constant 0 : i32
      %dma_wait3A_60 = tpu.memref_slice %arg3[%add3A, %dma_wait3A_58, %dma_wait3A_59] : memref<32x160x128xi32, #tpu.memory_space<hbm>> -> memref<1x16x128xi32, #tpu.memory_space<hbm>>
      %dma_wait3A_61 = tpu.memref_squeeze %dma_wait3A_60 : memref<1x16x128xi32, #tpu.memory_space<hbm>> -> memref<16x128xi32, #tpu.memory_space<hbm>>
      %dma_wait3A_62 = arith.constant 0 : i32
      %dma_wait3A_63 = arith.constant 0 : i32
      %dma_wait3A_64 = tpu.memref_slice %arg3[%add3A, %dma_wait3A_62, %dma_wait3A_63] : memref<32x160x128xi32, #tpu.memory_space<hbm>> -> memref<1x16x128xi32, #tpu.memory_space<hbm>>
      %dma_wait3A_65 = tpu.memref_squeeze %dma_wait3A_64 : memref<1x16x128xi32, #tpu.memory_space<hbm>> -> memref<16x128xi32, #tpu.memory_space<hbm>>
      tpu.wait_dma2 semaphore(%arg16 : memref<!tpu.dma_semaphore, #tpu.memory_space<semaphore_mem>>) src(%dma_wait3A_65 : memref<16x128xi32, #tpu.memory_space<hbm>>) dst(%arg11 : memref<16x128xi32, #tpu.memory_space<vmem>>)
      %add3A_66 = arith.constant 2 : i32
      %add3A_67 = arith.addi %mul3A_14, %add3A_66 : i32
      %lt3A = arith.constant 10 : i32
      %lt3A_68 = arith.cmpi slt, %add3A_67, %lt3A : i32
      %convert_element_type3A = arith.extui %lt3A_68 : i1 to i32
      %cond3A = arith.constant 0 : i32
      %cond3A_69 = arith.cmpi ne, %convert_element_type3A, %cond3A : i32
      scf.if %cond3A_69 {
        %add3A_96 = arith.constant 2 : i32
        %add3A_97 = arith.addi %mul3A_14, %add3A_96 : i32
        %mul3A_98 = arith.constant 16 : i32
        %mul3A_99 = arith.muli %add3A_97, %mul3A_98 : i32
        %dma_start3A_100 = arith.constant 0 : i32
        %dma_start3A_101 = tpu.memref_slice %arg3[%add3A, %mul3A_99, %dma_start3A_100] : memref<32x160x128xi32, #tpu.memory_space<hbm>> -> memref<1x16x128xi32, #tpu.memory_space<hbm>>
        %dma_start3A_102 = tpu.memref_squeeze %dma_start3A_101 : memref<1x16x128xi32, #tpu.memory_space<hbm>> -> memref<16x128xi32, #tpu.memory_space<hbm>>
        %dma_start3A_103 = arith.constant 0 : i32
        %dma_start3A_104 = tpu.memref_slice %arg3[%add3A, %mul3A_99, %dma_start3A_103] : memref<32x160x128xi32, #tpu.memory_space<hbm>> -> memref<1x16x128xi32, #tpu.memory_space<hbm>>
        %dma_start3A_105 = tpu.memref_squeeze %dma_start3A_104 : memref<1x16x128xi32, #tpu.memory_space<hbm>> -> memref<16x128xi32, #tpu.memory_space<hbm>>
        tpu.enqueue_dma source(%dma_start3A_105 : memref<16x128xi32, #tpu.memory_space<hbm>>) target(%arg8 : memref<16x128xi32, #tpu.memory_space<vmem>>) target_semaphore(%arg16 : memref<!tpu.dma_semaphore, #tpu.memory_space<semaphore_mem>>)
        %mul3A_106 = arith.constant 16 : i32
        %mul3A_107 = arith.muli %add3A_97, %mul3A_106 : i32
        %dma_start3A_108 = arith.constant 0 : i32
        %dma_start3A_109 = tpu.memref_slice %arg4[%arg1, %mul3A_107, %dma_start3A_108] : memref<16x160x128xi32, #tpu.memory_space<hbm>> -> memref<1x16x128xi32, #tpu.memory_space<hbm>>
        %dma_start3A_110 = tpu.memref_squeeze %dma_start3A_109 : memref<1x16x128xi32, #tpu.memory_space<hbm>> -> memref<16x128xi32, #tpu.memory_space<hbm>>
        %dma_start3A_111 = arith.constant 0 : i32
        %dma_start3A_112 = tpu.memref_slice %arg4[%arg1, %mul3A_107, %dma_start3A_111] : memref<16x160x128xi32, #tpu.memory_space<hbm>> -> memref<1x16x128xi32, #tpu.memory_space<hbm>>
        %dma_start3A_113 = tpu.memref_squeeze %dma_start3A_112 : memref<1x16x128xi32, #tpu.memory_space<hbm>> -> memref<16x128xi32, #tpu.memory_space<hbm>>
        tpu.enqueue_dma source(%dma_start3A_113 : memref<16x128xi32, #tpu.memory_space<hbm>>) target(%arg9 : memref<16x128xi32, #tpu.memory_space<vmem>>) target_semaphore(%arg16 : memref<!tpu.dma_semaphore, #tpu.memory_space<semaphore_mem>>)
      } else {
      }
      %dma_start3A_70 = arith.constant 0 : i32
      %dma_start3A_71 = arith.constant 0 : i32
      %dma_start3A_72 = tpu.memref_slice %arg10[%dma_start3A_70, %dma_start3A_71] : memref<16x128xi32, #tpu.memory_space<vmem>> -> memref<1x128xi32, #tpu.memory_space<vmem>>
      %dma_start3A_73 = tpu.memref_squeeze %dma_start3A_72 : memref<1x128xi32, #tpu.memory_space<vmem>> -> memref<128xi32, #tpu.memory_space<vmem>>
      %dma_start3A_74 = arith.constant 0 : i32
      %dma_start3A_75 = arith.constant 0 : i32
      %dma_start3A_76 = tpu.memref_slice %arg2[%dma_start3A_74, %dma_start3A_75] : memref<20480x128xf32, #tpu.memory_space<hbm>> -> memref<20480x128xf32, #tpu.memory_space<hbm>>
      tpu.enqueue_indirect_dma source(%dma_start3A_76 : memref<20480x128xf32, #tpu.memory_space<hbm>>) target(%arg12 : memref<128x128xf32, #tpu.memory_space<vmem>>) offsets(%dma_start3A_73 : memref<128xi32, #tpu.memory_space<vmem>>) semaphore(%arg14 : memref<!tpu.dma_semaphore, #tpu.memory_space<semaphore_mem>>)
      %scan3A_77 = arith.constant 0 : i32
      %scan3A_78 = arith.constant 0 : i32
      %scan3A_79 = arith.constant 8 : i32
      %scan3A_80 = arith.addi %scan3A_78, %scan3A_79 : i32
      %scan3A_81 = arith.constant 1 : i32
      scf.for %scan3A_96 = %scan3A_78 to %scan3A_80 step %scan3A_81  : i32 {
        %mul3A_97 = arith.constant 2 : i32
        %mul3A_98 = arith.muli %mul3A_97, %scan3A_96 : i32
        %dma_wait3A_99 = arith.constant 0 : i32
        %dma_wait3A_100 = arith.constant 0 : i32
        %dma_wait3A_101 = tpu.memref_slice %arg5[%dma_wait3A_99, %dma_wait3A_100] : memref<640x128xf32, #tpu.memory_space<hbm>> -> memref<128x128xf32, #tpu.memory_space<hbm>>
        %dma_wait3A_102 = arith.constant 0 : i32
        %dma_wait3A_103 = arith.constant 0 : i32
        %dma_wait3A_104 = tpu.memref_slice %arg5[%dma_wait3A_102, %dma_wait3A_103] : memref<640x128xf32, #tpu.memory_space<hbm>> -> memref<128x128xf32, #tpu.memory_space<hbm>>
        tpu.wait_dma2 semaphore(%arg14 : memref<!tpu.dma_semaphore, #tpu.memory_space<semaphore_mem>>) src(%dma_wait3A_104 : memref<128x128xf32, #tpu.memory_space<hbm>>) dst(%arg12 : memref<128x128xf32, #tpu.memory_space<vmem>>)
        %gt3A = arith.constant 0 : i32
        %gt3A_105 = arith.cmpi sgt, %scan3A_96, %gt3A : i32
        %convert_element_type3A_106 = arith.extui %gt3A_105 : i1 to i32
        %cond3A_107 = arith.constant 0 : i32
        %cond3A_108 = arith.cmpi ne, %convert_element_type3A_106, %cond3A_107 : i32
        scf.if %cond3A_108 {
          %dma_wait3A_150 = arith.constant 0 : i32
          %dma_wait3A_151 = arith.constant 0 : i32
          %dma_wait3A_152 = tpu.memref_slice %arg7[%dma_wait3A_150, %dma_wait3A_151] : memref<10240x128xf32, #tpu.memory_space<vmem_shared>> -> memref<128x128xf32, #tpu.memory_space<vmem_shared>>
          %dma_wait3A_153 = arith.constant 0 : i32
          %dma_wait3A_154 = arith.constant 0 : i32
          %dma_wait3A_155 = tpu.memref_slice %arg7[%dma_wait3A_153, %dma_wait3A_154] : memref<10240x128xf32, #tpu.memory_space<vmem_shared>> -> memref<128x128xf32, #tpu.memory_space<vmem_shared>>
          tpu.wait_dma2 semaphore(%arg15 : memref<!tpu.dma_semaphore, #tpu.memory_space<semaphore_mem>>) src(%arg12 : memref<128x128xf32, #tpu.memory_space<vmem>>) dst(%dma_wait3A_155 : memref<128x128xf32, #tpu.memory_space<vmem_shared>>)
        } else {
        }
        %add3A_109 = arith.constant 1 : i32
        %add3A_110 = arith.addi %mul3A_98, %add3A_109 : i32
        %dma_start3A_111 = arith.constant 0 : i32
        %dma_start3A_112 = tpu.memref_slice %arg10[%add3A_110, %dma_start3A_111] : memref<16x128xi32, #tpu.memory_space<vmem>> -> memref<1x128xi32, #tpu.memory_space<vmem>>
        %dma_start3A_113 = tpu.memref_squeeze %dma_start3A_112 : memref<1x128xi32, #tpu.memory_space<vmem>> -> memref<128xi32, #tpu.memory_space<vmem>>
        %dma_start3A_114 = arith.constant 0 : i32
        %dma_start3A_115 = arith.constant 0 : i32
        %dma_start3A_116 = tpu.memref_slice %arg2[%dma_start3A_114, %dma_start3A_115] : memref<20480x128xf32, #tpu.memory_space<hbm>> -> memref<20480x128xf32, #tpu.memory_space<hbm>>
        tpu.enqueue_indirect_dma source(%dma_start3A_116 : memref<20480x128xf32, #tpu.memory_space<hbm>>) target(%arg13 : memref<128x128xf32, #tpu.memory_space<vmem>>) offsets(%dma_start3A_113 : memref<128xi32, #tpu.memory_space<vmem>>) semaphore(%arg14 : memref<!tpu.dma_semaphore, #tpu.memory_space<semaphore_mem>>)
        %dma_start3A_117 = arith.constant 0 : i32
        %dma_start3A_118 = tpu.memref_slice %arg11[%mul3A_98, %dma_start3A_117] : memref<16x128xi32, #tpu.memory_space<vmem>> -> memref<1x128xi32, #tpu.memory_space<vmem>>
        %dma_start3A_119 = tpu.memref_squeeze %dma_start3A_118 : memref<1x128xi32, #tpu.memory_space<vmem>> -> memref<128xi32, #tpu.memory_space<vmem>>
        %dma_start3A_120 = arith.constant 0 : i32
        %dma_start3A_121 = arith.constant 0 : i32
        %dma_start3A_122 = tpu.memref_slice %arg7[%dma_start3A_120, %dma_start3A_121] : memref<10240x128xf32, #tpu.memory_space<vmem_shared>> -> memref<10240x128xf32, #tpu.memory_space<vmem_shared>>
        tpu.enqueue_indirect_dma source(%arg12 : memref<128x128xf32, #tpu.memory_space<vmem>>) target(%dma_start3A_122 : memref<10240x128xf32, #tpu.memory_space<vmem_shared>>) offsets(%dma_start3A_119 : memref<128xi32, #tpu.memory_space<vmem>>) semaphore(%arg15 : memref<!tpu.dma_semaphore, #tpu.memory_space<semaphore_mem>>) {add = true}
        %dma_wait3A_123 = arith.constant 0 : i32
        %dma_wait3A_124 = arith.constant 0 : i32
        %dma_wait3A_125 = tpu.memref_slice %arg5[%dma_wait3A_123, %dma_wait3A_124] : memref<640x128xf32, #tpu.memory_space<hbm>> -> memref<128x128xf32, #tpu.memory_space<hbm>>
        %dma_wait3A_126 = arith.constant 0 : i32
        %dma_wait3A_127 = arith.constant 0 : i32
        %dma_wait3A_128 = tpu.memref_slice %arg5[%dma_wait3A_126, %dma_wait3A_127] : memref<640x128xf32, #tpu.memory_space<hbm>> -> memref<128x128xf32, #tpu.memory_space<hbm>>
        tpu.wait_dma2 semaphore(%arg14 : memref<!tpu.dma_semaphore, #tpu.memory_space<semaphore_mem>>) src(%dma_wait3A_128 : memref<128x128xf32, #tpu.memory_space<hbm>>) dst(%arg13 : memref<128x128xf32, #tpu.memory_space<vmem>>)
        %dma_wait3A_129 = arith.constant 0 : i32
        %dma_wait3A_130 = arith.constant 0 : i32
        %dma_wait3A_131 = tpu.memref_slice %arg7[%dma_wait3A_129, %dma_wait3A_130] : memref<10240x128xf32, #tpu.memory_space<vmem_shared>> -> memref<128x128xf32, #tpu.memory_space<vmem_shared>>
        %dma_wait3A_132 = arith.constant 0 : i32
        %dma_wait3A_133 = arith.constant 0 : i32
        %dma_wait3A_134 = tpu.memref_slice %arg7[%dma_wait3A_132, %dma_wait3A_133] : memref<10240x128xf32, #tpu.memory_space<vmem_shared>> -> memref<128x128xf32, #tpu.memory_space<vmem_shared>>
        tpu.wait_dma2 semaphore(%arg15 : memref<!tpu.dma_semaphore, #tpu.memory_space<semaphore_mem>>) src(%arg12 : memref<128x128xf32, #tpu.memory_space<vmem>>) dst(%dma_wait3A_134 : memref<128x128xf32, #tpu.memory_space<vmem_shared>>)
        %add3A_135 = arith.constant 2 : i32
        %add3A_136 = arith.addi %mul3A_98, %add3A_135 : i32
        %lt3A_137 = arith.constant 16 : i32
        %lt3A_138 = arith.cmpi slt, %add3A_136, %lt3A_137 : i32
        %convert_element_type3A_139 = arith.extui %lt3A_138 : i1 to i32
        %cond3A_140 = arith.constant 0 : i32
        %cond3A_141 = arith.cmpi ne, %convert_element_type3A_139, %cond3A_140 : i32
        scf.if %cond3A_141 {
          %add3A_150 = arith.constant 2 : i32
          %add3A_151 = arith.addi %mul3A_98, %add3A_150 : i32
          %dma_start3A_152 = arith.constant 0 : i32
          %dma_start3A_153 = tpu.memref_slice %arg10[%add3A_151, %dma_start3A_152] : memref<16x128xi32, #tpu.memory_space<vmem>> -> memref<1x128xi32, #tpu.memory_space<vmem>>
          %dma_start3A_154 = tpu.memref_squeeze %dma_start3A_153 : memref<1x128xi32, #tpu.memory_space<vmem>> -> memref<128xi32, #tpu.memory_space<vmem>>
          %dma_start3A_155 = arith.constant 0 : i32
          %dma_start3A_156 = arith.constant 0 : i32
          %dma_start3A_157 = tpu.memref_slice %arg2[%dma_start3A_155, %dma_start3A_156] : memref<20480x128xf32, #tpu.memory_space<hbm>> -> memref<20480x128xf32, #tpu.memory_space<hbm>>
          tpu.enqueue_indirect_dma source(%dma_start3A_157 : memref<20480x128xf32, #tpu.memory_space<hbm>>) target(%arg12 : memref<128x128xf32, #tpu.memory_space<vmem>>) offsets(%dma_start3A_154 : memref<128xi32, #tpu.memory_space<vmem>>) semaphore(%arg14 : memref<!tpu.dma_semaphore, #tpu.memory_space<semaphore_mem>>)
        } else {
        }
        %add3A_142 = arith.constant 1 : i32
        %add3A_143 = arith.addi %mul3A_98, %add3A_142 : i32
        %dma_start3A_144 = arith.constant 0 : i32
        %dma_start3A_145 = tpu.memref_slice %arg11[%add3A_143, %dma_start3A_144] : memref<16x128xi32, #tpu.memory_space<vmem>> -> memref<1x128xi32, #tpu.memory_space<vmem>>
        %dma_start3A_146 = tpu.memref_squeeze %dma_start3A_145 : memref<1x128xi32, #tpu.memory_space<vmem>> -> memref<128xi32, #tpu.memory_space<vmem>>
        %dma_start3A_147 = arith.constant 0 : i32
        %dma_start3A_148 = arith.constant 0 : i32
        %dma_start3A_149 = tpu.memref_slice %arg7[%dma_start3A_147, %dma_start3A_148] : memref<10240x128xf32, #tpu.memory_space<vmem_shared>> -> memref<10240x128xf32, #tpu.memory_space<vmem_shared>>
        tpu.enqueue_indirect_dma source(%arg13 : memref<128x128xf32, #tpu.memory_space<vmem>>) target(%dma_start3A_149 : memref<10240x128xf32, #tpu.memory_space<vmem_shared>>) offsets(%dma_start3A_146 : memref<128xi32, #tpu.memory_space<vmem>>) semaphore(%arg15 : memref<!tpu.dma_semaphore, #tpu.memory_space<semaphore_mem>>) {add = true}
      }
      %scan3A_82 = arith.constant 8 : i32
      %dma_wait3A_83 = arith.constant 0 : i32
      %dma_wait3A_84 = arith.constant 0 : i32
      %dma_wait3A_85 = tpu.memref_slice %arg7[%dma_wait3A_83, %dma_wait3A_84] : memref<10240x128xf32, #tpu.memory_space<vmem_shared>> -> memref<128x128xf32, #tpu.memory_space<vmem_shared>>
      %dma_wait3A_86 = arith.constant 0 : i32
      %dma_wait3A_87 = arith.constant 0 : i32
      %dma_wait3A_88 = tpu.memref_slice %arg7[%dma_wait3A_86, %dma_wait3A_87] : memref<10240x128xf32, #tpu.memory_space<vmem_shared>> -> memref<128x128xf32, #tpu.memory_space<vmem_shared>>
      tpu.wait_dma2 semaphore(%arg15 : memref<!tpu.dma_semaphore, #tpu.memory_space<semaphore_mem>>) src(%arg12 : memref<128x128xf32, #tpu.memory_space<vmem>>) dst(%dma_wait3A_88 : memref<128x128xf32, #tpu.memory_space<vmem_shared>>)
      %add3A_89 = arith.constant 2 : i32
      %add3A_90 = arith.addi %mul3A_14, %add3A_89 : i32
      %lt3A_91 = arith.constant 10 : i32
      %lt3A_92 = arith.cmpi slt, %add3A_90, %lt3A_91 : i32
      %convert_element_type3A_93 = arith.extui %lt3A_92 : i1 to i32
      %cond3A_94 = arith.constant 0 : i32
      %cond3A_95 = arith.cmpi ne, %convert_element_type3A_93, %cond3A_94 : i32
      scf.if %cond3A_95 {
        %dma_wait3A_96 = arith.constant 0 : i32
        %dma_wait3A_97 = arith.constant 0 : i32
        %dma_wait3A_98 = tpu.memref_slice %arg3[%add3A, %dma_wait3A_96, %dma_wait3A_97] : memref<32x160x128xi32, #tpu.memory_space<hbm>> -> memref<1x16x128xi32, #tpu.memory_space<hbm>>
        %dma_wait3A_99 = tpu.memref_squeeze %dma_wait3A_98 : memref<1x16x128xi32, #tpu.memory_space<hbm>> -> memref<16x128xi32, #tpu.memory_space<hbm>>
        %dma_wait3A_100 = arith.constant 0 : i32
        %dma_wait3A_101 = arith.constant 0 : i32
        %dma_wait3A_102 = tpu.memref_slice %arg3[%add3A, %dma_wait3A_100, %dma_wait3A_101] : memref<32x160x128xi32, #tpu.memory_space<hbm>> -> memref<1x16x128xi32, #tpu.memory_space<hbm>>
        %dma_wait3A_103 = tpu.memref_squeeze %dma_wait3A_102 : memref<1x16x128xi32, #tpu.memory_space<hbm>> -> memref<16x128xi32, #tpu.memory_space<hbm>>
        tpu.wait_dma2 semaphore(%arg16 : memref<!tpu.dma_semaphore, #tpu.memory_space<semaphore_mem>>) src(%dma_wait3A_103 : memref<16x128xi32, #tpu.memory_space<hbm>>) dst(%arg8 : memref<16x128xi32, #tpu.memory_space<vmem>>)
        %dma_wait3A_104 = arith.constant 0 : i32
        %dma_wait3A_105 = arith.constant 0 : i32
        %dma_wait3A_106 = tpu.memref_slice %arg3[%add3A, %dma_wait3A_104, %dma_wait3A_105] : memref<32x160x128xi32, #tpu.memory_space<hbm>> -> memref<1x16x128xi32, #tpu.memory_space<hbm>>
        %dma_wait3A_107 = tpu.memref_squeeze %dma_wait3A_106 : memref<1x16x128xi32, #tpu.memory_space<hbm>> -> memref<16x128xi32, #tpu.memory_space<hbm>>
        %dma_wait3A_108 = arith.constant 0 : i32
        %dma_wait3A_109 = arith.constant 0 : i32
        %dma_wait3A_110 = tpu.memref_slice %arg3[%add3A, %dma_wait3A_108, %dma_wait3A_109] : memref<32x160x128xi32, #tpu.memory_space<hbm>> -> memref<1x16x128xi32, #tpu.memory_space<hbm>>
        %dma_wait3A_111 = tpu.memref_squeeze %dma_wait3A_110 : memref<1x16x128xi32, #tpu.memory_space<hbm>> -> memref<16x128xi32, #tpu.memory_space<hbm>>
        tpu.wait_dma2 semaphore(%arg16 : memref<!tpu.dma_semaphore, #tpu.memory_space<semaphore_mem>>) src(%dma_wait3A_111 : memref<16x128xi32, #tpu.memory_space<hbm>>) dst(%arg9 : memref<16x128xi32, #tpu.memory_space<vmem>>)
      } else {
      }
    }
    %scan3A_7 = arith.constant 5 : i32
    %barrier3A_8 = arith.constant 0 : index
    tpu.barrier barrier_id(%barrier3A_8)
    %mul3A_9 = arith.constant 10240 : i32
    %mul3A_10 = arith.muli %arg0, %mul3A_9 : i32
    %add3A_11 = arith.addi %mul3A_10, %mul3A_2 : i32
    "tpu.region"() ({
      %run_scoped3A = tpu.sem_alloc : memref<!tpu.dma_semaphore, #tpu.memory_space<semaphore_mem>>
      %dma_start3A = arith.constant 0 : i32
      %dma_start3A_12 = tpu.memref_slice %arg6[%add3A_11, %dma_start3A] : memref<20480x128xf32, #tpu.memory_space<hbm>> -> memref<640x128xf32, #tpu.memory_space<hbm>>
      %dma_start3A_13 = arith.constant 0 : i32
      %dma_start3A_14 = tpu.memref_slice %arg7[%mul3A_2, %dma_start3A_13] : memref<10240x128xf32, #tpu.memory_space<vmem_shared>> -> memref<640x128xf32, #tpu.memory_space<vmem_shared>>
      tpu.enqueue_dma source(%dma_start3A_14 : memref<640x128xf32, #tpu.memory_space<vmem_shared>>) target(%dma_start3A_12 : memref<640x128xf32, #tpu.memory_space<hbm>>) target_semaphore(%run_scoped3A : memref<!tpu.dma_semaphore, #tpu.memory_space<semaphore_mem>>)
      %dma_wait3A = arith.constant 0 : i32
      %dma_wait3A_15 = tpu.memref_slice %arg6[%add3A_11, %dma_wait3A] : memref<20480x128xf32, #tpu.memory_space<hbm>> -> memref<640x128xf32, #tpu.memory_space<hbm>>
      %dma_wait3A_16 = arith.constant 0 : i32
      %dma_wait3A_17 = tpu.memref_slice %arg7[%mul3A_2, %dma_wait3A_16] : memref<10240x128xf32, #tpu.memory_space<vmem_shared>> -> memref<640x128xf32, #tpu.memory_space<vmem_shared>>
      tpu.wait_dma2 semaphore(%run_scoped3A : memref<!tpu.dma_semaphore, #tpu.memory_space<semaphore_mem>>) src(%dma_wait3A_17 : memref<640x128xf32, #tpu.memory_space<vmem_shared>>) dst(%dma_wait3A_15 : memref<640x128xf32, #tpu.memory_space<hbm>>)
      tpu.yield
    }) : () -> ()
    return
  }
}

#map = affine_map<(d0, d1) -> (0, 0, 0)>
#map1 = affine_map<(d0, d1) -> (0, 0)>
module attributes {stable_mosaic.version = 14 : i64} {
  func.func @body(%arg0: i32, %arg1: i32, %arg2: memref<32x80x128xi32, #tpu.memory_space<hbm>>, %arg3: memref<128x128xf32, #tpu.memory_space<hbm>>, %arg4: memref<640x128xf32, #tpu.memory_space<hbm>>, %arg5: memref<20480x128xf32, #tpu.memory_space<hbm>>, %arg6: memref<10240x128xf32, #tpu.memory_space<vmem_shared>>, %arg7: memref<80x128xi32, #tpu.memory_space<vmem>>, %arg8: memref<128x128xf32, #tpu.memory_space<vmem>>, %arg9: memref<!tpu.dma_semaphore, #tpu.memory_space<semaphore_mem>>) attributes {dimension_semantics = [#tpu.dimension_semantics<core_parallel>, #tpu.dimension_semantics<subcore_parallel>], iteration_bounds = array<i64: 2, 16>, scalar_prefetch = 0 : i64, scratch_operands = 4 : i64, tpu.core_type = #tpu.core_type<sc_vector_subcore>, window_params = [{transform_indices = #map}, {transform_indices = #map1}, {transform_indices = #map1}, {transform_indices = #map1}]} {
    %mul3A = arith.constant 16 : i32
    %mul3A_0 = arith.muli %arg0, %mul3A : i32
    %add3A = arith.addi %mul3A_0, %arg1 : i32
    %mul3A_1 = arith.constant 640 : i32
    %mul3A_2 = arith.muli %arg1, %mul3A_1 : i32
    "tpu.region"() ({
      %run_scoped3A = tpu.sem_alloc : memref<!tpu.dma_semaphore, #tpu.memory_space<semaphore_mem>>
      tpu.enqueue_dma source(%arg3 : memref<128x128xf32, #tpu.memory_space<hbm>>) target(%arg8 : memref<128x128xf32, #tpu.memory_space<vmem>>) target_semaphore(%run_scoped3A : memref<!tpu.dma_semaphore, #tpu.memory_space<semaphore_mem>>)
      tpu.wait_dma2 semaphore(%run_scoped3A : memref<!tpu.dma_semaphore, #tpu.memory_space<semaphore_mem>>) src(%arg3 : memref<128x128xf32, #tpu.memory_space<hbm>>) dst(%arg8 : memref<128x128xf32, #tpu.memory_space<vmem>>)
      tpu.yield
    }) : () -> ()
    "tpu.region"() ({
      %run_scoped3A = tpu.sem_alloc : memref<!tpu.dma_semaphore, #tpu.memory_space<semaphore_mem>>
      %dma_start3A = arith.constant 0 : i32
      %dma_start3A_21 = tpu.memref_slice %arg6[%mul3A_2, %dma_start3A] : memref<10240x128xf32, #tpu.memory_space<vmem_shared>> -> memref<640x128xf32, #tpu.memory_space<vmem_shared>>
      tpu.enqueue_dma source(%arg4 : memref<640x128xf32, #tpu.memory_space<hbm>>) target(%dma_start3A_21 : memref<640x128xf32, #tpu.memory_space<vmem_shared>>) target_semaphore(%run_scoped3A : memref<!tpu.dma_semaphore, #tpu.memory_space<semaphore_mem>>)
      %dma_wait3A = arith.constant 0 : i32
      %dma_wait3A_22 = tpu.memref_slice %arg6[%mul3A_2, %dma_wait3A] : memref<10240x128xf32, #tpu.memory_space<vmem_shared>> -> memref<640x128xf32, #tpu.memory_space<vmem_shared>>
      tpu.wait_dma2 semaphore(%run_scoped3A : memref<!tpu.dma_semaphore, #tpu.memory_space<semaphore_mem>>) src(%arg4 : memref<640x128xf32, #tpu.memory_space<hbm>>) dst(%dma_wait3A_22 : memref<640x128xf32, #tpu.memory_space<vmem_shared>>)
      tpu.yield
    }) : () -> ()
    %barrier3A = arith.constant 0 : index
    tpu.barrier barrier_id(%barrier3A)
    %scan3A = arith.constant 0 : i32
    %scan3A_3 = arith.constant 0 : i32
    %mul3A_4 = arith.constant 80 : i32
    %mul3A_5 = arith.muli %scan3A_3, %mul3A_4 : i32
    "tpu.region"() ({
      %run_scoped3A = tpu.sem_alloc : memref<!tpu.dma_semaphore, #tpu.memory_space<semaphore_mem>>
      %dma_start3A = arith.constant 0 : i32
      %dma_start3A_21 = tpu.memref_slice %arg2[%add3A, %mul3A_5, %dma_start3A] : memref<32x80x128xi32, #tpu.memory_space<hbm>> -> memref<1x80x128xi32, #tpu.memory_space<hbm>>
      %dma_start3A_22 = tpu.memref_squeeze %dma_start3A_21 : memref<1x80x128xi32, #tpu.memory_space<hbm>> -> memref<80x128xi32, #tpu.memory_space<hbm>>
      %dma_start3A_23 = arith.constant 0 : i32
      %dma_start3A_24 = tpu.memref_slice %arg2[%add3A, %mul3A_5, %dma_start3A_23] : memref<32x80x128xi32, #tpu.memory_space<hbm>> -> memref<1x80x128xi32, #tpu.memory_space<hbm>>
      %dma_start3A_25 = tpu.memref_squeeze %dma_start3A_24 : memref<1x80x128xi32, #tpu.memory_space<hbm>> -> memref<80x128xi32, #tpu.memory_space<hbm>>
      tpu.enqueue_dma source(%dma_start3A_25 : memref<80x128xi32, #tpu.memory_space<hbm>>) target(%arg7 : memref<80x128xi32, #tpu.memory_space<vmem>>) target_semaphore(%run_scoped3A : memref<!tpu.dma_semaphore, #tpu.memory_space<semaphore_mem>>)
      %dma_wait3A = arith.constant 0 : i32
      %dma_wait3A_26 = tpu.memref_slice %arg2[%add3A, %mul3A_5, %dma_wait3A] : memref<32x80x128xi32, #tpu.memory_space<hbm>> -> memref<1x80x128xi32, #tpu.memory_space<hbm>>
      %dma_wait3A_27 = tpu.memref_squeeze %dma_wait3A_26 : memref<1x80x128xi32, #tpu.memory_space<hbm>> -> memref<80x128xi32, #tpu.memory_space<hbm>>
      %dma_wait3A_28 = arith.constant 0 : i32
      %dma_wait3A_29 = tpu.memref_slice %arg2[%add3A, %mul3A_5, %dma_wait3A_28] : memref<32x80x128xi32, #tpu.memory_space<hbm>> -> memref<1x80x128xi32, #tpu.memory_space<hbm>>
      %dma_wait3A_30 = tpu.memref_squeeze %dma_wait3A_29 : memref<1x80x128xi32, #tpu.memory_space<hbm>> -> memref<80x128xi32, #tpu.memory_space<hbm>>
      tpu.wait_dma2 semaphore(%run_scoped3A : memref<!tpu.dma_semaphore, #tpu.memory_space<semaphore_mem>>) src(%dma_wait3A_30 : memref<80x128xi32, #tpu.memory_space<hbm>>) dst(%arg7 : memref<80x128xi32, #tpu.memory_space<vmem>>)
      tpu.yield
    }) : () -> ()
    %scan3A_6 = arith.constant 0 : i32
    %scan3A_7 = arith.constant 80 : i32
    %scan3A_8 = arith.addi %scan3A_6, %scan3A_7 : i32
    %scan3A_9 = arith.constant 1 : i32
    scf.for %scan3A_21 = %scan3A_6 to %scan3A_8 step %scan3A_9  : i32 {
      %dma_start3A = arith.constant 0 : i32
      %dma_start3A_22 = tpu.memref_slice %arg7[%scan3A_21, %dma_start3A] : memref<80x128xi32, #tpu.memory_space<vmem>> -> memref<1x128xi32, #tpu.memory_space<vmem>>
      %dma_start3A_23 = tpu.memref_squeeze %dma_start3A_22 : memref<1x128xi32, #tpu.memory_space<vmem>> -> memref<128xi32, #tpu.memory_space<vmem>>
      %dma_start3A_24 = arith.constant 0 : i32
      %dma_start3A_25 = arith.constant 0 : i32
      %dma_start3A_26 = tpu.memref_slice %arg6[%dma_start3A_24, %dma_start3A_25] : memref<10240x128xf32, #tpu.memory_space<vmem_shared>> -> memref<10240x128xf32, #tpu.memory_space<vmem_shared>>
      tpu.enqueue_indirect_dma source(%arg8 : memref<128x128xf32, #tpu.memory_space<vmem>>) target(%dma_start3A_26 : memref<10240x128xf32, #tpu.memory_space<vmem_shared>>) offsets(%dma_start3A_23 : memref<128xi32, #tpu.memory_space<vmem>>) semaphore(%arg9 : memref<!tpu.dma_semaphore, #tpu.memory_space<semaphore_mem>>) {add = true}
    }
    %scan3A_10 = arith.constant 80 : i32
    %scan3A_11 = arith.constant 0 : i32
    %scan3A_12 = arith.constant 80 : i32
    %scan3A_13 = arith.addi %scan3A_11, %scan3A_12 : i32
    %scan3A_14 = arith.constant 1 : i32
    scf.for %scan3A_21 = %scan3A_11 to %scan3A_13 step %scan3A_14  : i32 {
      %dma_wait3A = arith.constant 0 : i32
      %dma_wait3A_22 = arith.constant 0 : i32
      %dma_wait3A_23 = tpu.memref_slice %arg6[%dma_wait3A, %dma_wait3A_22] : memref<10240x128xf32, #tpu.memory_space<vmem_shared>> -> memref<128x128xf32, #tpu.memory_space<vmem_shared>>
      %dma_wait3A_24 = arith.constant 0 : i32
      %dma_wait3A_25 = arith.constant 0 : i32
      %dma_wait3A_26 = tpu.memref_slice %arg6[%dma_wait3A_24, %dma_wait3A_25] : memref<10240x128xf32, #tpu.memory_space<vmem_shared>> -> memref<128x128xf32, #tpu.memory_space<vmem_shared>>
      tpu.wait_dma2 semaphore(%arg9 : memref<!tpu.dma_semaphore, #tpu.memory_space<semaphore_mem>>) src(%arg8 : memref<128x128xf32, #tpu.memory_space<vmem>>) dst(%dma_wait3A_26 : memref<128x128xf32, #tpu.memory_space<vmem_shared>>)
    }
    %scan3A_15 = arith.constant 80 : i32
    %scan3A_16 = arith.constant 1 : i32
    %barrier3A_17 = arith.constant 0 : index
    tpu.barrier barrier_id(%barrier3A_17)
    %mul3A_18 = arith.constant 10240 : i32
    %mul3A_19 = arith.muli %arg0, %mul3A_18 : i32
    %add3A_20 = arith.addi %mul3A_19, %mul3A_2 : i32
    "tpu.region"() ({
      %run_scoped3A = tpu.sem_alloc : memref<!tpu.dma_semaphore, #tpu.memory_space<semaphore_mem>>
      %dma_start3A = arith.constant 0 : i32
      %dma_start3A_21 = tpu.memref_slice %arg5[%add3A_20, %dma_start3A] : memref<20480x128xf32, #tpu.memory_space<hbm>> -> memref<640x128xf32, #tpu.memory_space<hbm>>
      %dma_start3A_22 = arith.constant 0 : i32
      %dma_start3A_23 = tpu.memref_slice %arg6[%mul3A_2, %dma_start3A_22] : memref<10240x128xf32, #tpu.memory_space<vmem_shared>> -> memref<640x128xf32, #tpu.memory_space<vmem_shared>>
      tpu.enqueue_dma source(%dma_start3A_23 : memref<640x128xf32, #tpu.memory_space<vmem_shared>>) target(%dma_start3A_21 : memref<640x128xf32, #tpu.memory_space<hbm>>) target_semaphore(%run_scoped3A : memref<!tpu.dma_semaphore, #tpu.memory_space<semaphore_mem>>)
      %dma_wait3A = arith.constant 0 : i32
      %dma_wait3A_24 = tpu.memref_slice %arg5[%add3A_20, %dma_wait3A] : memref<20480x128xf32, #tpu.memory_space<hbm>> -> memref<640x128xf32, #tpu.memory_space<hbm>>
      %dma_wait3A_25 = arith.constant 0 : i32
      %dma_wait3A_26 = tpu.memref_slice %arg6[%mul3A_2, %dma_wait3A_25] : memref<10240x128xf32, #tpu.memory_space<vmem_shared>> -> memref<640x128xf32, #tpu.memory_space<vmem_shared>>
      tpu.wait_dma2 semaphore(%run_scoped3A : memref<!tpu.dma_semaphore, #tpu.memory_space<semaphore_mem>>) src(%dma_wait3A_26 : memref<640x128xf32, #tpu.memory_space<vmem_shared>>) dst(%dma_wait3A_24 : memref<640x128xf32, #tpu.memory_space<hbm>>)
      tpu.yield
    }) : () -> ()
    return
  }
}

#map = affine_map<(d0, d1) -> (0, 0)>
#map1 = affine_map<(d0, d1) -> (0, 0, 0)>
module attributes {stable_mosaic.version = 14 : i64} {
  func.func @body(%arg0: i32, %arg1: i32, %arg2: memref<20480x128xf32, #tpu.memory_space<hbm>>, %arg3: memref<32x160x128xi32, #tpu.memory_space<hbm>>, %arg4: memref<16x160x128xi32, #tpu.memory_space<hbm>>, %arg5: memref<640x128xf32, #tpu.memory_space<hbm>>, %arg6: memref<20480x128xf32, #tpu.memory_space<hbm>>, %arg7: memref<10240x128xf32, #tpu.memory_space<vmem_shared>>, %arg8: memref<16x128xi32, #tpu.memory_space<vmem>>, %arg9: memref<16x128xi32, #tpu.memory_space<vmem>>, %arg10: memref<16x128xi32, #tpu.memory_space<vmem>>, %arg11: memref<16x128xi32, #tpu.memory_space<vmem>>, %arg12: memref<128x128xf32, #tpu.memory_space<vmem>>, %arg13: memref<128x128xf32, #tpu.memory_space<vmem>>, %arg14: memref<!tpu.dma_semaphore, #tpu.memory_space<semaphore_mem>>, %arg15: memref<!tpu.dma_semaphore, #tpu.memory_space<semaphore_mem>>, %arg16: memref<!tpu.dma_semaphore, #tpu.memory_space<semaphore_mem>>) attributes {dimension_semantics = [#tpu.dimension_semantics<core_parallel>, #tpu.dimension_semantics<subcore_parallel>], iteration_bounds = array<i64: 2, 16>, scalar_prefetch = 0 : i64, scratch_operands = 10 : i64, tpu.core_type = #tpu.core_type<sc_vector_subcore>, window_params = [{transform_indices = #map}, {transform_indices = #map1}, {transform_indices = #map1}, {transform_indices = #map}, {transform_indices = #map}]} {
    %mul3A = arith.constant 16 : i32
    %mul3A_0 = arith.muli %arg0, %mul3A : i32
    %add3A = arith.addi %mul3A_0, %arg1 : i32
    %mul3A_1 = arith.constant 640 : i32
    %mul3A_2 = arith.muli %arg1, %mul3A_1 : i32
    "tpu.region"() ({
      %run_scoped3A = tpu.sem_alloc : memref<!tpu.dma_semaphore, #tpu.memory_space<semaphore_mem>>
      %dma_start3A = arith.constant 0 : i32
      %dma_start3A_12 = tpu.memref_slice %arg7[%mul3A_2, %dma_start3A] : memref<10240x128xf32, #tpu.memory_space<vmem_shared>> -> memref<640x128xf32, #tpu.memory_space<vmem_shared>>
      tpu.enqueue_dma source(%arg5 : memref<640x128xf32, #tpu.memory_space<hbm>>) target(%dma_start3A_12 : memref<640x128xf32, #tpu.memory_space<vmem_shared>>) target_semaphore(%run_scoped3A : memref<!tpu.dma_semaphore, #tpu.memory_space<semaphore_mem>>)
      %dma_wait3A = arith.constant 0 : i32
      %dma_wait3A_13 = tpu.memref_slice %arg7[%mul3A_2, %dma_wait3A] : memref<10240x128xf32, #tpu.memory_space<vmem_shared>> -> memref<640x128xf32, #tpu.memory_space<vmem_shared>>
      tpu.wait_dma2 semaphore(%run_scoped3A : memref<!tpu.dma_semaphore, #tpu.memory_space<semaphore_mem>>) src(%arg5 : memref<640x128xf32, #tpu.memory_space<hbm>>) dst(%dma_wait3A_13 : memref<640x128xf32, #tpu.memory_space<vmem_shared>>)
      tpu.yield
    }) : () -> ()
    "tpu.region"() ({
      %run_scoped3A = tpu.sem_alloc : memref<!tpu.dma_semaphore, #tpu.memory_space<semaphore_mem>>
      %dma_start3A = arith.constant 0 : i32
      %dma_start3A_12 = arith.constant 0 : i32
      %dma_start3A_13 = tpu.memref_slice %arg3[%add3A, %dma_start3A, %dma_start3A_12] : memref<32x160x128xi32, #tpu.memory_space<hbm>> -> memref<1x16x128xi32, #tpu.memory_space<hbm>>
      %dma_start3A_14 = tpu.memref_squeeze %dma_start3A_13 : memref<1x16x128xi32, #tpu.memory_space<hbm>> -> memref<16x128xi32, #tpu.memory_space<hbm>>
      %dma_start3A_15 = arith.constant 0 : i32
      %dma_start3A_16 = arith.constant 0 : i32
      %dma_start3A_17 = tpu.memref_slice %arg3[%add3A, %dma_start3A_15, %dma_start3A_16] : memref<32x160x128xi32, #tpu.memory_space<hbm>> -> memref<1x16x128xi32, #tpu.memory_space<hbm>>
      %dma_start3A_18 = tpu.memref_squeeze %dma_start3A_17 : memref<1x16x128xi32, #tpu.memory_space<hbm>> -> memref<16x128xi32, #tpu.memory_space<hbm>>
      tpu.enqueue_dma source(%dma_start3A_18 : memref<16x128xi32, #tpu.memory_space<hbm>>) target(%arg8 : memref<16x128xi32, #tpu.memory_space<vmem>>) target_semaphore(%run_scoped3A : memref<!tpu.dma_semaphore, #tpu.memory_space<semaphore_mem>>)
      %dma_wait3A = arith.constant 0 : i32
      %dma_wait3A_19 = arith.constant 0 : i32
      %dma_wait3A_20 = tpu.memref_slice %arg3[%add3A, %dma_wait3A, %dma_wait3A_19] : memref<32x160x128xi32, #tpu.memory_space<hbm>> -> memref<1x16x128xi32, #tpu.memory_space<hbm>>
      %dma_wait3A_21 = tpu.memref_squeeze %dma_wait3A_20 : memref<1x16x128xi32, #tpu.memory_space<hbm>> -> memref<16x128xi32, #tpu.memory_space<hbm>>
      %dma_wait3A_22 = arith.constant 0 : i32
      %dma_wait3A_23 = arith.constant 0 : i32
      %dma_wait3A_24 = tpu.memref_slice %arg3[%add3A, %dma_wait3A_22, %dma_wait3A_23] : memref<32x160x128xi32, #tpu.memory_space<hbm>> -> memref<1x16x128xi32, #tpu.memory_space<hbm>>
      %dma_wait3A_25 = tpu.memref_squeeze %dma_wait3A_24 : memref<1x16x128xi32, #tpu.memory_space<hbm>> -> memref<16x128xi32, #tpu.memory_space<hbm>>
      tpu.wait_dma2 semaphore(%run_scoped3A : memref<!tpu.dma_semaphore, #tpu.memory_space<semaphore_mem>>) src(%dma_wait3A_25 : memref<16x128xi32, #tpu.memory_space<hbm>>) dst(%arg8 : memref<16x128xi32, #tpu.memory_space<vmem>>)
      tpu.yield
    }) : () -> ()
    "tpu.region"() ({
      %run_scoped3A = tpu.sem_alloc : memref<!tpu.dma_semaphore, #tpu.memory_space<semaphore_mem>>
      %dma_start3A = arith.constant 0 : i32
      %dma_start3A_12 = arith.constant 0 : i32
      %dma_start3A_13 = tpu.memref_slice %arg4[%arg1, %dma_start3A, %dma_start3A_12] : memref<16x160x128xi32, #tpu.memory_space<hbm>> -> memref<1x16x128xi32, #tpu.memory_space<hbm>>
      %dma_start3A_14 = tpu.memref_squeeze %dma_start3A_13 : memref<1x16x128xi32, #tpu.memory_space<hbm>> -> memref<16x128xi32, #tpu.memory_space<hbm>>
      %dma_start3A_15 = arith.constant 0 : i32
      %dma_start3A_16 = arith.constant 0 : i32
      %dma_start3A_17 = tpu.memref_slice %arg4[%arg1, %dma_start3A_15, %dma_start3A_16] : memref<16x160x128xi32, #tpu.memory_space<hbm>> -> memref<1x16x128xi32, #tpu.memory_space<hbm>>
      %dma_start3A_18 = tpu.memref_squeeze %dma_start3A_17 : memref<1x16x128xi32, #tpu.memory_space<hbm>> -> memref<16x128xi32, #tpu.memory_space<hbm>>
      tpu.enqueue_dma source(%dma_start3A_18 : memref<16x128xi32, #tpu.memory_space<hbm>>) target(%arg9 : memref<16x128xi32, #tpu.memory_space<vmem>>) target_semaphore(%run_scoped3A : memref<!tpu.dma_semaphore, #tpu.memory_space<semaphore_mem>>)
      %dma_wait3A = arith.constant 0 : i32
      %dma_wait3A_19 = arith.constant 0 : i32
      %dma_wait3A_20 = tpu.memref_slice %arg4[%arg1, %dma_wait3A, %dma_wait3A_19] : memref<16x160x128xi32, #tpu.memory_space<hbm>> -> memref<1x16x128xi32, #tpu.memory_space<hbm>>
      %dma_wait3A_21 = tpu.memref_squeeze %dma_wait3A_20 : memref<1x16x128xi32, #tpu.memory_space<hbm>> -> memref<16x128xi32, #tpu.memory_space<hbm>>
      %dma_wait3A_22 = arith.constant 0 : i32
      %dma_wait3A_23 = arith.constant 0 : i32
      %dma_wait3A_24 = tpu.memref_slice %arg4[%arg1, %dma_wait3A_22, %dma_wait3A_23] : memref<16x160x128xi32, #tpu.memory_space<hbm>> -> memref<1x16x128xi32, #tpu.memory_space<hbm>>
      %dma_wait3A_25 = tpu.memref_squeeze %dma_wait3A_24 : memref<1x16x128xi32, #tpu.memory_space<hbm>> -> memref<16x128xi32, #tpu.memory_space<hbm>>
      tpu.wait_dma2 semaphore(%run_scoped3A : memref<!tpu.dma_semaphore, #tpu.memory_space<semaphore_mem>>) src(%dma_wait3A_25 : memref<16x128xi32, #tpu.memory_space<hbm>>) dst(%arg9 : memref<16x128xi32, #tpu.memory_space<vmem>>)
      tpu.yield
    }) : () -> ()
    %barrier3A = arith.constant 0 : index
    tpu.barrier barrier_id(%barrier3A)
    %scan3A = arith.constant 0 : i32
    %scan3A_3 = arith.constant 0 : i32
    %scan3A_4 = arith.constant 5 : i32
    %scan3A_5 = arith.addi %scan3A_3, %scan3A_4 : i32
    %scan3A_6 = arith.constant 1 : i32
    scf.for %scan3A_12 = %scan3A_3 to %scan3A_5 step %scan3A_6  : i32 {
      %mul3A_13 = arith.constant 2 : i32
      %mul3A_14 = arith.muli %mul3A_13, %scan3A_12 : i32
      %add3A_15 = arith.constant 1 : i32
      %add3A_16 = arith.addi %mul3A_14, %add3A_15 : i32
      %mul3A_17 = arith.constant 16 : i32
      %mul3A_18 = arith.muli %add3A_16, %mul3A_17 : i32
      %dma_start3A = arith.constant 0 : i32
      %dma_start3A_19 = tpu.memref_slice %arg3[%add3A, %mul3A_18, %dma_start3A] : memref<32x160x128xi32, #tpu.memory_space<hbm>> -> memref<1x16x128xi32, #tpu.memory_space<hbm>>
      %dma_start3A_20 = tpu.memref_squeeze %dma_start3A_19 : memref<1x16x128xi32, #tpu.memory_space<hbm>> -> memref<16x128xi32, #tpu.memory_space<hbm>>
      %dma_start3A_21 = arith.constant 0 : i32
      %dma_start3A_22 = tpu.memref_slice %arg3[%add3A, %mul3A_18, %dma_start3A_21] : memref<32x160x128xi32, #tpu.memory_space<hbm>> -> memref<1x16x128xi32, #tpu.memory_space<hbm>>
      %dma_start3A_23 = tpu.memref_squeeze %dma_start3A_22 : memref<1x16x128xi32, #tpu.memory_space<hbm>> -> memref<16x128xi32, #tpu.memory_space<hbm>>
      tpu.enqueue_dma source(%dma_start3A_23 : memref<16x128xi32, #tpu.memory_space<hbm>>) target(%arg10 : memref<16x128xi32, #tpu.memory_space<vmem>>) target_semaphore(%arg16 : memref<!tpu.dma_semaphore, #tpu.memory_space<semaphore_mem>>)
      %mul3A_24 = arith.constant 16 : i32
      %mul3A_25 = arith.muli %add3A_16, %mul3A_24 : i32
      %dma_start3A_26 = arith.constant 0 : i32
      %dma_start3A_27 = tpu.memref_slice %arg4[%arg1, %mul3A_25, %dma_start3A_26] : memref<16x160x128xi32, #tpu.memory_space<hbm>> -> memref<1x16x128xi32, #tpu.memory_space<hbm>>
      %dma_start3A_28 = tpu.memref_squeeze %dma_start3A_27 : memref<1x16x128xi32, #tpu.memory_space<hbm>> -> memref<16x128xi32, #tpu.memory_space<hbm>>
      %dma_start3A_29 = arith.constant 0 : i32
      %dma_start3A_30 = tpu.memref_slice %arg4[%arg1, %mul3A_25, %dma_start3A_29] : memref<16x160x128xi32, #tpu.memory_space<hbm>> -> memref<1x16x128xi32, #tpu.memory_space<hbm>>
      %dma_start3A_31 = tpu.memref_squeeze %dma_start3A_30 : memref<1x16x128xi32, #tpu.memory_space<hbm>> -> memref<16x128xi32, #tpu.memory_space<hbm>>
      tpu.enqueue_dma source(%dma_start3A_31 : memref<16x128xi32, #tpu.memory_space<hbm>>) target(%arg11 : memref<16x128xi32, #tpu.memory_space<vmem>>) target_semaphore(%arg16 : memref<!tpu.dma_semaphore, #tpu.memory_space<semaphore_mem>>)
      %dma_start3A_32 = arith.constant 0 : i32
      %dma_start3A_33 = arith.constant 0 : i32
      %dma_start3A_34 = tpu.memref_slice %arg8[%dma_start3A_32, %dma_start3A_33] : memref<16x128xi32, #tpu.memory_space<vmem>> -> memref<1x128xi32, #tpu.memory_space<vmem>>
      %dma_start3A_35 = tpu.memref_squeeze %dma_start3A_34 : memref<1x128xi32, #tpu.memory_space<vmem>> -> memref<128xi32, #tpu.memory_space<vmem>>
      %dma_start3A_36 = arith.constant 0 : i32
      %dma_start3A_37 = arith.constant 0 : i32
      %dma_start3A_38 = tpu.memref_slice %arg2[%dma_start3A_36, %dma_start3A_37] : memref<20480x128xf32, #tpu.memory_space<hbm>> -> memref<20480x128xf32, #tpu.memory_space<hbm>>
      tpu.enqueue_indirect_dma source(%dma_start3A_38 : memref<20480x128xf32, #tpu.memory_space<hbm>>) target(%arg12 : memref<128x128xf32, #tpu.memory_space<vmem>>) offsets(%dma_start3A_35 : memref<128xi32, #tpu.memory_space<vmem>>) semaphore(%arg14 : memref<!tpu.dma_semaphore, #tpu.memory_space<semaphore_mem>>)
      %scan3A_39 = arith.constant 0 : i32
      %scan3A_40 = arith.constant 0 : i32
      %scan3A_41 = arith.constant 8 : i32
      %scan3A_42 = arith.addi %scan3A_40, %scan3A_41 : i32
      %scan3A_43 = arith.constant 1 : i32
      scf.for %scan3A_96 = %scan3A_40 to %scan3A_42 step %scan3A_43  : i32 {
        %mul3A_97 = arith.constant 2 : i32
        %mul3A_98 = arith.muli %mul3A_97, %scan3A_96 : i32
        %dma_wait3A_99 = arith.constant 0 : i32
        %dma_wait3A_100 = arith.constant 0 : i32
        %dma_wait3A_101 = tpu.memref_slice %arg5[%dma_wait3A_99, %dma_wait3A_100] : memref<640x128xf32, #tpu.memory_space<hbm>> -> memref<128x128xf32, #tpu.memory_space<hbm>>
        %dma_wait3A_102 = arith.constant 0 : i32
        %dma_wait3A_103 = arith.constant 0 : i32
        %dma_wait3A_104 = tpu.memref_slice %arg5[%dma_wait3A_102, %dma_wait3A_103] : memref<640x128xf32, #tpu.memory_space<hbm>> -> memref<128x128xf32, #tpu.memory_space<hbm>>
        tpu.wait_dma2 semaphore(%arg14 : memref<!tpu.dma_semaphore, #tpu.memory_space<semaphore_mem>>) src(%dma_wait3A_104 : memref<128x128xf32, #tpu.memory_space<hbm>>) dst(%arg12 : memref<128x128xf32, #tpu.memory_space<vmem>>)
        %gt3A = arith.constant 0 : i32
        %gt3A_105 = arith.cmpi sgt, %scan3A_96, %gt3A : i32
        %convert_element_type3A_106 = arith.extui %gt3A_105 : i1 to i32
        %cond3A_107 = arith.constant 0 : i32
        %cond3A_108 = arith.cmpi ne, %convert_element_type3A_106, %cond3A_107 : i32
        scf.if %cond3A_108 {
          %dma_wait3A_150 = arith.constant 0 : i32
          %dma_wait3A_151 = arith.constant 0 : i32
          %dma_wait3A_152 = tpu.memref_slice %arg7[%dma_wait3A_150, %dma_wait3A_151] : memref<10240x128xf32, #tpu.memory_space<vmem_shared>> -> memref<128x128xf32, #tpu.memory_space<vmem_shared>>
          %dma_wait3A_153 = arith.constant 0 : i32
          %dma_wait3A_154 = arith.constant 0 : i32
          %dma_wait3A_155 = tpu.memref_slice %arg7[%dma_wait3A_153, %dma_wait3A_154] : memref<10240x128xf32, #tpu.memory_space<vmem_shared>> -> memref<128x128xf32, #tpu.memory_space<vmem_shared>>
          tpu.wait_dma2 semaphore(%arg15 : memref<!tpu.dma_semaphore, #tpu.memory_space<semaphore_mem>>) src(%arg12 : memref<128x128xf32, #tpu.memory_space<vmem>>) dst(%dma_wait3A_155 : memref<128x128xf32, #tpu.memory_space<vmem_shared>>)
        } else {
        }
        %add3A_109 = arith.constant 1 : i32
        %add3A_110 = arith.addi %mul3A_98, %add3A_109 : i32
        %dma_start3A_111 = arith.constant 0 : i32
        %dma_start3A_112 = tpu.memref_slice %arg8[%add3A_110, %dma_start3A_111] : memref<16x128xi32, #tpu.memory_space<vmem>> -> memref<1x128xi32, #tpu.memory_space<vmem>>
        %dma_start3A_113 = tpu.memref_squeeze %dma_start3A_112 : memref<1x128xi32, #tpu.memory_space<vmem>> -> memref<128xi32, #tpu.memory_space<vmem>>
        %dma_start3A_114 = arith.constant 0 : i32
        %dma_start3A_115 = arith.constant 0 : i32
        %dma_start3A_116 = tpu.memref_slice %arg2[%dma_start3A_114, %dma_start3A_115] : memref<20480x128xf32, #tpu.memory_space<hbm>> -> memref<20480x128xf32, #tpu.memory_space<hbm>>
        tpu.enqueue_indirect_dma source(%dma_start3A_116 : memref<20480x128xf32, #tpu.memory_space<hbm>>) target(%arg13 : memref<128x128xf32, #tpu.memory_space<vmem>>) offsets(%dma_start3A_113 : memref<128xi32, #tpu.memory_space<vmem>>) semaphore(%arg14 : memref<!tpu.dma_semaphore, #tpu.memory_space<semaphore_mem>>)
        %dma_start3A_117 = arith.constant 0 : i32
        %dma_start3A_118 = tpu.memref_slice %arg9[%mul3A_98, %dma_start3A_117] : memref<16x128xi32, #tpu.memory_space<vmem>> -> memref<1x128xi32, #tpu.memory_space<vmem>>
        %dma_start3A_119 = tpu.memref_squeeze %dma_start3A_118 : memref<1x128xi32, #tpu.memory_space<vmem>> -> memref<128xi32, #tpu.memory_space<vmem>>
        %dma_start3A_120 = arith.constant 0 : i32
        %dma_start3A_121 = arith.constant 0 : i32
        %dma_start3A_122 = tpu.memref_slice %arg7[%dma_start3A_120, %dma_start3A_121] : memref<10240x128xf32, #tpu.memory_space<vmem_shared>> -> memref<10240x128xf32, #tpu.memory_space<vmem_shared>>
        tpu.enqueue_indirect_dma source(%arg12 : memref<128x128xf32, #tpu.memory_space<vmem>>) target(%dma_start3A_122 : memref<10240x128xf32, #tpu.memory_space<vmem_shared>>) offsets(%dma_start3A_119 : memref<128xi32, #tpu.memory_space<vmem>>) semaphore(%arg15 : memref<!tpu.dma_semaphore, #tpu.memory_space<semaphore_mem>>) {add = true}
        %dma_wait3A_123 = arith.constant 0 : i32
        %dma_wait3A_124 = arith.constant 0 : i32
        %dma_wait3A_125 = tpu.memref_slice %arg5[%dma_wait3A_123, %dma_wait3A_124] : memref<640x128xf32, #tpu.memory_space<hbm>> -> memref<128x128xf32, #tpu.memory_space<hbm>>
        %dma_wait3A_126 = arith.constant 0 : i32
        %dma_wait3A_127 = arith.constant 0 : i32
        %dma_wait3A_128 = tpu.memref_slice %arg5[%dma_wait3A_126, %dma_wait3A_127] : memref<640x128xf32, #tpu.memory_space<hbm>> -> memref<128x128xf32, #tpu.memory_space<hbm>>
        tpu.wait_dma2 semaphore(%arg14 : memref<!tpu.dma_semaphore, #tpu.memory_space<semaphore_mem>>) src(%dma_wait3A_128 : memref<128x128xf32, #tpu.memory_space<hbm>>) dst(%arg13 : memref<128x128xf32, #tpu.memory_space<vmem>>)
        %dma_wait3A_129 = arith.constant 0 : i32
        %dma_wait3A_130 = arith.constant 0 : i32
        %dma_wait3A_131 = tpu.memref_slice %arg7[%dma_wait3A_129, %dma_wait3A_130] : memref<10240x128xf32, #tpu.memory_space<vmem_shared>> -> memref<128x128xf32, #tpu.memory_space<vmem_shared>>
        %dma_wait3A_132 = arith.constant 0 : i32
        %dma_wait3A_133 = arith.constant 0 : i32
        %dma_wait3A_134 = tpu.memref_slice %arg7[%dma_wait3A_132, %dma_wait3A_133] : memref<10240x128xf32, #tpu.memory_space<vmem_shared>> -> memref<128x128xf32, #tpu.memory_space<vmem_shared>>
        tpu.wait_dma2 semaphore(%arg15 : memref<!tpu.dma_semaphore, #tpu.memory_space<semaphore_mem>>) src(%arg12 : memref<128x128xf32, #tpu.memory_space<vmem>>) dst(%dma_wait3A_134 : memref<128x128xf32, #tpu.memory_space<vmem_shared>>)
        %add3A_135 = arith.constant 2 : i32
        %add3A_136 = arith.addi %mul3A_98, %add3A_135 : i32
        %lt3A_137 = arith.constant 16 : i32
        %lt3A_138 = arith.cmpi slt, %add3A_136, %lt3A_137 : i32
        %convert_element_type3A_139 = arith.extui %lt3A_138 : i1 to i32
        %cond3A_140 = arith.constant 0 : i32
        %cond3A_141 = arith.cmpi ne, %convert_element_type3A_139, %cond3A_140 : i32
        scf.if %cond3A_141 {
          %add3A_150 = arith.constant 2 : i32
          %add3A_151 = arith.addi %mul3A_98, %add3A_150 : i32
          %dma_start3A_152 = arith.constant 0 : i32
          %dma_start3A_153 = tpu.memref_slice %arg8[%add3A_151, %dma_start3A_152] : memref<16x128xi32, #tpu.memory_space<vmem>> -> memref<1x128xi32, #tpu.memory_space<vmem>>
          %dma_start3A_154 = tpu.memref_squeeze %dma_start3A_153 : memref<1x128xi32, #tpu.memory_space<vmem>> -> memref<128xi32, #tpu.memory_space<vmem>>
          %dma_start3A_155 = arith.constant 0 : i32
          %dma_start3A_156 = arith.constant 0 : i32
          %dma_start3A_157 = tpu.memref_slice %arg2[%dma_start3A_155, %dma_start3A_156] : memref<20480x128xf32, #tpu.memory_space<hbm>> -> memref<20480x128xf32, #tpu.memory_space<hbm>>
          tpu.enqueue_indirect_dma source(%dma_start3A_157 : memref<20480x128xf32, #tpu.memory_space<hbm>>) target(%arg12 : memref<128x128xf32, #tpu.memory_space<vmem>>) offsets(%dma_start3A_154 : memref<128xi32, #tpu.memory_space<vmem>>) semaphore(%arg14 : memref<!tpu.dma_semaphore, #tpu.memory_space<semaphore_mem>>)
        } else {
        }
        %add3A_142 = arith.constant 1 : i32
        %add3A_143 = arith.addi %mul3A_98, %add3A_142 : i32
        %dma_start3A_144 = arith.constant 0 : i32
        %dma_start3A_145 = tpu.memref_slice %arg9[%add3A_143, %dma_start3A_144] : memref<16x128xi32, #tpu.memory_space<vmem>> -> memref<1x128xi32, #tpu.memory_space<vmem>>
        %dma_start3A_146 = tpu.memref_squeeze %dma_start3A_145 : memref<1x128xi32, #tpu.memory_space<vmem>> -> memref<128xi32, #tpu.memory_space<vmem>>
        %dma_start3A_147 = arith.constant 0 : i32
        %dma_start3A_148 = arith.constant 0 : i32
        %dma_start3A_149 = tpu.memref_slice %arg7[%dma_start3A_147, %dma_start3A_148] : memref<10240x128xf32, #tpu.memory_space<vmem_shared>> -> memref<10240x128xf32, #tpu.memory_space<vmem_shared>>
        tpu.enqueue_indirect_dma source(%arg13 : memref<128x128xf32, #tpu.memory_space<vmem>>) target(%dma_start3A_149 : memref<10240x128xf32, #tpu.memory_space<vmem_shared>>) offsets(%dma_start3A_146 : memref<128xi32, #tpu.memory_space<vmem>>) semaphore(%arg15 : memref<!tpu.dma_semaphore, #tpu.memory_space<semaphore_mem>>) {add = true}
      }
      %scan3A_44 = arith.constant 8 : i32
      %dma_wait3A = arith.constant 0 : i32
      %dma_wait3A_45 = arith.constant 0 : i32
      %dma_wait3A_46 = tpu.memref_slice %arg7[%dma_wait3A, %dma_wait3A_45] : memref<10240x128xf32, #tpu.memory_space<vmem_shared>> -> memref<128x128xf32, #tpu.memory_space<vmem_shared>>
      %dma_wait3A_47 = arith.constant 0 : i32
      %dma_wait3A_48 = arith.constant 0 : i32
      %dma_wait3A_49 = tpu.memref_slice %arg7[%dma_wait3A_47, %dma_wait3A_48] : memref<10240x128xf32, #tpu.memory_space<vmem_shared>> -> memref<128x128xf32, #tpu.memory_space<vmem_shared>>
      tpu.wait_dma2 semaphore(%arg15 : memref<!tpu.dma_semaphore, #tpu.memory_space<semaphore_mem>>) src(%arg12 : memref<128x128xf32, #tpu.memory_space<vmem>>) dst(%dma_wait3A_49 : memref<128x128xf32, #tpu.memory_space<vmem_shared>>)
      %dma_wait3A_50 = arith.constant 0 : i32
      %dma_wait3A_51 = arith.constant 0 : i32
      %dma_wait3A_52 = tpu.memref_slice %arg3[%add3A, %dma_wait3A_50, %dma_wait3A_51] : memref<32x160x128xi32, #tpu.memory_space<hbm>> -> memref<1x16x128xi32, #tpu.memory_space<hbm>>
      %dma_wait3A_53 = tpu.memref_squeeze %dma_wait3A_52 : memref<1x16x128xi32, #tpu.memory_space<hbm>> -> memref<16x128xi32, #tpu.memory_space<hbm>>
      %dma_wait3A_54 = arith.constant 0 : i32
      %dma_wait3A_55 = arith.constant 0 : i32
      %dma_wait3A_56 = tpu.memref_slice %arg3[%add3A, %dma_wait3A_54, %dma_wait3A_55] : memref<32x160x128xi32, #tpu.memory_space<hbm>> -> memref<1x16x128xi32, #tpu.memory_space<hbm>>
      %dma_wait3A_57 = tpu.memref_squeeze %dma_wait3A_56 : memref<1x16x128xi32, #tpu.memory_space<hbm>> -> memref<16x128xi32, #tpu.memory_space<hbm>>
      tpu.wait_dma2 semaphore(%arg16 : memref<!tpu.dma_semaphore, #tpu.memory_space<semaphore_mem>>) src(%dma_wait3A_57 : memref<16x128xi32, #tpu.memory_space<hbm>>) dst(%arg10 : memref<16x128xi32, #tpu.memory_space<vmem>>)
      %dma_wait3A_58 = arith.constant 0 : i32
      %dma_wait3A_59 = arith.constant 0 : i32
      %dma_wait3A_60 = tpu.memref_slice %arg3[%add3A, %dma_wait3A_58, %dma_wait3A_59] : memref<32x160x128xi32, #tpu.memory_space<hbm>> -> memref<1x16x128xi32, #tpu.memory_space<hbm>>
      %dma_wait3A_61 = tpu.memref_squeeze %dma_wait3A_60 : memref<1x16x128xi32, #tpu.memory_space<hbm>> -> memref<16x128xi32, #tpu.memory_space<hbm>>
      %dma_wait3A_62 = arith.constant 0 : i32
      %dma_wait3A_63 = arith.constant 0 : i32
      %dma_wait3A_64 = tpu.memref_slice %arg3[%add3A, %dma_wait3A_62, %dma_wait3A_63] : memref<32x160x128xi32, #tpu.memory_space<hbm>> -> memref<1x16x128xi32, #tpu.memory_space<hbm>>
      %dma_wait3A_65 = tpu.memref_squeeze %dma_wait3A_64 : memref<1x16x128xi32, #tpu.memory_space<hbm>> -> memref<16x128xi32, #tpu.memory_space<hbm>>
      tpu.wait_dma2 semaphore(%arg16 : memref<!tpu.dma_semaphore, #tpu.memory_space<semaphore_mem>>) src(%dma_wait3A_65 : memref<16x128xi32, #tpu.memory_space<hbm>>) dst(%arg11 : memref<16x128xi32, #tpu.memory_space<vmem>>)
      %add3A_66 = arith.constant 2 : i32
      %add3A_67 = arith.addi %mul3A_14, %add3A_66 : i32
      %lt3A = arith.constant 10 : i32
      %lt3A_68 = arith.cmpi slt, %add3A_67, %lt3A : i32
      %convert_element_type3A = arith.extui %lt3A_68 : i1 to i32
      %cond3A = arith.constant 0 : i32
      %cond3A_69 = arith.cmpi ne, %convert_element_type3A, %cond3A : i32
      scf.if %cond3A_69 {
        %add3A_96 = arith.constant 2 : i32
        %add3A_97 = arith.addi %mul3A_14, %add3A_96 : i32
        %mul3A_98 = arith.constant 16 : i32
        %mul3A_99 = arith.muli %add3A_97, %mul3A_98 : i32
        %dma_start3A_100 = arith.constant 0 : i32
        %dma_start3A_101 = tpu.memref_slice %arg3[%add3A, %mul3A_99, %dma_start3A_100] : memref<32x160x128xi32, #tpu.memory_space<hbm>> -> memref<1x16x128xi32, #tpu.memory_space<hbm>>
        %dma_start3A_102 = tpu.memref_squeeze %dma_start3A_101 : memref<1x16x128xi32, #tpu.memory_space<hbm>> -> memref<16x128xi32, #tpu.memory_space<hbm>>
        %dma_start3A_103 = arith.constant 0 : i32
        %dma_start3A_104 = tpu.memref_slice %arg3[%add3A, %mul3A_99, %dma_start3A_103] : memref<32x160x128xi32, #tpu.memory_space<hbm>> -> memref<1x16x128xi32, #tpu.memory_space<hbm>>
        %dma_start3A_105 = tpu.memref_squeeze %dma_start3A_104 : memref<1x16x128xi32, #tpu.memory_space<hbm>> -> memref<16x128xi32, #tpu.memory_space<hbm>>
        tpu.enqueue_dma source(%dma_start3A_105 : memref<16x128xi32, #tpu.memory_space<hbm>>) target(%arg8 : memref<16x128xi32, #tpu.memory_space<vmem>>) target_semaphore(%arg16 : memref<!tpu.dma_semaphore, #tpu.memory_space<semaphore_mem>>)
        %mul3A_106 = arith.constant 16 : i32
        %mul3A_107 = arith.muli %add3A_97, %mul3A_106 : i32
        %dma_start3A_108 = arith.constant 0 : i32
        %dma_start3A_109 = tpu.memref_slice %arg4[%arg1, %mul3A_107, %dma_start3A_108] : memref<16x160x128xi32, #tpu.memory_space<hbm>> -> memref<1x16x128xi32, #tpu.memory_space<hbm>>
        %dma_start3A_110 = tpu.memref_squeeze %dma_start3A_109 : memref<1x16x128xi32, #tpu.memory_space<hbm>> -> memref<16x128xi32, #tpu.memory_space<hbm>>
        %dma_start3A_111 = arith.constant 0 : i32
        %dma_start3A_112 = tpu.memref_slice %arg4[%arg1, %mul3A_107, %dma_start3A_111] : memref<16x160x128xi32, #tpu.memory_space<hbm>> -> memref<1x16x128xi32, #tpu.memory_space<hbm>>
        %dma_start3A_113 = tpu.memref_squeeze %dma_start3A_112 : memref<1x16x128xi32, #tpu.memory_space<hbm>> -> memref<16x128xi32, #tpu.memory_space<hbm>>
        tpu.enqueue_dma source(%dma_start3A_113 : memref<16x128xi32, #tpu.memory_space<hbm>>) target(%arg9 : memref<16x128xi32, #tpu.memory_space<vmem>>) target_semaphore(%arg16 : memref<!tpu.dma_semaphore, #tpu.memory_space<semaphore_mem>>)
      } else {
      }
      %dma_start3A_70 = arith.constant 0 : i32
      %dma_start3A_71 = arith.constant 0 : i32
      %dma_start3A_72 = tpu.memref_slice %arg10[%dma_start3A_70, %dma_start3A_71] : memref<16x128xi32, #tpu.memory_space<vmem>> -> memref<1x128xi32, #tpu.memory_space<vmem>>
      %dma_start3A_73 = tpu.memref_squeeze %dma_start3A_72 : memref<1x128xi32, #tpu.memory_space<vmem>> -> memref<128xi32, #tpu.memory_space<vmem>>
      %dma_start3A_74 = arith.constant 0 : i32
      %dma_start3A_75 = arith.constant 0 : i32
      %dma_start3A_76 = tpu.memref_slice %arg2[%dma_start3A_74, %dma_start3A_75] : memref<20480x128xf32, #tpu.memory_space<hbm>> -> memref<20480x128xf32, #tpu.memory_space<hbm>>
      tpu.enqueue_indirect_dma source(%dma_start3A_76 : memref<20480x128xf32, #tpu.memory_space<hbm>>) target(%arg12 : memref<128x128xf32, #tpu.memory_space<vmem>>) offsets(%dma_start3A_73 : memref<128xi32, #tpu.memory_space<vmem>>) semaphore(%arg14 : memref<!tpu.dma_semaphore, #tpu.memory_space<semaphore_mem>>)
      %scan3A_77 = arith.constant 0 : i32
      %scan3A_78 = arith.constant 0 : i32
      %scan3A_79 = arith.constant 8 : i32
      %scan3A_80 = arith.addi %scan3A_78, %scan3A_79 : i32
      %scan3A_81 = arith.constant 1 : i32
      scf.for %scan3A_96 = %scan3A_78 to %scan3A_80 step %scan3A_81  : i32 {
        %mul3A_97 = arith.constant 2 : i32
        %mul3A_98 = arith.muli %mul3A_97, %scan3A_96 : i32
        %dma_wait3A_99 = arith.constant 0 : i32
        %dma_wait3A_100 = arith.constant 0 : i32
        %dma_wait3A_101 = tpu.memref_slice %arg5[%dma_wait3A_99, %dma_wait3A_100] : memref<640x128xf32, #tpu.memory_space<hbm>> -> memref<128x128xf32, #tpu.memory_space<hbm>>
        %dma_wait3A_102 = arith.constant 0 : i32
        %dma_wait3A_103 = arith.constant 0 : i32
        %dma_wait3A_104 = tpu.memref_slice %arg5[%dma_wait3A_102, %dma_wait3A_103] : memref<640x128xf32, #tpu.memory_space<hbm>> -> memref<128x128xf32, #tpu.memory_space<hbm>>
        tpu.wait_dma2 semaphore(%arg14 : memref<!tpu.dma_semaphore, #tpu.memory_space<semaphore_mem>>) src(%dma_wait3A_104 : memref<128x128xf32, #tpu.memory_space<hbm>>) dst(%arg12 : memref<128x128xf32, #tpu.memory_space<vmem>>)
        %gt3A = arith.constant 0 : i32
        %gt3A_105 = arith.cmpi sgt, %scan3A_96, %gt3A : i32
        %convert_element_type3A_106 = arith.extui %gt3A_105 : i1 to i32
        %cond3A_107 = arith.constant 0 : i32
        %cond3A_108 = arith.cmpi ne, %convert_element_type3A_106, %cond3A_107 : i32
        scf.if %cond3A_108 {
          %dma_wait3A_150 = arith.constant 0 : i32
          %dma_wait3A_151 = arith.constant 0 : i32
          %dma_wait3A_152 = tpu.memref_slice %arg7[%dma_wait3A_150, %dma_wait3A_151] : memref<10240x128xf32, #tpu.memory_space<vmem_shared>> -> memref<128x128xf32, #tpu.memory_space<vmem_shared>>
          %dma_wait3A_153 = arith.constant 0 : i32
          %dma_wait3A_154 = arith.constant 0 : i32
          %dma_wait3A_155 = tpu.memref_slice %arg7[%dma_wait3A_153, %dma_wait3A_154] : memref<10240x128xf32, #tpu.memory_space<vmem_shared>> -> memref<128x128xf32, #tpu.memory_space<vmem_shared>>
          tpu.wait_dma2 semaphore(%arg15 : memref<!tpu.dma_semaphore, #tpu.memory_space<semaphore_mem>>) src(%arg12 : memref<128x128xf32, #tpu.memory_space<vmem>>) dst(%dma_wait3A_155 : memref<128x128xf32, #tpu.memory_space<vmem_shared>>)
        } else {
        }
        %add3A_109 = arith.constant 1 : i32
        %add3A_110 = arith.addi %mul3A_98, %add3A_109 : i32
        %dma_start3A_111 = arith.constant 0 : i32
        %dma_start3A_112 = tpu.memref_slice %arg10[%add3A_110, %dma_start3A_111] : memref<16x128xi32, #tpu.memory_space<vmem>> -> memref<1x128xi32, #tpu.memory_space<vmem>>
        %dma_start3A_113 = tpu.memref_squeeze %dma_start3A_112 : memref<1x128xi32, #tpu.memory_space<vmem>> -> memref<128xi32, #tpu.memory_space<vmem>>
        %dma_start3A_114 = arith.constant 0 : i32
        %dma_start3A_115 = arith.constant 0 : i32
        %dma_start3A_116 = tpu.memref_slice %arg2[%dma_start3A_114, %dma_start3A_115] : memref<20480x128xf32, #tpu.memory_space<hbm>> -> memref<20480x128xf32, #tpu.memory_space<hbm>>
        tpu.enqueue_indirect_dma source(%dma_start3A_116 : memref<20480x128xf32, #tpu.memory_space<hbm>>) target(%arg13 : memref<128x128xf32, #tpu.memory_space<vmem>>) offsets(%dma_start3A_113 : memref<128xi32, #tpu.memory_space<vmem>>) semaphore(%arg14 : memref<!tpu.dma_semaphore, #tpu.memory_space<semaphore_mem>>)
        %dma_start3A_117 = arith.constant 0 : i32
        %dma_start3A_118 = tpu.memref_slice %arg11[%mul3A_98, %dma_start3A_117] : memref<16x128xi32, #tpu.memory_space<vmem>> -> memref<1x128xi32, #tpu.memory_space<vmem>>
        %dma_start3A_119 = tpu.memref_squeeze %dma_start3A_118 : memref<1x128xi32, #tpu.memory_space<vmem>> -> memref<128xi32, #tpu.memory_space<vmem>>
        %dma_start3A_120 = arith.constant 0 : i32
        %dma_start3A_121 = arith.constant 0 : i32
        %dma_start3A_122 = tpu.memref_slice %arg7[%dma_start3A_120, %dma_start3A_121] : memref<10240x128xf32, #tpu.memory_space<vmem_shared>> -> memref<10240x128xf32, #tpu.memory_space<vmem_shared>>
        tpu.enqueue_indirect_dma source(%arg12 : memref<128x128xf32, #tpu.memory_space<vmem>>) target(%dma_start3A_122 : memref<10240x128xf32, #tpu.memory_space<vmem_shared>>) offsets(%dma_start3A_119 : memref<128xi32, #tpu.memory_space<vmem>>) semaphore(%arg15 : memref<!tpu.dma_semaphore, #tpu.memory_space<semaphore_mem>>) {add = true}
        %dma_wait3A_123 = arith.constant 0 : i32
        %dma_wait3A_124 = arith.constant 0 : i32
        %dma_wait3A_125 = tpu.memref_slice %arg5[%dma_wait3A_123, %dma_wait3A_124] : memref<640x128xf32, #tpu.memory_space<hbm>> -> memref<128x128xf32, #tpu.memory_space<hbm>>
        %dma_wait3A_126 = arith.constant 0 : i32
        %dma_wait3A_127 = arith.constant 0 : i32
        %dma_wait3A_128 = tpu.memref_slice %arg5[%dma_wait3A_126, %dma_wait3A_127] : memref<640x128xf32, #tpu.memory_space<hbm>> -> memref<128x128xf32, #tpu.memory_space<hbm>>
        tpu.wait_dma2 semaphore(%arg14 : memref<!tpu.dma_semaphore, #tpu.memory_space<semaphore_mem>>) src(%dma_wait3A_128 : memref<128x128xf32, #tpu.memory_space<hbm>>) dst(%arg13 : memref<128x128xf32, #tpu.memory_space<vmem>>)
        %dma_wait3A_129 = arith.constant 0 : i32
        %dma_wait3A_130 = arith.constant 0 : i32
        %dma_wait3A_131 = tpu.memref_slice %arg7[%dma_wait3A_129, %dma_wait3A_130] : memref<10240x128xf32, #tpu.memory_space<vmem_shared>> -> memref<128x128xf32, #tpu.memory_space<vmem_shared>>
        %dma_wait3A_132 = arith.constant 0 : i32
        %dma_wait3A_133 = arith.constant 0 : i32
        %dma_wait3A_134 = tpu.memref_slice %arg7[%dma_wait3A_132, %dma_wait3A_133] : memref<10240x128xf32, #tpu.memory_space<vmem_shared>> -> memref<128x128xf32, #tpu.memory_space<vmem_shared>>
        tpu.wait_dma2 semaphore(%arg15 : memref<!tpu.dma_semaphore, #tpu.memory_space<semaphore_mem>>) src(%arg12 : memref<128x128xf32, #tpu.memory_space<vmem>>) dst(%dma_wait3A_134 : memref<128x128xf32, #tpu.memory_space<vmem_shared>>)
        %add3A_135 = arith.constant 2 : i32
        %add3A_136 = arith.addi %mul3A_98, %add3A_135 : i32
        %lt3A_137 = arith.constant 16 : i32
        %lt3A_138 = arith.cmpi slt, %add3A_136, %lt3A_137 : i32
        %convert_element_type3A_139 = arith.extui %lt3A_138 : i1 to i32
        %cond3A_140 = arith.constant 0 : i32
        %cond3A_141 = arith.cmpi ne, %convert_element_type3A_139, %cond3A_140 : i32
        scf.if %cond3A_141 {
          %add3A_150 = arith.constant 2 : i32
          %add3A_151 = arith.addi %mul3A_98, %add3A_150 : i32
          %dma_start3A_152 = arith.constant 0 : i32
          %dma_start3A_153 = tpu.memref_slice %arg10[%add3A_151, %dma_start3A_152] : memref<16x128xi32, #tpu.memory_space<vmem>> -> memref<1x128xi32, #tpu.memory_space<vmem>>
          %dma_start3A_154 = tpu.memref_squeeze %dma_start3A_153 : memref<1x128xi32, #tpu.memory_space<vmem>> -> memref<128xi32, #tpu.memory_space<vmem>>
          %dma_start3A_155 = arith.constant 0 : i32
          %dma_start3A_156 = arith.constant 0 : i32
          %dma_start3A_157 = tpu.memref_slice %arg2[%dma_start3A_155, %dma_start3A_156] : memref<20480x128xf32, #tpu.memory_space<hbm>> -> memref<20480x128xf32, #tpu.memory_space<hbm>>
          tpu.enqueue_indirect_dma source(%dma_start3A_157 : memref<20480x128xf32, #tpu.memory_space<hbm>>) target(%arg12 : memref<128x128xf32, #tpu.memory_space<vmem>>) offsets(%dma_start3A_154 : memref<128xi32, #tpu.memory_space<vmem>>) semaphore(%arg14 : memref<!tpu.dma_semaphore, #tpu.memory_space<semaphore_mem>>)
        } else {
        }
        %add3A_142 = arith.constant 1 : i32
        %add3A_143 = arith.addi %mul3A_98, %add3A_142 : i32
        %dma_start3A_144 = arith.constant 0 : i32
        %dma_start3A_145 = tpu.memref_slice %arg11[%add3A_143, %dma_start3A_144] : memref<16x128xi32, #tpu.memory_space<vmem>> -> memref<1x128xi32, #tpu.memory_space<vmem>>
        %dma_start3A_146 = tpu.memref_squeeze %dma_start3A_145 : memref<1x128xi32, #tpu.memory_space<vmem>> -> memref<128xi32, #tpu.memory_space<vmem>>
        %dma_start3A_147 = arith.constant 0 : i32
        %dma_start3A_148 = arith.constant 0 : i32
        %dma_start3A_149 = tpu.memref_slice %arg7[%dma_start3A_147, %dma_start3A_148] : memref<10240x128xf32, #tpu.memory_space<vmem_shared>> -> memref<10240x128xf32, #tpu.memory_space<vmem_shared>>
        tpu.enqueue_indirect_dma source(%arg13 : memref<128x128xf32, #tpu.memory_space<vmem>>) target(%dma_start3A_149 : memref<10240x128xf32, #tpu.memory_space<vmem_shared>>) offsets(%dma_start3A_146 : memref<128xi32, #tpu.memory_space<vmem>>) semaphore(%arg15 : memref<!tpu.dma_semaphore, #tpu.memory_space<semaphore_mem>>) {add = true}
      }
      %scan3A_82 = arith.constant 8 : i32
      %dma_wait3A_83 = arith.constant 0 : i32
      %dma_wait3A_84 = arith.constant 0 : i32
      %dma_wait3A_85 = tpu.memref_slice %arg7[%dma_wait3A_83, %dma_wait3A_84] : memref<10240x128xf32, #tpu.memory_space<vmem_shared>> -> memref<128x128xf32, #tpu.memory_space<vmem_shared>>
      %dma_wait3A_86 = arith.constant 0 : i32
      %dma_wait3A_87 = arith.constant 0 : i32
      %dma_wait3A_88 = tpu.memref_slice %arg7[%dma_wait3A_86, %dma_wait3A_87] : memref<10240x128xf32, #tpu.memory_space<vmem_shared>> -> memref<128x128xf32, #tpu.memory_space<vmem_shared>>
      tpu.wait_dma2 semaphore(%arg15 : memref<!tpu.dma_semaphore, #tpu.memory_space<semaphore_mem>>) src(%arg12 : memref<128x128xf32, #tpu.memory_space<vmem>>) dst(%dma_wait3A_88 : memref<128x128xf32, #tpu.memory_space<vmem_shared>>)
      %add3A_89 = arith.constant 2 : i32
      %add3A_90 = arith.addi %mul3A_14, %add3A_89 : i32
      %lt3A_91 = arith.constant 10 : i32
      %lt3A_92 = arith.cmpi slt, %add3A_90, %lt3A_91 : i32
      %convert_element_type3A_93 = arith.extui %lt3A_92 : i1 to i32
      %cond3A_94 = arith.constant 0 : i32
      %cond3A_95 = arith.cmpi ne, %convert_element_type3A_93, %cond3A_94 : i32
      scf.if %cond3A_95 {
        %dma_wait3A_96 = arith.constant 0 : i32
        %dma_wait3A_97 = arith.constant 0 : i32
        %dma_wait3A_98 = tpu.memref_slice %arg3[%add3A, %dma_wait3A_96, %dma_wait3A_97] : memref<32x160x128xi32, #tpu.memory_space<hbm>> -> memref<1x16x128xi32, #tpu.memory_space<hbm>>
        %dma_wait3A_99 = tpu.memref_squeeze %dma_wait3A_98 : memref<1x16x128xi32, #tpu.memory_space<hbm>> -> memref<16x128xi32, #tpu.memory_space<hbm>>
        %dma_wait3A_100 = arith.constant 0 : i32
        %dma_wait3A_101 = arith.constant 0 : i32
        %dma_wait3A_102 = tpu.memref_slice %arg3[%add3A, %dma_wait3A_100, %dma_wait3A_101] : memref<32x160x128xi32, #tpu.memory_space<hbm>> -> memref<1x16x128xi32, #tpu.memory_space<hbm>>
        %dma_wait3A_103 = tpu.memref_squeeze %dma_wait3A_102 : memref<1x16x128xi32, #tpu.memory_space<hbm>> -> memref<16x128xi32, #tpu.memory_space<hbm>>
        tpu.wait_dma2 semaphore(%arg16 : memref<!tpu.dma_semaphore, #tpu.memory_space<semaphore_mem>>) src(%dma_wait3A_103 : memref<16x128xi32, #tpu.memory_space<hbm>>) dst(%arg8 : memref<16x128xi32, #tpu.memory_space<vmem>>)
        %dma_wait3A_104 = arith.constant 0 : i32
        %dma_wait3A_105 = arith.constant 0 : i32
        %dma_wait3A_106 = tpu.memref_slice %arg3[%add3A, %dma_wait3A_104, %dma_wait3A_105] : memref<32x160x128xi32, #tpu.memory_space<hbm>> -> memref<1x16x128xi32, #tpu.memory_space<hbm>>
        %dma_wait3A_107 = tpu.memref_squeeze %dma_wait3A_106 : memref<1x16x128xi32, #tpu.memory_space<hbm>> -> memref<16x128xi32, #tpu.memory_space<hbm>>
        %dma_wait3A_108 = arith.constant 0 : i32
        %dma_wait3A_109 = arith.constant 0 : i32
        %dma_wait3A_110 = tpu.memref_slice %arg3[%add3A, %dma_wait3A_108, %dma_wait3A_109] : memref<32x160x128xi32, #tpu.memory_space<hbm>> -> memref<1x16x128xi32, #tpu.memory_space<hbm>>
        %dma_wait3A_111 = tpu.memref_squeeze %dma_wait3A_110 : memref<1x16x128xi32, #tpu.memory_space<hbm>> -> memref<16x128xi32, #tpu.memory_space<hbm>>
        tpu.wait_dma2 semaphore(%arg16 : memref<!tpu.dma_semaphore, #tpu.memory_space<semaphore_mem>>) src(%dma_wait3A_111 : memref<16x128xi32, #tpu.memory_space<hbm>>) dst(%arg9 : memref<16x128xi32, #tpu.memory_space<vmem>>)
      } else {
      }
    }
    %scan3A_7 = arith.constant 5 : i32
    %barrier3A_8 = arith.constant 0 : index
    tpu.barrier barrier_id(%barrier3A_8)
    %mul3A_9 = arith.constant 10240 : i32
    %mul3A_10 = arith.muli %arg0, %mul3A_9 : i32
    %add3A_11 = arith.addi %mul3A_10, %mul3A_2 : i32
    "tpu.region"() ({
      %run_scoped3A = tpu.sem_alloc : memref<!tpu.dma_semaphore, #tpu.memory_space<semaphore_mem>>
      %dma_start3A = arith.constant 0 : i32
      %dma_start3A_12 = tpu.memref_slice %arg6[%add3A_11, %dma_start3A] : memref<20480x128xf32, #tpu.memory_space<hbm>> -> memref<640x128xf32, #tpu.memory_space<hbm>>
      %dma_start3A_13 = arith.constant 0 : i32
      %dma_start3A_14 = tpu.memref_slice %arg7[%mul3A_2, %dma_start3A_13] : memref<10240x128xf32, #tpu.memory_space<vmem_shared>> -> memref<640x128xf32, #tpu.memory_space<vmem_shared>>
      tpu.enqueue_dma source(%dma_start3A_14 : memref<640x128xf32, #tpu.memory_space<vmem_shared>>) target(%dma_start3A_12 : memref<640x128xf32, #tpu.memory_space<hbm>>) target_semaphore(%run_scoped3A : memref<!tpu.dma_semaphore, #tpu.memory_space<semaphore_mem>>)
      %dma_wait3A = arith.constant 0 : i32
      %dma_wait3A_15 = tpu.memref_slice %arg6[%add3A_11, %dma_wait3A] : memref<20480x128xf32, #tpu.memory_space<hbm>> -> memref<640x128xf32, #tpu.memory_space<hbm>>
      %dma_wait3A_16 = arith.constant 0 : i32
      %dma_wait3A_17 = tpu.memref_slice %arg7[%mul3A_2, %dma_wait3A_16] : memref<10240x128xf32, #tpu.memory_space<vmem_shared>> -> memref<640x128xf32, #tpu.memory_space<vmem_shared>>
      tpu.wait_dma2 semaphore(%run_scoped3A : memref<!tpu.dma_semaphore, #tpu.memory_space<semaphore_mem>>) src(%dma_wait3A_17 : memref<640x128xf32, #tpu.memory_space<vmem_shared>>) dst(%dma_wait3A_15 : memref<640x128xf32, #tpu.memory_space<hbm>>)
      tpu.yield
    }) : () -> ()
    return
  }
}

module attributes {stable_mosaic.version = 14 : i64} {
  func.func @body(%arg0: i32, %arg1: memref<5120x128xf32, #tpu.memory_space<vmem>>, %arg2: memref<5120x1xf32, #tpu.memory_space<vmem>>, %arg3: memref<5120x128xf32, #tpu.memory_space<vmem>>) attributes {dimension_semantics = [#tpu.dimension_semantics<arbitrary>], iteration_bounds = array<i64: 4>, scalar_prefetch = 0 : i64, scratch_operands = 0 : i64, tpu.core_type = #tpu.core_type<tc>, window_params = [{transform_indices = @transform_0, window_bounds = array<i64: 5120, 128>}, {transform_indices = @transform_1, window_bounds = array<i64: 5120, 1>}, {transform_indices = @transform_2, window_bounds = array<i64: 5120, 128>}]} {
    %get3A = arith.constant 0 : index
    %get3A_0 = arith.constant 0 : index
    %get3A_1 = vector.load %arg1[%get3A, %get3A_0] : memref<5120x128xf32, #tpu.memory_space<vmem>>, vector<5120x128xf32>
    %get3A_2 = arith.constant 0 : index
    %get3A_3 = arith.constant 0 : index
    %get3A_4 = vector.load %arg2[%get3A_2, %get3A_3] : memref<5120x1xf32, #tpu.memory_space<vmem>>, vector<5120x1xf32>
    %gt3A = arith.constant 0.000000e+00 : f32
    %gt3A_5 = vector.broadcast %gt3A : f32 to vector<5120x1xf32>
    %gt3A_6 = arith.cmpf ogt, %get3A_4, %gt3A_5 : vector<5120x1xf32>
    %max3A = arith.constant 1.000000e+00 : f32
    %max3A_7 = vector.broadcast %max3A : f32 to vector<5120x1xf32>
    %max3A_8 = arith.maximumf %get3A_4, %max3A_7 : vector<5120x1xf32>
    %rsqrt3A = math.rsqrt %max3A_8 : vector<5120x1xf32>
    %jit3A = arith.constant 0.000000e+00 : f32
    %broadcast_in_dim3A = vector.broadcast %jit3A : f32 to vector<5120x1xf32>
    %select_n3A = arith.select %gt3A_6, %rsqrt3A, %broadcast_in_dim3A : vector<5120x1xi1>, vector<5120x1xf32>
    %mul3A = vector.broadcast %select_n3A : vector<5120x1xf32> to vector<5120x128xf32>
    %mul3A_9 = arith.mulf %get3A_1, %mul3A : vector<5120x128xf32>
    %swap3A = arith.constant 0 : index
    %swap3A_10 = arith.constant 0 : index
    %swap3A_11 = vector.load %arg3[%swap3A, %swap3A_10] : memref<5120x128xf32, #tpu.memory_space<vmem>>, vector<5120x128xf32>
    tpu.vector_store %arg3[%swap3A, %swap3A_10], %mul3A_9 {strides = array<i32>} : memref<5120x128xf32, #tpu.memory_space<vmem>>, vector<5120x128xf32>,
    return
  }
  func.func @transform_0(%arg0: i32) -> (i32, i32) {
    %c0_i32 = arith.constant 0 : i32
    %c0_i32_0 = arith.constant 0 : i32
    return %arg0, %c0_i32 : i32, i32
  }
  func.func @transform_1(%arg0: i32) -> (i32, i32) {
    %jit3A = arith.constant 2 : i32
    %eq3A = arith.constant 0 : i32
    %eq3A_0 = arith.cmpi eq, %jit3A, %eq3A : i32
    %jit3A_1 = arith.constant 1 : i32
    %select_n3A = arith.select %eq3A_0, %jit3A_1, %jit3A : i32
    %rem3A = arith.remsi %arg0, %select_n3A : i32
    %ne3A = arith.constant 0 : i32
    %ne3A_2 = arith.cmpi ne, %rem3A, %ne3A : i32
    %lt3A = arith.constant 0 : i32
    %lt3A_3 = arith.cmpi slt, %rem3A, %lt3A : i32
    %lt3A_4 = arith.constant 0 : i32
    %lt3A_5 = arith.cmpi slt, %select_n3A, %lt3A_4 : i32
    %ne3A_6 = arith.xori %lt3A_3, %lt3A_5 : i1
    %and3A = arith.andi %ne3A_6, %ne3A_2 : i1
    %add3A = arith.addi %rem3A, %select_n3A : i32
    %select_n3A_7 = arith.select %and3A, %add3A, %rem3A : i32
    %c0_i32 = arith.constant 0 : i32
    %c0_i32_8 = arith.constant 0 : i32
    return %select_n3A_7, %c0_i32 : i32, i32
  }
  func.func @transform_2(%arg0: i32) -> (i32, i32) {
    %c0_i32 = arith.constant 0 : i32
    %c0_i32_0 = arith.constant 0 : i32
    return %arg0, %c0_i32 : i32, i32
  }
}

module attributes {stable_mosaic.version = 14 : i64} {
  func.func @body(%arg0: i32, %arg1: memref<5120x128xf32, #tpu.memory_space<vmem>>, %arg2: memref<5120x1xf32, #tpu.memory_space<vmem>>, %arg3: memref<128x128xf32, #tpu.memory_space<vmem>>, %arg4: memref<1x128xf32, #tpu.memory_space<vmem>>, %arg5: memref<5120x128xf32, #tpu.memory_space<vmem>>) attributes {dimension_semantics = [#tpu.dimension_semantics<arbitrary>], iteration_bounds = array<i64: 4>, scalar_prefetch = 0 : i64, scratch_operands = 0 : i64, tpu.core_type = #tpu.core_type<tc>, window_params = [{transform_indices = @transform_0, window_bounds = array<i64: 5120, 128>}, {transform_indices = @transform_1, window_bounds = array<i64: 5120, 1>}, {pipeline_mode = #tpu.pipeline_mode<synchronous>, transform_indices = @transform_2, window_bounds = array<i64: 128, 128>}, {pipeline_mode = #tpu.pipeline_mode<synchronous>, transform_indices = @transform_3, window_bounds = array<i64: 1, 128>}, {transform_indices = @transform_4, window_bounds = array<i64: 5120, 128>}]} {
    %get3A = arith.constant 0 : index
    %get3A_0 = arith.constant 0 : index
    %get3A_1 = vector.load %arg2[%get3A, %get3A_0] : memref<5120x1xf32, #tpu.memory_space<vmem>>, vector<5120x1xf32>
    %gt3A = arith.constant 0.000000e+00 : f32
    %gt3A_2 = vector.broadcast %gt3A : f32 to vector<5120x1xf32>
    %gt3A_3 = arith.cmpf ogt, %get3A_1, %gt3A_2 : vector<5120x1xf32>
    %max3A = arith.constant 1.000000e+00 : f32
    %max3A_4 = vector.broadcast %max3A : f32 to vector<5120x1xf32>
    %max3A_5 = arith.maximumf %get3A_1, %max3A_4 : vector<5120x1xf32>
    %rsqrt3A = math.rsqrt %max3A_5 : vector<5120x1xf32>
    %jit3A = arith.constant 0.000000e+00 : f32
    %broadcast_in_dim3A = vector.broadcast %jit3A : f32 to vector<5120x1xf32>
    %select_n3A = arith.select %gt3A_3, %rsqrt3A, %broadcast_in_dim3A : vector<5120x1xi1>, vector<5120x1xf32>
    %get3A_6 = arith.constant 0 : index
    %get3A_7 = arith.constant 0 : index
    %get3A_8 = vector.load %arg1[%get3A_6, %get3A_7] : memref<5120x128xf32, #tpu.memory_space<vmem>>, vector<5120x128xf32>
    %mul3A = vector.broadcast %select_n3A : vector<5120x1xf32> to vector<5120x128xf32>
    %mul3A_9 = arith.mulf %get3A_8, %mul3A : vector<5120x128xf32>
    %get3A_10 = arith.constant 0 : index
    %get3A_11 = arith.constant 0 : index
    %get3A_12 = vector.load %arg3[%get3A_10, %get3A_11] : memref<128x128xf32, #tpu.memory_space<vmem>>, vector<128x128xf32>
    %dot_general3A = arith.constant dense<0.000000e+00> : vector<5120x128xf32>
    %dot_general3A_13 = tpu.matmul %mul3A_9, %get3A_12, %dot_general3A {dimension_numbers = #tpu.dot_dimension_numbers<[1], [0], [0], [1], [0, 0, 1, 1], [], []>, transpose_lhs_hint = false} : vector<5120x128xf32>, vector<128x128xf32>, vector<5120x128xf32> -> vector<5120x128xf32>
    %get3A_14 = arith.constant 0 : index
    %get3A_15 = arith.constant 0 : index
    %get3A_16 = vector.load %arg4[%get3A_14, %get3A_15] : memref<1x128xf32, #tpu.memory_space<vmem>>, vector<1x128xf32>
    %add3A = vector.broadcast %get3A_16 : vector<1x128xf32> to vector<5120x128xf32>
    %add3A_17 = arith.addf %dot_general3A_13, %add3A : vector<5120x128xf32>
    %max3A_18 = arith.constant 0.000000e+00 : f32
    %max3A_19 = vector.broadcast %max3A_18 : f32 to vector<5120x128xf32>
    %max3A_20 = arith.maximumf %add3A_17, %max3A_19 : vector<5120x128xf32>
    %mul3A_21 = vector.broadcast %select_n3A : vector<5120x1xf32> to vector<5120x128xf32>
    %mul3A_22 = arith.mulf %max3A_20, %mul3A_21 : vector<5120x128xf32>
    %swap3A = arith.constant 0 : index
    %swap3A_23 = arith.constant 0 : index
    %swap3A_24 = vector.load %arg5[%swap3A, %swap3A_23] : memref<5120x128xf32, #tpu.memory_space<vmem>>, vector<5120x128xf32>
    tpu.vector_store %arg5[%swap3A, %swap3A_23], %mul3A_22 {strides = array<i32>} : memref<5120x128xf32, #tpu.memory_space<vmem>>, vector<5120x128xf32>,
    return
  }
  func.func @transform_0(%arg0: i32) -> (i32, i32) {
    %c0_i32 = arith.constant 0 : i32
    %c0_i32_0 = arith.constant 0 : i32
    return %arg0, %c0_i32 : i32, i32
  }
  func.func @transform_1(%arg0: i32) -> (i32, i32) {
    %jit3A = arith.constant 2 : i32
    %eq3A = arith.constant 0 : i32
    %eq3A_0 = arith.cmpi eq, %jit3A, %eq3A : i32
    %jit3A_1 = arith.constant 1 : i32
    %select_n3A = arith.select %eq3A_0, %jit3A_1, %jit3A : i32
    %rem3A = arith.remsi %arg0, %select_n3A : i32
    %ne3A = arith.constant 0 : i32
    %ne3A_2 = arith.cmpi ne, %rem3A, %ne3A : i32
    %lt3A = arith.constant 0 : i32
    %lt3A_3 = arith.cmpi slt, %rem3A, %lt3A : i32
    %lt3A_4 = arith.constant 0 : i32
    %lt3A_5 = arith.cmpi slt, %select_n3A, %lt3A_4 : i32
    %ne3A_6 = arith.xori %lt3A_3, %lt3A_5 : i1
    %and3A = arith.andi %ne3A_6, %ne3A_2 : i1
    %add3A = arith.addi %rem3A, %select_n3A : i32
    %select_n3A_7 = arith.select %and3A, %add3A, %rem3A : i32
    %c0_i32 = arith.constant 0 : i32
    %c0_i32_8 = arith.constant 0 : i32
    return %select_n3A_7, %c0_i32 : i32, i32
  }
  func.func @transform_2(%arg0: i32) -> (i32, i32) {
    %c0_i32 = arith.constant 0 : i32
    %c0_i32_0 = arith.constant 0 : i32
    %c0_i32_1 = arith.constant 0 : i32
    return %c0_i32, %c0_i32_0 : i32, i32
  }
  func.func @transform_3(%arg0: i32) -> (i32, i32) {
    %c0_i32 = arith.constant 0 : i32
    %c0_i32_0 = arith.constant 0 : i32
    %c0_i32_1 = arith.constant 0 : i32
    return %c0_i32, %c0_i32_0 : i32, i32
  }
  func.func @transform_4(%arg0: i32) -> (i32, i32) {
    %c0_i32 = arith.constant 0 : i32
    %c0_i32_0 = arith.constant 0 : i32
    return %arg0, %c0_i32 : i32, i32
  }
}

module attributes {stable_mosaic.version = 14 : i64} {
  func.func @body(%arg0: i32, %arg1: memref<5120x128xf32, #tpu.memory_space<vmem>>, %arg2: memref<5120x1xf32, #tpu.memory_space<vmem>>, %arg3: memref<128x128xf32, #tpu.memory_space<vmem>>, %arg4: memref<1x128xf32, #tpu.memory_space<vmem>>, %arg5: memref<128x128xf32, #tpu.memory_space<vmem>>, %arg6: memref<1x1xf32, #tpu.memory_space<vmem>>, %arg7: memref<1x128xf32, #tpu.memory_space<vmem>>) attributes {dimension_semantics = [#tpu.dimension_semantics<arbitrary>], iteration_bounds = array<i64: 6>, scalar_prefetch = 0 : i64, scratch_operands = 1 : i64, tpu.core_type = #tpu.core_type<tc>, window_params = [{transform_indices = @transform_0, window_bounds = array<i64: 5120, 128>}, {transform_indices = @transform_1, window_bounds = array<i64: 5120, 1>}, {pipeline_mode = #tpu.pipeline_mode<synchronous>, transform_indices = @transform_2, window_bounds = array<i64: 128, 128>}, {pipeline_mode = #tpu.pipeline_mode<synchronous>, transform_indices = @transform_3, window_bounds = array<i64: 1, 128>}, {pipeline_mode = #tpu.pipeline_mode<synchronous>, transform_indices = @transform_4, window_bounds = array<i64: 128, 128>}, {pipeline_mode = #tpu.pipeline_mode<synchronous>, transform_indices = @transform_5, window_bounds = array<i64: 1, 1>}]} {
    %get3A = arith.constant 0 : index
    %get3A_0 = arith.constant 0 : index
    %get3A_1 = vector.load %arg2[%get3A, %get3A_0] : memref<5120x1xf32, #tpu.memory_space<vmem>>, vector<5120x1xf32>
    %gt3A = arith.constant 0.000000e+00 : f32
    %gt3A_2 = vector.broadcast %gt3A : f32 to vector<5120x1xf32>
    %gt3A_3 = arith.cmpf ogt, %get3A_1, %gt3A_2 : vector<5120x1xf32>
    %max3A = arith.constant 1.000000e+00 : f32
    %max3A_4 = vector.broadcast %max3A : f32 to vector<5120x1xf32>
    %max3A_5 = arith.maximumf %get3A_1, %max3A_4 : vector<5120x1xf32>
    %rsqrt3A = math.rsqrt %max3A_5 : vector<5120x1xf32>
    %jit3A = arith.constant 0.000000e+00 : f32
    %broadcast_in_dim3A = vector.broadcast %jit3A : f32 to vector<5120x1xf32>
    %select_n3A = arith.select %gt3A_3, %rsqrt3A, %broadcast_in_dim3A : vector<5120x1xi1>, vector<5120x1xf32>
    %jit3A_6 = arith.constant 2 : i32
    %eq3A = arith.constant 0 : i32
    %eq3A_7 = arith.cmpi eq, %jit3A_6, %eq3A : i32
    %jit3A_8 = arith.constant 1 : i32
    %select_n3A_9 = arith.select %eq3A_7, %jit3A_8, %jit3A_6 : i32
    %rem3A = arith.remsi %arg0, %select_n3A_9 : i32
    %ne3A = arith.constant 0 : i32
    %ne3A_10 = arith.cmpi ne, %rem3A, %ne3A : i32
    %lt3A = arith.constant 0 : i32
    %lt3A_11 = arith.cmpi slt, %rem3A, %lt3A : i32
    %lt3A_12 = arith.constant 0 : i32
    %lt3A_13 = arith.cmpi slt, %select_n3A_9, %lt3A_12 : i32
    %ne3A_14 = arith.xori %lt3A_11, %lt3A_13 : i1
    %and3A = arith.andi %ne3A_14, %ne3A_10 : i1
    %add3A = arith.addi %rem3A, %select_n3A_9 : i32
    %select_n3A_15 = arith.select %and3A, %add3A, %rem3A : i32
    %mul3A = arith.constant 5120 : i32
    %mul3A_16 = arith.muli %select_n3A_15, %mul3A : i32
    %iota3A = tpu.iota {dimensions = array<i32: 0>} : vector<5120x1xi32>
    %add3A_17 = vector.broadcast %mul3A_16 : i32 to vector<5120x1xi32>
    %add3A_18 = arith.addi %add3A_17, %iota3A : vector<5120x1xi32>
    %lt3A_19 = arith.constant 10000 : i32
    %lt3A_20 = vector.broadcast %lt3A_19 : i32 to vector<5120x1xi32>
    %lt3A_21 = arith.cmpi slt, %add3A_18, %lt3A_20 : vector<5120x1xi32>
    %eq3A_22 = arith.constant 0 : i32
    %eq3A_23 = arith.cmpi eq, %arg0, %eq3A_22 : i32
    %convert_element_type3A = arith.extui %eq3A_23 : i1 to i32
    %cond3A = arith.constant 0 : i32
    %cond3A_24 = arith.cmpi ne, %convert_element_type3A, %cond3A : i32
    scf.if %cond3A_24 {
      %broadcast_in_dim3A_34 = arith.constant 0.000000e+00 : f32
      %broadcast_in_dim3A_35 = vector.broadcast %broadcast_in_dim3A_34 : f32 to vector<1x128xf32>
      %swap3A = arith.constant 0 : index
      %swap3A_36 = arith.constant 0 : index
      %swap3A_37 = vector.load %arg7[%swap3A, %swap3A_36] : memref<1x128xf32, #tpu.memory_space<vmem>>, vector<1x128xf32>
      tpu.vector_store %arg7[%swap3A, %swap3A_36], %broadcast_in_dim3A_35 {strides = array<i32>} : memref<1x128xf32, #tpu.memory_space<vmem>>, vector<1x128xf32>,
    } else {
    }
    %lt3A_25 = arith.constant 2 : i32
    %lt3A_26 = arith.cmpi slt, %arg0, %lt3A_25 : i32
    %convert_element_type3A_27 = arith.extui %lt3A_26 : i1 to i32
    %cond3A_28 = arith.constant 0 : i32
    %cond3A_29 = arith.cmpi ne, %convert_element_type3A_27, %cond3A_28 : i32
    scf.if %cond3A_29 {
      %jit3A_34 = arith.constant 0.000000e+00 : f32
      %broadcast_in_dim3A_35 = vector.broadcast %jit3A_34 : f32 to vector<5120x1xf32>
      %select_n3A_36 = arith.select %lt3A_21, %select_n3A, %broadcast_in_dim3A_35 : vector<5120x1xi1>, vector<5120x1xf32>
      %get3A_37 = arith.constant 0 : index
      %get3A_38 = arith.constant 0 : index
      %get3A_39 = vector.load %arg7[%get3A_37, %get3A_38] : memref<1x128xf32, #tpu.memory_space<vmem>>, vector<1x128xf32>
      %get3A_40 = arith.constant 0 : index
      %get3A_41 = arith.constant 0 : index
      %get3A_42 = vector.load %arg1[%get3A_40, %get3A_41] : memref<5120x128xf32, #tpu.memory_space<vmem>>, vector<5120x128xf32>
      %mul3A_43 = vector.broadcast %select_n3A_36 : vector<5120x1xf32> to vector<5120x128xf32>
      %mul3A_44 = arith.mulf %get3A_42, %mul3A_43 : vector<5120x128xf32>
      %reduce_sum3A = arith.constant dense<0.000000e+00> : vector<128xf32>
      %reduce_sum3A_45 = vector.multi_reduction <add>, %mul3A_44, %reduce_sum3A [0] : vector<5120x128xf32> to vector<128xf32>
      %broadcast_in_dim3A_46 = vector.shape_cast %reduce_sum3A_45 : vector<128xf32> to vector<1x128xf32>
      %add3A_47 = arith.addf %get3A_39, %broadcast_in_dim3A_46 : vector<1x128xf32>
      %swap3A = arith.constant 0 : index
      %swap3A_48 = arith.constant 0 : index
      %swap3A_49 = vector.load %arg7[%swap3A, %swap3A_48] : memref<1x128xf32, #tpu.memory_space<vmem>>, vector<1x128xf32>
      tpu.vector_store %arg7[%swap3A, %swap3A_48], %add3A_47 {strides = array<i32>} : memref<1x128xf32, #tpu.memory_space<vmem>>, vector<1x128xf32>,
    } else {
    }
    %ge3A = arith.constant 2 : i32
    %ge3A_30 = arith.cmpi sge, %arg0, %ge3A : i32
    %convert_element_type3A_31 = arith.extui %ge3A_30 : i1 to i32
    %cond3A_32 = arith.constant 0 : i32
    %cond3A_33 = arith.cmpi ne, %convert_element_type3A_31, %cond3A_32 : i32
    scf.if %cond3A_33 {
      %get3A_34 = arith.constant 0 : index
      %get3A_35 = arith.constant 0 : index
      %get3A_36 = vector.load %arg7[%get3A_34, %get3A_35] : memref<1x128xf32, #tpu.memory_space<vmem>>, vector<1x128xf32>
      %div3A = arith.constant 1.000000e+04 : f32
      %div3A_37 = vector.broadcast %div3A : f32 to vector<1x128xf32>
      %div3A_38 = arith.divf %get3A_36, %div3A_37 : vector<1x128xf32>
      %get3A_39 = arith.constant 0 : index
      %get3A_40 = arith.constant 0 : index
      %get3A_41 = vector.load %arg3[%get3A_39, %get3A_40] : memref<128x128xf32, #tpu.memory_space<vmem>>, vector<128x128xf32>
      %dot_general3A = arith.constant dense<0.000000e+00> : vector<1x128xf32>
      %dot_general3A_42 = tpu.matmul %div3A_38, %get3A_41, %dot_general3A {dimension_numbers = #tpu.dot_dimension_numbers<[1], [0], [0], [1], [0, 0, 1, 1], [], []>, transpose_lhs_hint = false} : vector<1x128xf32>, vector<128x128xf32>, vector<1x128xf32> -> vector<1x128xf32>
      %get3A_43 = arith.constant 0 : index
      %get3A_44 = arith.constant 0 : index
      %get3A_45 = vector.load %arg4[%get3A_43, %get3A_44] : memref<1x128xf32, #tpu.memory_space<vmem>>, vector<1x128xf32>
      %add3A_46 = arith.addf %dot_general3A_42, %get3A_45 : vector<1x128xf32>
      %logistic3A = arith.negf %add3A_46 : vector<1x128xf32>
      %logistic3A_47 = math.exp %logistic3A : vector<1x128xf32>
      %logistic3A_48 = arith.constant 1.000000e+00 : f32
      %logistic3A_49 = vector.broadcast %logistic3A_48 : f32 to vector<1x128xf32>
      %logistic3A_50 = arith.addf %logistic3A_49, %logistic3A_47 : vector<1x128xf32>
      %logistic3A_51 = arith.divf %logistic3A_49, %logistic3A_50 : vector<1x128xf32>
      %get3A_52 = arith.constant 0 : index
      %get3A_53 = arith.constant 0 : index
      %get3A_54 = vector.load %arg5[%get3A_52, %get3A_53] : memref<128x128xf32, #tpu.memory_space<vmem>>, vector<128x128xf32>
      %dot_general3A_55 = arith.constant dense<0.000000e+00> : vector<1x128xf32>
      %dot_general3A_56 = tpu.matmul %logistic3A_51, %get3A_54, %dot_general3A_55 {dimension_numbers = #tpu.dot_dimension_numbers<[1], [1], [0], [0], [0, 0, 1, 0], [], []>, transpose_lhs_hint = false} : vector<1x128xf32>, vector<128x128xf32>, vector<1x128xf32> -> vector<1x128xf32>
      %get3A_57 = arith.constant 0 : index
      %get3A_58 = arith.constant 0 : index
      %get3A_59 = vector.load %arg1[%get3A_57, %get3A_58] : memref<5120x128xf32, #tpu.memory_space<vmem>>, vector<5120x128xf32>
      %mul3A_60 = vector.broadcast %select_n3A : vector<5120x1xf32> to vector<5120x128xf32>
      %mul3A_61 = arith.mulf %get3A_59, %mul3A_60 : vector<5120x128xf32>
      %get3A_62 = arith.constant 0 : index
      %get3A_63 = arith.constant 0 : index
      %get3A_64 = vector.load %arg3[%get3A_62, %get3A_63] : memref<128x128xf32, #tpu.memory_space<vmem>>, vector<128x128xf32>
      %dot_general3A_65 = arith.constant dense<0.000000e+00> : vector<5120x128xf32>
      %dot_general3A_66 = tpu.matmul %mul3A_61, %get3A_64, %dot_general3A_65 {dimension_numbers = #tpu.dot_dimension_numbers<[1], [0], [0], [1], [0, 0, 1, 1], [], []>, transpose_lhs_hint = false} : vector<5120x128xf32>, vector<128x128xf32>, vector<5120x128xf32> -> vector<5120x128xf32>
      %get3A_67 = arith.constant 0 : index
      %get3A_68 = arith.constant 0 : index
      %get3A_69 = vector.load %arg4[%get3A_67, %get3A_68] : memref<1x128xf32, #tpu.memory_space<vmem>>, vector<1x128xf32>
      %add3A_70 = vector.broadcast %get3A_69 : vector<1x128xf32> to vector<5120x128xf32>
      %add3A_71 = arith.addf %dot_general3A_66, %add3A_70 : vector<5120x128xf32>
      %dot_general3A_72 = arith.constant dense<0.000000e+00> : vector<5120x1xf32>
      %dot_general3A_73 = tpu.matmul %add3A_71, %dot_general3A_56, %dot_general3A_72 {dimension_numbers = #tpu.dot_dimension_numbers<[1], [1], [0], [0], [0, 0, 1, 0], [], []>, transpose_lhs_hint = false} : vector<5120x128xf32>, vector<1x128xf32>, vector<5120x1xf32> -> vector<5120x1xf32>
      %lt3A_74 = arith.constant 4 : i32
      %lt3A_75 = arith.cmpi slt, %arg0, %lt3A_74 : i32
      %jit3A_76 = arith.constant -1.000000e+00 : f32
      %jit3A_77 = arith.constant 1.000000e+00 : f32
      %select_n3A_78 = arith.select %lt3A_75, %jit3A_76, %jit3A_77 : f32
      %mul3A_79 = vector.broadcast %select_n3A_78 : f32 to vector<5120x1xf32>
      %mul3A_80 = arith.mulf %mul3A_79, %dot_general3A_73 : vector<5120x1xf32>
      %custom_jvp_call3A = arith.constant 0.000000e+00 : f32
      %max3A_81 = vector.broadcast %custom_jvp_call3A : f32 to vector<5120x1xf32>
      %max3A_82 = arith.maximumf %mul3A_80, %max3A_81 : vector<5120x1xf32>
      %sub3A = vector.broadcast %custom_jvp_call3A : f32 to vector<5120x1xf32>
      %sub3A_83 = arith.subf %mul3A_80, %sub3A : vector<5120x1xf32>
      %ne3A_84 = arith.cmpf one, %sub3A_83, %sub3A_83 : vector<5120x1xf32>
      %add3A_85 = vector.broadcast %custom_jvp_call3A : f32 to vector<5120x1xf32>
      %add3A_86 = arith.addf %mul3A_80, %add3A_85 : vector<5120x1xf32>
      %abs3A = math.absf %sub3A_83 : vector<5120x1xf32>
      %neg3A = arith.constant 0.000000e+00 : f32
      %neg3A_87 = vector.broadcast %neg3A : f32 to vector<5120x1xf32>
      %neg3A_88 = arith.subf %neg3A_87, %abs3A : vector<5120x1xf32>
      %exp3A = math.exp %neg3A_88 : vector<5120x1xf32>
      %log1p3A = math.log1p %exp3A : vector<5120x1xf32>
      %add3A_89 = arith.addf %max3A_82, %log1p3A : vector<5120x1xf32>
      %select_n3A_90 = arith.select %ne3A_84, %add3A_86, %add3A_89 : vector<5120x1xi1>, vector<5120x1xf32>
      %jit3A_91 = arith.constant 0.000000e+00 : f32
      %broadcast_in_dim3A_92 = vector.broadcast %jit3A_91 : f32 to vector<5120x1xf32>
      %select_n3A_93 = arith.select %lt3A_21, %select_n3A_90, %broadcast_in_dim3A_92 : vector<5120x1xi1>, vector<5120x1xf32>
      %reduce_sum3A = vector.shape_cast %select_n3A_93 : vector<5120x1xf32> to vector<1x5120x1xf32>
      %reduce_sum3A_94 = arith.constant dense<0.000000e+00> : vector<1xf32>
      %reduce_sum3A_95 = vector.multi_reduction <add>, %reduce_sum3A, %reduce_sum3A_94 [1, 2] : vector<1x5120x1xf32> to vector<1xf32>
      %reduce_sum3A_96 = vector.shape_cast %reduce_sum3A_95 : vector<1xf32> to vector<1x1x1xf32>
      %reduce_sum3A_97 = vector.extract %reduce_sum3A_96[0, 0, 0] : f32 from vector<1x1x1xf32>
      %div3A_98 = arith.constant 1.000000e+04 : f32
      %div3A_99 = arith.divf %reduce_sum3A_97, %div3A_98 : f32
      %reshape3A = vector.broadcast %div3A_99 : f32 to vector<1x1xf32>
      %eq3A_100 = arith.constant 2 : i32
      %eq3A_101 = arith.cmpi eq, %arg0, %eq3A_100 : i32
      %convert_element_type3A_102 = arith.extui %eq3A_101 : i1 to i32
      %cond3A_103 = arith.constant 0 : i32
      %cond3A_104 = arith.cmpi ne, %convert_element_type3A_102, %cond3A_103 : i32
      scf.if %cond3A_104 {
        %broadcast_in_dim3A_111 = arith.constant 0.000000e+00 : f32
        %broadcast_in_dim3A_112 = vector.broadcast %broadcast_in_dim3A_111 : f32 to vector<1x1xf32>
        %swap3A_113 = arith.constant 0 : index
        %swap3A_114 = arith.constant 0 : index
        %swap3A_115 = vector.load %arg6[%swap3A_113, %swap3A_114] : memref<1x1xf32, #tpu.memory_space<vmem>>, vector<1x1xf32>
        tpu.vector_store %arg6[%swap3A_113, %swap3A_114], %broadcast_in_dim3A_112 {strides = array<i32>} : memref<1x1xf32, #tpu.memory_space<vmem>>, vector<1x1xf32>,
      } else {
      }
      %get3A_105 = arith.constant 0 : index
      %get3A_106 = arith.constant 0 : index
      %get3A_107 = vector.load %arg6[%get3A_105, %get3A_106] : memref<1x1xf32, #tpu.memory_space<vmem>>, vector<1x1xf32>
      %add3A_108 = arith.addf %get3A_107, %reshape3A : vector<1x1xf32>
      %swap3A = arith.constant 0 : index
      %swap3A_109 = arith.constant 0 : index
      %swap3A_110 = vector.load %arg6[%swap3A, %swap3A_109] : memref<1x1xf32, #tpu.memory_space<vmem>>, vector<1x1xf32>
      tpu.vector_store %arg6[%swap3A, %swap3A_109], %add3A_108 {strides = array<i32>} : memref<1x1xf32, #tpu.memory_space<vmem>>, vector<1x1xf32>,
    } else {
    }
    return
  }
  func.func @transform_0(%arg0: i32) -> (i32, i32) {
    %lt3A = arith.constant 2 : i32
    %lt3A_0 = arith.cmpi slt, %arg0, %lt3A : i32
    %sub3A = arith.constant 2 : i32
    %sub3A_1 = arith.subi %arg0, %sub3A : i32
    %select_n3A = arith.select %lt3A_0, %arg0, %sub3A_1 : i32
    %c0_i32 = arith.constant 0 : i32
    %c0_i32_2 = arith.constant 0 : i32
    return %select_n3A, %c0_i32 : i32, i32
  }
  func.func @transform_1(%arg0: i32) -> (i32, i32) {
    %jit3A = arith.constant 2 : i32
    %eq3A = arith.constant 0 : i32
    %eq3A_0 = arith.cmpi eq, %jit3A, %eq3A : i32
    %jit3A_1 = arith.constant 1 : i32
    %select_n3A = arith.select %eq3A_0, %jit3A_1, %jit3A : i32
    %rem3A = arith.remsi %arg0, %select_n3A : i32
    %ne3A = arith.constant 0 : i32
    %ne3A_2 = arith.cmpi ne, %rem3A, %ne3A : i32
    %lt3A = arith.constant 0 : i32
    %lt3A_3 = arith.cmpi slt, %rem3A, %lt3A : i32
    %lt3A_4 = arith.constant 0 : i32
    %lt3A_5 = arith.cmpi slt, %select_n3A, %lt3A_4 : i32
    %ne3A_6 = arith.xori %lt3A_3, %lt3A_5 : i1
    %and3A = arith.andi %ne3A_6, %ne3A_2 : i1
    %add3A = arith.addi %rem3A, %select_n3A : i32
    %select_n3A_7 = arith.select %and3A, %add3A, %rem3A : i32
    %c0_i32 = arith.constant 0 : i32
    %c0_i32_8 = arith.constant 0 : i32
    return %select_n3A_7, %c0_i32 : i32, i32
  }
  func.func @transform_2(%arg0: i32) -> (i32, i32) {
    %c0_i32 = arith.constant 0 : i32
    %c0_i32_0 = arith.constant 0 : i32
    %c0_i32_1 = arith.constant 0 : i32
    return %c0_i32, %c0_i32_0 : i32, i32
  }
  func.func @transform_3(%arg0: i32) -> (i32, i32) {
    %c0_i32 = arith.constant 0 : i32
    %c0_i32_0 = arith.constant 0 : i32
    %c0_i32_1 = arith.constant 0 : i32
    return %c0_i32, %c0_i32_0 : i32, i32
  }
  func.func @transform_4(%arg0: i32) -> (i32, i32) {
    %c0_i32 = arith.constant 0 : i32
    %c0_i32_0 = arith.constant 0 : i32
    %c0_i32_1 = arith.constant 0 : i32
    return %c0_i32, %c0_i32_0 : i32, i32
  }
  func.func @transform_5(%arg0: i32) -> (i32, i32) {
    %c0_i32 = arith.constant 0 : i32
    %c0_i32_0 = arith.constant 0 : i32
    %c0_i32_1 = arith.constant 0 : i32
    return %c0_i32, %c0_i32_0 : i32, i32
  }
}

</mosaic_0001>

<sc_bundles>
// kernel: kernel.12.cloned.1.call-start
scs
__scs_entry_jumppad:
0x0: {  	(pc) =	sbr.rel $0x88, $3  }
0x1: {  	(tag) =	ssettag $0x0;
	lr =	simm.s32 $0x1  }
0x2: {  	[smem:$0x3F9A] =	sst lr;
	_ =	strace $0xD0000000  }
0x3: {  	_ = 	snop  }
0x4: {  	_ = 	snop  }
0x5: {  	_ = 	snop  }
0x6: {  	_ = 	snop  }
0x7: {  	_ = 	snop  }
__scs_overlays_trampoline_lowered:
0x8: {  	[smem:$0x3FA9] =	sst s0  }
0x9: {  	[smem:$0x3FAA] =	sst s1  }
0xa: {  	[smem:$0x3FAB] =	sst s2  }
0xb: {  	[smem:$0x3FAC] =	sst s3  }
0xc: {  	[smem:$0x3FAD] =	sst s4  }
0xd: {  	[smem:$0x3FAE] =	sst s5  }
0xe: {  	[smem:$0x3FAF] =	sst s6  }
0xf: {  	[smem:$0x3FB0] =	sst s7  }
0x10: {  	[smem:$0x3FB1] =	sst s8  }
0x11: {  	[smem:$0x3FB2] =	sst s9;
	s0 =	simm.s32 @!p0 $0x0  }
0x12: {  	s1 =	sld [smem:$0x3F98];
	s0 =	simm.s32 @p0 $0x1  }
0x13: {  	[smem:$0x3FB3] =	sst s0;
	s0 =	simm.s32 @!p1 $0x0  }
0x14: {  	s2 =	sld [smem:$0x3F97];
	s0 =	simm.s32 @p1 $0x1  }
0x15: {  	[smem:$0x3FB4] =	sst s0;
	s0 =	simm.s32 @!p2 $0x0  }
0x16: {  	s3 =	sld [smem:$0x3FDB];
	s0 =	simm.s32 @p2 $0x1  }
0x17: {  	s4 =	simm.s32 $0x1BF5;
	[smem:$0x3FB6] =	sst s0  }
0x18: {  	s0 =	sld [smem:$0x3F99];
	_ =	swait.ge [sflag:s4], $0x0  }
0x19: {  	s7 =	sld [smem:$0x3F9A]  }
0x1a: {  	s8 =	sadd.s32 $0xFFFFE003, lr  }
0x1b: {  	s9 =	sadd.s32 $0xFFFFFEF7, lr;
	s5 =	simm.s32 $0xFFFFFFFF;
	p2 =	slt.u32 s8, $0xFFFFF086  }
0x1c: {  	p1 =	slt.u32 s9, $0xF7A;
	s5 =	simm.s32 @!p2 $0x0  }
0x1d: {  	s5 =	simm.s32 @p1 $0x1;
	p0 =	seq.s32 s7, s2  }
0x1e: {  	s7 =	smul.u32 @!p0 $0xF7A, s2;
	p2 =	seq.s32 @!p0 s5, $0x0  }
0x1f: {  	s9 =	smul.u32 $0xF7A, s1;
	s8 =	simm.s32 @!p0 $0x1BF5;
	p2 =	por !p2, p0  }
0x20: {  	[sflag:s8] =	ssyncset.s32 @!p0 $0xFFFFF086;
	s6 =	sadd.s32 @!p0 s3, s7;
	s7 =	simm.s32 @!p0 $0x108  }
0x21: {  	s3 =	sadd.s32 s3, s9;
	s6 =	sadd.s32 @!p0 $0x88, s6;
	s7 =	simm.s32 @p2 $0x1082  }
0x22: {  	[simem:s7], [sflag:s8] =	dma.local @!p0 [hbm:s6], $0xF7A  }
0x23: {  	s9 =	sor.u32 $0xD0000000, s2;
	s6 =	simm.s32 $0x108;
	_ =	swait.ge @!p0 [sflag:s8], $0x0  }
0x24: {  	s3 =	sadd.s32 $0x88, s3;
	s6 =	simm.s32 @!p1 $0x1082;
	[sflag:s4] =	ssyncset.s32 $0xFFFFF086  }
0x25: {  	[simem:s6], [sflag:s4] =	dma.local [hbm:s3], $0xF7A  }
0x26: {  	[smem:$0x3F9A] =	sst s1;
	(tag) =	ssettag s2;
	_ =	strace s9  }
0x27: {  	s1 =	sld [smem:$0x3FAA]  }
0x28: {  	s2 =	sld [smem:$0x3FAB]  }
0x29: {  	s4 =	sld [smem:$0x3FAD]  }
0x2a: {  	p0 =	seq.s32 s5, $0x0;
	s5 =	sld [smem:$0x3FAE]  }
0x2b: {  	s6 =	sld [smem:$0x3FAF]  }
0x2c: {  	s7 =	sld [smem:$0x3FB0]  }
0x2d: {  	s3 =	simm.s32 $0x108;
	s8 =	sld [smem:$0x3FB1]  }
0x2e: {  	s3 =	simm.s32 @!p0 $0x1082;
	s9 =	sld [smem:$0x3FB2]  }
0x2f: {  	lr =	sadd.s32 s0, s3;
	s0 =	sld [smem:$0x3FA9]  }
0x30: {  	s3 =	sld [smem:$0x3FAC]  }
0x31: {  	[smem:$0x3FB5] =	sst s10  }
0x32: {  	s10 =	sld [smem:$0x3FB3];
	_ =	sdelay $0x3  }
0x33: {  	p0 =	seq.s32 s10, $0x1;
	s10 =	sld [smem:$0x3FB5];
	_ =	sdelay $0x3  }
0x34: {  	[smem:$0x3FB5] =	sst s10  }
0x35: {  	s10 =	sld [smem:$0x3FB4];
	_ =	sdelay $0x3  }
0x36: {  	p1 =	seq.s32 s10, $0x1;
	s10 =	sld [smem:$0x3FB5];
	_ =	sdelay $0x3  }
0x37: {  	[smem:$0x3FB5] =	sst s10  }
0x38: {  	s10 =	sld [smem:$0x3FB6]  }
0x39: {  	_ = 	snop;
	(pc) =	sbr.ind lr, $3  }
0x3a: {  	_ = 	snop  }
0x3b: {  	_ = 	snop  }
0x3c: {  	p2 =	seq.s32 s10, $0x1;
	s10 =	sld [smem:$0x3FB5]  }
0x3d: {  	_ =	shalt  }
0x3e: {  	_ =	shalt  }
0x3f: {  	_ =	shalt  }
0x40: {  	_ =	shalt  }
0x41: {  	_ =	shalt  }
0x42: {  	_ =	shalt  }
0x43: {  	_ =	shalt  }
0x44: {  	_ =	shalt  }
0x45: {  	_ =	shalt  }
0x46: {  	_ =	shalt  }
0x47: {  	_ =	shalt  }
0x48: {  	_ =	shalt  }
0x49: {  	_ =	shalt  }
0x4a: {  	_ =	shalt  }
0x4b: {  	_ =	shalt  }
0x4c: {  	_ =	shalt  }
0x4d: {  	_ =	shalt  }
0x4e: {  	_ =	shalt  }
0x4f: {  	_ =	shalt  }
0x50: {  	_ =	shalt  }
0x51: {  	_ =	shalt  }
0x52: {  	_ =	shalt  }
0x53: {  	_ =	shalt  }
0x54: {  	_ =	shalt  }
0x55: {  	_ =	shalt  }
0x56: {  	_ =	shalt  }
0x57: {  	_ =	shalt  }
0x58: {  	_ =	shalt  }
0x59: {  	_ =	shalt  }
0x5a: {  	_ =	shalt  }
0x5b: {  	_ =	shalt  }
0x5c: {  	_ =	shalt  }
0x5d: {  	_ =	shalt  }
0x5e: {  	_ =	shalt  }
0x5f: {  	_ =	shalt  }
0x60: {  	_ =	shalt  }
0x61: {  	_ =	shalt  }
0x62: {  	_ =	shalt  }
0x63: {  	_ =	shalt  }
0x64: {  	_ =	shalt  }
0x65: {  	_ =	shalt  }
0x66: {  	_ =	shalt  }
0x67: {  	_ =	shalt  }
0x68: {  	_ =	shalt  }
0x69: {  	_ =	shalt  }
0x6a: {  	_ =	shalt  }
0x6b: {  	_ =	shalt  }
0x6c: {  	_ =	shalt  }
0x6d: {  	_ =	shalt  }
0x6e: {  	_ =	shalt  }
0x6f: {  	_ =	shalt  }
0x70: {  	_ =	shalt  }
0x71: {  	_ =	shalt  }
0x72: {  	_ =	shalt  }
0x73: {  	_ =	shalt  }
0x74: {  	_ =	shalt  }
0x75: {  	_ =	shalt  }
0x76: {  	_ =	shalt  }
0x77: {  	_ =	shalt  }
0x78: {  	_ =	shalt  }
0x79: {  	_ =	shalt  }
0x7a: {  	_ =	shalt  }
0x7b: {  	_ =	shalt  }
0x7c: {  	_ =	shalt  }
0x7d: {  	_ =	shalt  }
0x7e: {  	_ =	shalt  }
0x7f: {  	_ =	shalt  }
0x80: {  	_ =	shalt  }
0x81: {  	_ =	shalt  }
0x82: {  	_ =	shalt  }
0x83: {  	_ =	shalt  }
0x84: {  	_ =	shalt  }
0x85: {  	_ =	shalt  }
0x86: {  	_ =	shalt  }
0x87: {  	_ =	shalt  }
.Lfunc_end0:
.L_simem_size_0:
called_computation.1_lowered:
.L_overlay_start_0:
0x88: {  	s2 =	sld [smem:$0x3FD9]  }
0x89: {  	s3 =	sld [smem:$0x3FFE];
	_ =	sdelay $0x1  }
0x8a: {  	s1 =	srdreg.scid  }
0x8b: {  	s0 =	sand.u32 $0x1, s1  }
0x8c: {  	s17 =	sshll.u32 s0, $0xA;
	s2 =	sadd.s32 s3, s2  }
0x8d: {  	s2 =	sadd.s32 s2, s17  }
0x8e: {  	[smem:$0x3FC1] =	sst s2  }
0x8f: {  	_ = 	snop  }
0x90: {  	(tm) =	ssettm $0x1  }
0x91: {  	s18 =	sld [smem:$0x3FFB];
	_ =	sdelay $0x3  }
0x92: {  	_ =	strace s18  }
0x93: {  	s2 =	sld [smem:$0x3FFC];
	_ =	sdelay $0x3  }
0x94: {  	_ =	strace s2  }
0x95: {  	s2 =	sld [smem:$0x3FFD];
	_ =	sdelay $0x3  }
0x96: {  	_ =	strace s2  }
0x97: {  	_ =	strace $0x8FFFFFFF  }
0x98: {  	s19 =	sld [smem:$0x3FDB];
	_ =	sdelay $0x1  }
0x99: {  	s20 =	simm.s32 $_scs_section_size  }
0x9a: {  	s4 =	simm.s32 $_size__tile_overlayer_lowered;
	s5 =	simm.s32 $_tile_overlayer_lowered  }
0x9b: {  	s6 =	simm.s32 $0x1BFF;
	s21 =	sshll.u32 s5, $0x1;
	s3 =	sadd.s32 s20, s19  }
0x9c: {  	s22 =	simm.s32 $0x0;
	s4 =	sshll.u32 s4, $0x1;
	s5 =	sadd.s32 s21, s3  }
0x9d: {  	[timem:s22], [sflag:s6] =	dma.local [hbm:s5], s4  }
0x9e: {  	_ =	swait.ge [sflag:s6], s4  }
0x9f: {  	s4 =	ssub.s32 $0x0, s4;
	[sflag:s6] =	ssyncset.done $0x0  }
0xa0: {  	[sflag:s6] =	ssyncadd.s32 s4;
	_ =	sdelay $0x1  }
0xa1: {  	s23 =	simm.s32 $0x1B8B  }
0xa2: {  	_ =	swait.ge [sflag:s23], $0x1  }
0xa3: {  	[sflag:s23] =	ssyncset.done $0x0  }
0xa4: {  	[sflag:s23] =	ssyncadd.s32 $0xFFFFFFFF  }
0xa5: {  	s4 =	sld [smem:$0x0]  }
0xa6: {  	s5 =	sand.u32 $0xFFFFFFFE, s1  }
0xa7: {  	p0 =	sne.s32 s1, s5  }
0xa8: {  	s5 =	sshll.u32 @p0 s5, $0xE  }
0xa9: {  	s5 =	sadd.s32 @p0 $0x11B8D, s5;
	s6 =	sshll.u32 @p0 s4, $0x11  }
0xaa: {  	s5 =	sor.u32 @p0 s6, s5  }
0xab: {  	[sflag:s5] =	ssyncadd.remote.s32 @p0 $0x1;
	_ =	sdelay $0x1  }
0xac: {  	s5 =	simm.s32 @p0 $0x1B8D  }
0xad: {  	_ =	swait.eq @p0 [sflag:s5], $0x1  }
0xae: {  	[sflag:s5] =	ssyncadd.s32 @p0 $0xFFFFFFFF  }
0xaf: {  	s6 =	sshll.u32 @!p0 s1, $0xE  }
0xb0: {  	s6 =	sor.u32 @!p0 $0x4000, s6;
	s5 =	simm.s32 @!p0 $0x1B8D  }
0xb1: {  	s4 =	sshll.u32 @!p0 s4, $0x11;
	s6 =	sadd.s32 @!p0 $0x11B8D, s6;
	_ =	swait.eq @!p0 [sflag:s5], $0x1  }
0xb2: {  	s4 =	sor.u32 @!p0 s4, s6;
	[sflag:s5] =	ssyncadd.s32 @!p0 $0xFFFFFFFF  }
0xb3: {  	s25 =	simm.s32 $0x1B8E;
	s24 =	sld [smem:$0x3FFE];
	[sflag:s4] =	ssyncadd.remote.s32 @!p0 $0x1  }
0xb4: {  	s26 =	simm.s32 $execute0_lowered;
	[smem:$0x3FD2] =	sst s25  }
0xb5: {  	s5 =	sshll.u32 s26, $0x1;
	_ =	strace $0x80000049;
	[dreg:$0x1] =	wrdreg $0xFFFFFFFF  }
0xb6: {  	s28 =	simm.s32 $_size_execute0_lowered;
	s3 =	sadd.s32 s3, s5;
	[dreg:$0x0] =	wrdreg $0x0  }
0xb7: {  	s5 =	sshll.u32 s28, $0x1;
	[dreg:$0x2] =	wrdreg s3  }
0xb8: {  	[dreg:$0x3] =	wrdreg s5  }
0xb9: {  	[dreg:$0x4] =	wrdreg $0xC0  }
0xba: {  	_ =	task [dreg:s22], $0x5FFFF  }
0xbb: {  	[dreg:$0x1] =	wrdreg $0xFFFFFFFF  }
0xbc: {  	[dreg:$0x0] =	wrdreg $0x60  }
0xbd: {  	[dreg:$0x2] =	wrdreg s24  }
0xbe: {  	[dreg:$0x3] =	wrdreg $0x0  }
0xbf: {  	[dreg:$0x4] =	wrdreg $0xA  }
0xc0: {  	_ =	task.clear_ibuf [dreg:s22], $0x5FFFF;
	_ =	strace $0x90000049  }
0xc1: {  	s29 =	simm.s32 $0xA;
	_ =	strace $0x8000004B  }
0xc2: {  	_ =	swait.ge [sflag:s29], $0x1  }
0xc3: {  	[sflag:s29] =	ssyncadd.s32 $0xFFFFFFFF  }
0xc4: {  	_ =	strace $0x9000004B  }
0xc5: {  	_ =	sfence  }
0xc6: {  	s30 =	sld [smem:$0x0];
	_ =	sdelay $0x2  }
0xc7: {  	s31 =	sshll.u32 s1, $0xD;
	s1 =	sshrl.u32 s1, $0x2  }
0xc8: {  	s4 =	sand.u32 $0x4000, s31;
	s1 =	sadd.s32 s1, s30  }
0xc9: {  	s0 =	sor.u32 s4, s0;
	s1 =	sshll.u32 s1, $0x11  }
0xca: {  	s0 =	sor.u32 s1, s0  }
0xcb: {  	s0 =	sadd.s32 $0x8F2B, s0  }
0xcc: {  	[sflag:s0] =	ssyncadd.remote.s32 $0x1  }
0xcd: {  	_ =	sfence.sel $0xFFFF  }
0xce: {  	[dreg:$0x0] =	wrdreg $0xFFFFFFFF;
	(pc) =	sbr.abs _section_cstart, $3  }
0xcf: {  	[dreg:$0x1] =	wrdreg $0xFFFFFFFF  }
0xd0: {  	_ =	task.clear_ibuf [dreg:s22], $0x2FFFF;
	_ =	strace $0x9FFFFFFF  }
0xd1: {  	(tm) =	ssettm $0x7FFFFFFF  }
tec
execute0_lowered:
.L_overlay_start_1:
0x0: {  	(tag) =	ssettag $0x1  }
0x1: {  	s7 =	rddreg [dreg:$0x0]  }
0x2: {  	s0 =	srdreg.scid;
	s2 =	rddreg [dreg:$0x1];
	s3 =	simm.s32 $0x0  }
0x3: {  	s13 =	simm.s32 $0x14000;
	s6 =	sand.u32 $0x1, s0;
	s0 =	stileid.u32  }
0x4: {  	s14 =	simm.s32 $0x80;
	s15 =	simm.s32 $0x1;
	s8 =	smul.u32 $0x2800, s0  }
0x5: {  	s16 =	simm.s32 $0x0;
	[smem:$0x7FF] =	sst s3;
	s9 =	smul.u32 $0x28000, s6  }
0x6: {  	s5 =	sadd.s32 $0x3BA00, s7;
	s1 =	sshll.u32 s6, $0x4;
	s11 =	smul.u32 $0x50000, s0  }
0x7: {  	s6 =	ssub.s32 $0x2, s6;
	s31 =	sshll.u32 s0, $0x6;
	s1 =	sor.u32 s0, s1  }
0x8: {  	s29 =	sshrl.u32 s6, $0x1;
	s4 =	smul.u32 $0x500, s1;
	s1 =	rddreg [dreg:$0x2]  }
0x9: {  	_ =	strace $0x8000004A;
	s8 =	sadd.s32 s8, s9;
	s11 =	sshrl.u32 s11, $0x2  }
0xa: {  	s30 =	ssub.s32 s6, s29;
	s9 =	simm.s32 $0x16800;
	s12 =	sadd.s32 s11, s2  }
0xb: {  	s11 =	sor.u32 $0x1C02, s31;
	s10 =	sadd.s32 s4, s7;
	s4 =	sadd.s32 $0x3B200, s7  }
0xc: {  	s7 =	sadd.s32 s8, s7;
	s8 =	smax.u32 s30, $0x1;
	s12 =	sshrl.u32 s12, $0x3  }
0xd: {  	s6 =	sadd.s32 $0x31200, s10;
	s7 =	sadd.s32 $0x3E200, s7;
	s10 =	simm.s32 $0x2  }
.LBB2_1:
0xe: {  	[tilespmem:s9], [sflag:$0x2] =	stream.linear.gather [hbm4b:s4+s3], $0x4000, $0x38;
	[tilespmem:$0x1A800] =	vst v63  }
0xf: {  	_ =	swait.ge [sflag:s10], $0x4000  }
0x10: {  	[sflag:s10] =	ssyncset.done $0x0  }
0x11: {  	[sflag:s10] =	ssyncadd.s32 $0xFFFFC000  }
0x12: {  	[spmem:s12], [sflag:s11] =	dma.local [hbm:s5], $0x2800  }
0x13: {  	_ =	swait.ge [sflag:s10], $0x2800  }
0x14: {  	[sflag:s10] =	ssyncset.done $0x0  }
0x15: {  	[sflag:s10] =	ssyncadd.s32 $0xFFFFD800  }
0x16: {  	[bflag:$0x0] =	sbarrier.arrive $0xFFFF  }
0x17: {  	[tilespmem:s13], [sflag:$0x2] =	stream.linear.gather [hbm4b:s6+s3], $0x2800, $0x38;
	[tilespmem:$0x1A800] =	vst v63  }
0x18: {  	_ =	swait.ge [sflag:s10], $0x2800  }
0x19: {  	[sflag:s10] =	ssyncset.done $0x0  }
0x1a: {  	s17 =	simm.s32 $0x0;
	[sflag:s10] =	ssyncadd.s32 $0xFFFFD800  }
.LBB2_2:
0x1b: {  	p0 =	sne.s32 s17, $0x9E00  }
.Ltmp0:
0x1c: {  	_ = 	snop;
	(pc) =	sbr.rel @p0 .LBB2_2-.Ltmp0, $4  }
0x1d: {  	_ = 	snop  }
0x1e: {  	s18 =	sshra.s32 s17, $0x2  }
0x1f: {  	s17 =	sadd.s32 $0x200, s17;
	s18 =	sadd.s32 $0x14000, s18  }
0x20: {  	[spmem:s2] =	stream.indirect.scatter.add.f32 [tilespmem:s9], [sflag:$0x1], $0x80, s18, s14, $0xb8;
	[tilespmem:$0x1A800] =	vst v63  }
0x21: {  	_ =	swait.ge [sflag:s15], $0x4000  }
0x22: {  	s17 =	simm.s32 $0x4F;
	[sflag:s15] =	ssyncset.done $0x0  }
.LBB2_4:
0x23: {  	p0 =	sne.s32 s17, $0x1;
	s17 =	sadd.s32 $0xFFFFFFFF, s17;
	[sflag:s15] =	ssyncadd.s32 $0xFFFFC000  }
.Ltmp1:
0x24: {  	(pc) =	sbr.rel @p0 .LBB2_4-.Ltmp1, $3  }
0x25: {  	_ =	sdelay $0x1  }
0x26: {  	_ =	swait.ge [sflag:s15], $0x4000  }
0x27: {  	[sflag:s15] =	ssyncset.done $0x0  }
0x28: {  	s16 =	sadd.s32 $0x1, s16  }
0x29: {  	[sflag:s15] =	ssyncadd.s32 $0xFFFFC000;
	p0 =	sne.s32 s16, s8  }
.Ltmp2:
0x2a: {  	[bflag:$0x0] =	sbarrier.arrive $0xFFFF;
	(pc) =	sbr.rel @p0 .LBB2_1-.Ltmp2, $4  }
0x2b: {  	[hbm:s7], [sflag:s11] =	dma.local [spmem:s12], $0x2800  }
0x2c: {  	_ =	swait.ge [sflag:s10], $0x2800  }
0x2d: {  	[sflag:s10] =	ssyncset.done $0x0  }
0x2e: {  	[sflag:s10] =	ssyncadd.s32 $0xFFFFD800  }
0x2f: {  	_ =	sfence.sel $0x180000  }
0x30: {  	[bflag:$0x0] =	sbarrier.arrive $0xFFFF  }
0x31: {  	p0 =	sne.s32 s0, $0x0;
	_ =	strace $0x9000004A  }
0x32: {  	s0 =	sadd.s32 @!p0 $0x100000, s1;
	[bflag:$0x2] =	sbarrier.arrive $0xFFFF  }
0x33: {  	[sflag:s0] =	ssyncadd.tile.s32 @!p0 $0x1;
	_ =	shalt  }
.Lfunc_end2:
_tile_overlayer_lowered:
.L_overlay_start_2:
0x34: {  	(tag) =	ssettag $0x2  }
0x35: {  	s0 =	rddreg [dreg:$0x0];
	s2 =	stileid.u32  }
0x36: {  	s1 =	rddreg [dreg:$0x1];
	p0 =	sne.s32 s2, $0x0  }
0x37: {  	s3 =	rddreg [dreg:$0x2];
	[bflag:$0x3] =	sbarrier.arrive $0xFFFF;
	s2 =	simm.s32 @!p0 $0x1C02  }
0x38: {  	[timem:s3], [sflag:s2] =	dma.local @!p0 [hbm:s0], s1  }
0x39: {  	s0 =	simm.s32 @!p0 $0x2  }
0x3a: {  	_ =	swait.ge @!p0 [sflag:s0], s1  }
0x3b: {  	s1 =	ssub.s32 @!p0 $0x0, s1;
	[sflag:s0] =	ssyncset.done @!p0 $0x0  }
0x3c: {  	[sflag:s0] =	ssyncadd.s32 @!p0 s1  }
0x3d: {  	[bflag:$0x3] =	sbarrier.arrive $0xFFFF  }
0x3e: {  	_ =	shalt  }

// kernel: kernel.15.cloned.1.call-start
scs
__scs_entry_jumppad:
0x0: {  	(pc) =	sbr.rel $0x88, $3  }
0x1: {  	(tag) =	ssettag $0x0;
	lr =	simm.s32 $0x1  }
0x2: {  	[smem:$0x3F9A] =	sst lr;
	_ =	strace $0xD0000000  }
0x3: {  	_ = 	snop  }
0x4: {  	_ = 	snop  }
0x5: {  	_ = 	snop  }
0x6: {  	_ = 	snop  }
0x7: {  	_ = 	snop  }
__scs_overlays_trampoline_lowered:
0x8: {  	[smem:$0x3FA9] =	sst s0  }
0x9: {  	[smem:$0x3FAA] =	sst s1  }
0xa: {  	[smem:$0x3FAB] =	sst s2  }
0xb: {  	[smem:$0x3FAC] =	sst s3  }
0xc: {  	[smem:$0x3FAD] =	sst s4  }
0xd: {  	[smem:$0x3FAE] =	sst s5  }
0xe: {  	[smem:$0x3FAF] =	sst s6  }
0xf: {  	[smem:$0x3FB0] =	sst s7  }
0x10: {  	[smem:$0x3FB1] =	sst s8  }
0x11: {  	[smem:$0x3FB2] =	sst s9;
	s0 =	simm.s32 @!p0 $0x0  }
0x12: {  	s1 =	sld [smem:$0x3F98];
	s0 =	simm.s32 @p0 $0x1  }
0x13: {  	[smem:$0x3FB3] =	sst s0;
	s0 =	simm.s32 @!p1 $0x0  }
0x14: {  	s2 =	sld [smem:$0x3F97];
	s0 =	simm.s32 @p1 $0x1  }
0x15: {  	[smem:$0x3FB4] =	sst s0;
	s0 =	simm.s32 @!p2 $0x0  }
0x16: {  	s3 =	sld [smem:$0x3FDB];
	s0 =	simm.s32 @p2 $0x1  }
0x17: {  	s4 =	simm.s32 $0x1BF5;
	[smem:$0x3FB6] =	sst s0  }
0x18: {  	s0 =	sld [smem:$0x3F99];
	_ =	swait.ge [sflag:s4], $0x0  }
0x19: {  	s7 =	sld [smem:$0x3F9A]  }
0x1a: {  	s8 =	sadd.s32 $0xFFFFE003, lr  }
0x1b: {  	s9 =	sadd.s32 $0xFFFFFEF7, lr;
	s5 =	simm.s32 $0xFFFFFFFF;
	p2 =	slt.u32 s8, $0xFFFFF086  }
0x1c: {  	p1 =	slt.u32 s9, $0xF7A;
	s5 =	simm.s32 @!p2 $0x0  }
0x1d: {  	s5 =	simm.s32 @p1 $0x1;
	p0 =	seq.s32 s7, s2  }
0x1e: {  	s7 =	smul.u32 @!p0 $0xF7A, s2;
	p2 =	seq.s32 @!p0 s5, $0x0  }
0x1f: {  	s9 =	smul.u32 $0xF7A, s1;
	s8 =	simm.s32 @!p0 $0x1BF5;
	p2 =	por !p2, p0  }
0x20: {  	[sflag:s8] =	ssyncset.s32 @!p0 $0xFFFFF086;
	s6 =	sadd.s32 @!p0 s3, s7;
	s7 =	simm.s32 @!p0 $0x108  }
0x21: {  	s3 =	sadd.s32 s3, s9;
	s6 =	sadd.s32 @!p0 $0x88, s6;
	s7 =	simm.s32 @p2 $0x1082  }
0x22: {  	[simem:s7], [sflag:s8] =	dma.local @!p0 [hbm:s6], $0xF7A  }
0x23: {  	s9 =	sor.u32 $0xD0000000, s2;
	s6 =	simm.s32 $0x108;
	_ =	swait.ge @!p0 [sflag:s8], $0x0  }
0x24: {  	s3 =	sadd.s32 $0x88, s3;
	s6 =	simm.s32 @!p1 $0x1082;
	[sflag:s4] =	ssyncset.s32 $0xFFFFF086  }
0x25: {  	[simem:s6], [sflag:s4] =	dma.local [hbm:s3], $0xF7A  }
0x26: {  	[smem:$0x3F9A] =	sst s1;
	(tag) =	ssettag s2;
	_ =	strace s9  }
0x27: {  	s1 =	sld [smem:$0x3FAA]  }
0x28: {  	s2 =	sld [smem:$0x3FAB]  }
0x29: {  	s4 =	sld [smem:$0x3FAD]  }
0x2a: {  	p0 =	seq.s32 s5, $0x0;
	s5 =	sld [smem:$0x3FAE]  }
0x2b: {  	s6 =	sld [smem:$0x3FAF]  }
0x2c: {  	s7 =	sld [smem:$0x3FB0]  }
0x2d: {  	s3 =	simm.s32 $0x108;
	s8 =	sld [smem:$0x3FB1]  }
0x2e: {  	s3 =	simm.s32 @!p0 $0x1082;
	s9 =	sld [smem:$0x3FB2]  }
0x2f: {  	lr =	sadd.s32 s0, s3;
	s0 =	sld [smem:$0x3FA9]  }
0x30: {  	s3 =	sld [smem:$0x3FAC]  }
0x31: {  	[smem:$0x3FB5] =	sst s10  }
0x32: {  	s10 =	sld [smem:$0x3FB3];
	_ =	sdelay $0x3  }
0x33: {  	p0 =	seq.s32 s10, $0x1;
	s10 =	sld [smem:$0x3FB5];
	_ =	sdelay $0x3  }
0x34: {  	[smem:$0x3FB5] =	sst s10  }
0x35: {  	s10 =	sld [smem:$0x3FB4];
	_ =	sdelay $0x3  }
0x36: {  	p1 =	seq.s32 s10, $0x1;
	s10 =	sld [smem:$0x3FB5];
	_ =	sdelay $0x3  }
0x37: {  	[smem:$0x3FB5] =	sst s10  }
0x38: {  	s10 =	sld [smem:$0x3FB6]  }
0x39: {  	_ = 	snop;
	(pc) =	sbr.ind lr, $3  }
0x3a: {  	_ = 	snop  }
0x3b: {  	_ = 	snop  }
0x3c: {  	p2 =	seq.s32 s10, $0x1;
	s10 =	sld [smem:$0x3FB5]  }
0x3d: {  	_ =	shalt  }
0x3e: {  	_ =	shalt  }
0x3f: {  	_ =	shalt  }
0x40: {  	_ =	shalt  }
0x41: {  	_ =	shalt  }
0x42: {  	_ =	shalt  }
0x43: {  	_ =	shalt  }
0x44: {  	_ =	shalt  }
0x45: {  	_ =	shalt  }
0x46: {  	_ =	shalt  }
0x47: {  	_ =	shalt  }
0x48: {  	_ =	shalt  }
0x49: {  	_ =	shalt  }
0x4a: {  	_ =	shalt  }
0x4b: {  	_ =	shalt  }
0x4c: {  	_ =	shalt  }
0x4d: {  	_ =	shalt  }
0x4e: {  	_ =	shalt  }
0x4f: {  	_ =	shalt  }
0x50: {  	_ =	shalt  }
0x51: {  	_ =	shalt  }
0x52: {  	_ =	shalt  }
0x53: {  	_ =	shalt  }
0x54: {  	_ =	shalt  }
0x55: {  	_ =	shalt  }
0x56: {  	_ =	shalt  }
0x57: {  	_ =	shalt  }
0x58: {  	_ =	shalt  }
0x59: {  	_ =	shalt  }
0x5a: {  	_ =	shalt  }
0x5b: {  	_ =	shalt  }
0x5c: {  	_ =	shalt  }
0x5d: {  	_ =	shalt  }
0x5e: {  	_ =	shalt  }
0x5f: {  	_ =	shalt  }
0x60: {  	_ =	shalt  }
0x61: {  	_ =	shalt  }
0x62: {  	_ =	shalt  }
0x63: {  	_ =	shalt  }
0x64: {  	_ =	shalt  }
0x65: {  	_ =	shalt  }
0x66: {  	_ =	shalt  }
0x67: {  	_ =	shalt  }
0x68: {  	_ =	shalt  }
0x69: {  	_ =	shalt  }
0x6a: {  	_ =	shalt  }
0x6b: {  	_ =	shalt  }
0x6c: {  	_ =	shalt  }
0x6d: {  	_ =	shalt  }
0x6e: {  	_ =	shalt  }
0x6f: {  	_ =	shalt  }
0x70: {  	_ =	shalt  }
0x71: {  	_ =	shalt  }
0x72: {  	_ =	shalt  }
0x73: {  	_ =	shalt  }
0x74: {  	_ =	shalt  }
0x75: {  	_ =	shalt  }
0x76: {  	_ =	shalt  }
0x77: {  	_ =	shalt  }
0x78: {  	_ =	shalt  }
0x79: {  	_ =	shalt  }
0x7a: {  	_ =	shalt  }
0x7b: {  	_ =	shalt  }
0x7c: {  	_ =	shalt  }
0x7d: {  	_ =	shalt  }
0x7e: {  	_ =	shalt  }
0x7f: {  	_ =	shalt  }
0x80: {  	_ =	shalt  }
0x81: {  	_ =	shalt  }
0x82: {  	_ =	shalt  }
0x83: {  	_ =	shalt  }
0x84: {  	_ =	shalt  }
0x85: {  	_ =	shalt  }
0x86: {  	_ =	shalt  }
0x87: {  	_ =	shalt  }
.Lfunc_end0:
.L_simem_size_0:
called_computation.2_lowered:
.L_overlay_start_0:
0x88: {  	s2 =	sld [smem:$0x3FD9]  }
0x89: {  	s3 =	sld [smem:$0x3FFE];
	_ =	sdelay $0x1  }
0x8a: {  	s1 =	srdreg.scid  }
0x8b: {  	s0 =	sand.u32 $0x1, s1  }
0x8c: {  	s16 =	sshll.u32 s0, $0xA;
	s2 =	sadd.s32 s3, s2  }
0x8d: {  	s2 =	sadd.s32 s2, s16  }
0x8e: {  	[smem:$0x3FC1] =	sst s2  }
0x8f: {  	_ = 	snop  }
0x90: {  	(tm) =	ssettm $0x1  }
0x91: {  	s17 =	sld [smem:$0x3FFB];
	_ =	sdelay $0x3  }
0x92: {  	_ =	strace s17  }
0x93: {  	s2 =	sld [smem:$0x3FFC];
	_ =	sdelay $0x3  }
0x94: {  	_ =	strace s2  }
0x95: {  	s2 =	sld [smem:$0x3FFD];
	_ =	sdelay $0x3  }
0x96: {  	_ =	strace s2  }
0x97: {  	_ =	strace $0x8FFFFFFF  }
0x98: {  	s18 =	sld [smem:$0x3FDB];
	_ =	sdelay $0x1  }
0x99: {  	s19 =	simm.s32 $_scs_section_size  }
0x9a: {  	s4 =	simm.s32 $_size__tile_overlayer_lowered;
	s5 =	simm.s32 $_tile_overlayer_lowered  }
0x9b: {  	s22 =	simm.s32 $0x1BFF;
	s21 =	sshll.u32 s5, $0x1;
	s2 =	sadd.s32 s19, s18  }
0x9c: {  	s6 =	simm.s32 $0x0;
	s20 =	sshll.u32 s4, $0x1;
	s4 =	sadd.s32 s21, s2  }
0x9d: {  	[timem:s6], [sflag:s22] =	dma.local [hbm:s4], s20  }
0x9e: {  	_ =	swait.ge [sflag:s22], s20  }
0x9f: {  	s3 =	ssub.s32 $0x0, s20;
	[sflag:s22] =	ssyncset.done $0x0  }
0xa0: {  	[sflag:s22] =	ssyncadd.s32 s3;
	_ =	sdelay $0x1  }
0xa1: {  	s23 =	simm.s32 $0x1B8B  }
0xa2: {  	_ =	swait.ge [sflag:s23], $0x1  }
0xa3: {  	[sflag:s23] =	ssyncset.done $0x0  }
0xa4: {  	s25 =	simm.s32 $0x1B8E;
	s24 =	sld [smem:$0x3FFE];
	[sflag:s23] =	ssyncadd.s32 $0xFFFFFFFF  }
0xa5: {  	s26 =	simm.s32 $execute0_lowered;
	[smem:$0x3FD2] =	sst s25  }
0xa6: {  	s4 =	sshll.u32 s26, $0x1;
	_ =	strace $0x8000004C;
	[dreg:$0x1] =	wrdreg $0xFFFFFFFF  }
0xa7: {  	s28 =	simm.s32 $_size_execute0_lowered;
	s2 =	sadd.s32 s2, s4;
	[dreg:$0x0] =	wrdreg $0x0  }
0xa8: {  	s4 =	sshll.u32 s28, $0x1;
	[dreg:$0x2] =	wrdreg s2  }
0xa9: {  	[dreg:$0x3] =	wrdreg s4  }
0xaa: {  	[dreg:$0x4] =	wrdreg $0xC0  }
0xab: {  	_ =	task [dreg:s6], $0x5FFFF  }
0xac: {  	[dreg:$0x1] =	wrdreg $0xFFFFFFFF  }
0xad: {  	[dreg:$0x0] =	wrdreg $0x60  }
0xae: {  	[dreg:$0x2] =	wrdreg s24  }
0xaf: {  	[dreg:$0x3] =	wrdreg $0x0  }
0xb0: {  	[dreg:$0x4] =	wrdreg $0x9  }
0xb1: {  	_ =	task.clear_ibuf [dreg:s6], $0x5FFFF;
	_ =	strace $0x9000004C  }
0xb2: {  	s29 =	simm.s32 $0x9;
	_ =	strace $0x8000004E  }
0xb3: {  	_ =	swait.ge [sflag:s29], $0x1  }
0xb4: {  	[sflag:s29] =	ssyncadd.s32 $0xFFFFFFFF  }
0xb5: {  	_ =	strace $0x9000004E  }
0xb6: {  	_ =	sfence  }
0xb7: {  	s30 =	sld [smem:$0x0];
	_ =	sdelay $0x2  }
0xb8: {  	s31 =	sshll.u32 s1, $0xD;
	s1 =	sshrl.u32 s1, $0x2  }
0xb9: {  	s3 =	sand.u32 $0x4000, s31;
	s1 =	sadd.s32 s1, s30  }
0xba: {  	s0 =	sor.u32 s3, s0;
	s1 =	sshll.u32 s1, $0x11  }
0xbb: {  	s0 =	sor.u32 s1, s0  }
0xbc: {  	s0 =	sadd.s32 $0x8F2B, s0  }
0xbd: {  	[sflag:s0] =	ssyncadd.remote.s32 $0x1  }
0xbe: {  	_ =	sfence.sel $0xFFFF  }
0xbf: {  	[dreg:$0x0] =	wrdreg $0xFFFFFFFF;
	(pc) =	sbr.abs _section_cstart, $3  }
0xc0: {  	[dreg:$0x1] =	wrdreg $0xFFFFFFFF  }
0xc1: {  	_ =	task.clear_ibuf [dreg:s6], $0x2FFFF;
	_ =	strace $0x9FFFFFFF  }
0xc2: {  	(tm) =	ssettm $0x7FFFFFFF  }
0xc3: {  	_ =	shalt  }
tec
execute0_lowered:
.L_overlay_start_1:
0x0: {  	(tag) =	ssettag $0x1  }
0x1: {  	s0 =	rddreg [dreg:$0x0]  }
0x2: {  	s2 =	rddreg [dreg:$0x1];
	s3 =	simm.s32 $0x0  }
0x3: {  	s1 =	srdreg.scid;
	s12 =	stileid.u32;
	s14 =	simm.s32 $0x3  }
0x4: {  	s15 =	simm.s32 $0x15C80;
	s16 =	simm.s32 $0x15580;
	s28 =	simm.s32 $0x15600  }
0x5: {  	s29 =	simm.s32 $0x15D80;
	s30 =	simm.s32 $0x15680;
	s17 =	simm.s32 $0x15E00  }
0x6: {  	s31 =	simm.s32 $0x15700;
	[smem:$0x7FF] =	sst s3;
	s6 =	smul.u32 $0x2800, s12  }
0x7: {  	s1 =	sand.u32 $0x1, s1;
	s4 =	sadd.s32 $0x3E200, s0;
	s10 =	smul.u32 $0x50000, s12  }
0x8: {  	s5 =	sadd.s32 $0x8E200, s0;
	s8 =	sadd.s32 $0x31200, s0;
	s22 =	smul.u32 $0x5000, s12  }
0x9: {  	s9 =	sadd.s32 $0x3BA00, s0;
	s11 =	sshll.u32 s12, $0x6;
	s24 =	smul.u32 $0xA00, s12  }
0xa: {  	_ =	strace $0x8000004D;
	s7 =	smul.u32 $0x28000, s1;
	[dreg:$0x3] =	wrdreg s9  }
0xb: {  	s18 =	sshll.u32 s1, $0x4;
	s19 =	ssub.s32 $0x2, s1;
	s1 =	smul.u32 $0x50000, s1  }
0xc: {  	s13 =	sor.u32 $0x1C04, s11;
	s11 =	simm.s32 $0x0;
	s20 =	sshrl.u32 s19, $0x1  }
0xd: {  	s21 =	sshrl.u32 s10, $0x2;
	s23 =	sshrl.u32 s22, $0x3;
	s10 =	simm.s32 $0x4  }
0xe: {  	s6 =	sadd.s32 s6, s7;
	s7 =	sor.u32 s12, s18;
	s9 =	sadd.s32 s21, s2  }
0xf: {  	s1 =	sadd.s32 s22, s1;
	s12 =	sadd.s32 s24, s8;
	s21 =	simm.s32 $0x80  }
0x10: {  	s22 =	simm.s32 $0x16000;
	s24 =	simm.s32 $0x15D00;
	s18 =	simm.s32 $0x15E80  }
0x11: {  	s0 =	sadd.s32 s6, s0;
	s7 =	smul.u32 $0x5000, s7;
	s6 =	ssub.s32 s19, s20  }
0x12: {  	s25 =	sor.u32 $0x800, s1;
	s26 =	sadd.s32 $0x1000, s1;
	s9 =	sshrl.u32 s9, $0x3  }
0x13: {  	s19 =	simm.s32 $0x15000;
	s20 =	simm.s32 $0x15800;
	[dreg:$0x9] =	wrdreg s26  }
0x14: {  	s1 =	simm.s32 $0x15F00;
	s0 =	sadd.s32 $0xA2200, s0;
	[dreg:$0xa] =	wrdreg s9  }
0x15: {  	s6 =	smax.u32 s6, $0x1;
	s26 =	simm.s32 $0x2;
	[dreg:$0x7] =	wrdreg s0  }
.Ltmp0:
0x16: {  	s7 =	sshrl.u32 s7, $0x3;
	[dreg:$0x8] =	wrdreg s6;
	(pc) =	sbr.rel .LBB2_1-.Ltmp0, $4  }
0x17: {  	s0 =	sshrl.u32 s25, $0x3;
	s25 =	simm.s32 $0x1A000;
	s7 =	sadd.s32 s5, s7  }
0x18: {  	s6 =	simm.s32 $0x15F80;
	[dreg:$0x5] =	wrdreg s7;
	s7 =	sadd.s32 s8, s23  }
0x19: {  	s8 =	smov.u32 s13;
	s13 =	sadd.s32 s0, s5;
	[dreg:$0x6] =	wrdreg s7  }
0x1a: {  	s23 =	simm.s32 $0x1;
	s0 =	simm.s32 $0x15780;
	[dreg:$0x4] =	wrdreg s8  }
.LBB2_4:
0x1b: {  	[bflag:$0x0] =	sbarrier.arrive $0xFFFF  }
0x1c: {  	s8 =	rddreg [dreg:$0x4]  }
0x1d: {  	s7 =	rddreg [dreg:$0x7]  }
0x1e: {  	s10 =	simm.s32 $0x4;
	s9 =	rddreg [dreg:$0xa]  }
0x1f: {  	[hbm:s7], [sflag:s8] =	dma.local [spmem:s9], $0x2800  }
0x20: {  	_ =	swait.ge [sflag:s10], $0x2800  }
0x21: {  	s11 =	rddreg [dreg:$0xb]  }
0x22: {  	s7 =	rddreg [dreg:$0x8];
	s11 =	sadd.s32 $0x1, s11  }
0x23: {  	p0 =	sne.s32 s11, s7  }
.Ltmp1:
0x24: {  	_ = 	snop;
	(pc) =	sbr.rel @!p0 .LBB2_5-.Ltmp1, $3  }
0x25: {  	_ =	sdelay $0x1  }
0x26: {  	[sflag:s10] =	ssyncset.done $0x0  }
0x27: {  	[sflag:s10] =	ssyncadd.s32 $0xFFFFD800  }
.LBB2_1:
0x28: {  	[dreg:$0xb] =	wrdreg s11  }
0x29: {  	s7 =	rddreg [dreg:$0x3]  }
0x2a: {  	[spmem:s9], [sflag:s8] =	dma.local [hbm:s7], $0x2800  }
0x2b: {  	_ =	swait.ge [sflag:s10], $0x2800  }
0x2c: {  	[sflag:s10] =	ssyncset.done $0x0  }
0x2d: {  	s11 =	simm.s32 $0x14000;
	s9 =	rddreg [dreg:$0x5];
	[sflag:s10] =	ssyncadd.s32 $0xFFFFD800  }
0x2e: {  	[tilespmem:s11], [sflag:$0x4] =	stream.linear.gather [hbm4b:s9+s3], $0x800, $0x38;
	[tilespmem:$0x1E000] =	vst v63  }
0x2f: {  	_ =	swait.ge [sflag:s10], $0x800  }
0x30: {  	[sflag:s10] =	ssyncset.done $0x0  }
0x31: {  	s11 =	simm.s32 $0x14800;
	s9 =	rddreg [dreg:$0x6];
	[sflag:s10] =	ssyncadd.s32 $0xFFFFF800  }
0x32: {  	[tilespmem:s11], [sflag:$0x4] =	stream.linear.gather [hbm4b:s9+s3], $0x800, $0x38;
	[tilespmem:$0x1E000] =	vst v63  }
0x33: {  	_ =	swait.ge [sflag:s10], $0x800  }
0x34: {  	[sflag:s10] =	ssyncset.done $0x0  }
0x35: {  	[sflag:s10] =	ssyncadd.s32 $0xFFFFF800  }
0x36: {  	[bflag:$0x0] =	sbarrier.arrive $0xFFFF  }
0x37: {  	s9 =	simm.s32 $0x0;
	s8 =	rddreg [dreg:$0x9]  }
.LBB2_2:
0x38: {  	s10 =	sadd.s32 s9, s13;
	s7 =	sadd.s32 s9, s12  }
0x39: {  	[tilespmem:s19], [sflag:$0x3] =	stream.linear.gather [hbm4b:s10+s3], $0x800, $0x38;
	[tilespmem:$0x1E000] =	vst v63  }
0x3a: {  	s10 =	sadd.s32 $0x100, s7  }
0x3b: {  	[tilespmem:s20], [sflag:$0x3] =	stream.linear.gather [hbm4b:s10+s3], $0x800, $0x38;
	[tilespmem:$0x1E000] =	vst v63  }
0x3c: {  	s7 =	simm.s32 $0x14000  }
0x3d: {  	[tilespmem:s22], [sflag:$0x1] =	stream.indirect.gather [hbm4b:s4+s21], $0x80, s7, s21, $0xb8;
	[tilespmem:$0x1E000] =	vst v63  }
0x3e: {  	_ =	swait.ge [sflag:s23], $0x4000  }
0x3f: {  	[sflag:s23] =	ssyncset.done $0x0  }
0x40: {  	s11 =	simm.s32 $0x14080;
	[sflag:s23] =	ssyncadd.s32 $0xFFFFC000  }
0x41: {  	[tilespmem:s25], [sflag:$0x1] =	stream.indirect.gather [hbm4b:s4+s21], $0x80, s11, s21, $0xb8;
	[tilespmem:$0x1E000] =	vst v63  }
0x42: {  	s10 =	simm.s32 $0x14800  }
0x43: {  	[spmem:s2] =	stream.indirect.scatter.add.f32 [tilespmem:s22], [sflag:$0x2], $0x80, s10, s21, $0xb8;
	[tilespmem:$0x1E000] =	vst v63  }
0x44: {  	_ =	swait.ge [sflag:s23], $0x4000  }
0x45: {  	[sflag:s23] =	ssyncset.done $0x0  }
0x46: {  	[sflag:s23] =	ssyncadd.s32 $0xFFFFC000  }
0x47: {  	_ =	swait.ge [sflag:s26], $0x4000  }
0x48: {  	[sflag:s26] =	ssyncset.done $0x0  }
0x49: {  	s11 =	simm.s32 $0x14100;
	[sflag:s26] =	ssyncadd.s32 $0xFFFFC000  }
0x4a: {  	[tilespmem:s22], [sflag:$0x1] =	stream.indirect.gather [hbm4b:s4+s21], $0x80, s11, s21, $0xb8;
	[tilespmem:$0x1E000] =	vst v63  }
0x4b: {  	s10 =	simm.s32 $0x14880  }
0x4c: {  	[spmem:s2] =	stream.indirect.scatter.add.f32 [tilespmem:s25], [sflag:$0x2], $0x80, s10, s21, $0xb8;
	[tilespmem:$0x1E000] =	vst v63  }
0x4d: {  	_ =	swait.ge [sflag:s23], $0x4000  }
0x4e: {  	[sflag:s23] =	ssyncset.done $0x0  }
0x4f: {  	[sflag:s23] =	ssyncadd.s32 $0xFFFFC000  }
0x50: {  	_ =	swait.ge [sflag:s26], $0x4000  }
0x51: {  	[sflag:s26] =	ssyncset.done $0x0  }
0x52: {  	s11 =	simm.s32 $0x14180;
	[sflag:s26] =	ssyncadd.s32 $0xFFFFC000  }
0x53: {  	[tilespmem:s25], [sflag:$0x1] =	stream.indirect.gather [hbm4b:s4+s21], $0x80, s11, s21, $0xb8;
	[tilespmem:$0x1E000] =	vst v63  }
0x54: {  	s10 =	simm.s32 $0x14900  }
0x55: {  	[spmem:s2] =	stream.indirect.scatter.add.f32 [tilespmem:s22], [sflag:$0x2], $0x80, s10, s21, $0xb8;
	[tilespmem:$0x1E000] =	vst v63  }
0x56: {  	_ =	swait.ge [sflag:s23], $0x4000  }
0x57: {  	[sflag:s23] =	ssyncset.done $0x0  }
0x58: {  	[sflag:s23] =	ssyncadd.s32 $0xFFFFC000  }
0x59: {  	_ =	swait.ge [sflag:s26], $0x4000  }
0x5a: {  	[sflag:s26] =	ssyncset.done $0x0  }
0x5b: {  	s11 =	simm.s32 $0x14200;
	[sflag:s26] =	ssyncadd.s32 $0xFFFFC000  }
0x5c: {  	[tilespmem:s22], [sflag:$0x1] =	stream.indirect.gather [hbm4b:s4+s21], $0x80, s11, s21, $0xb8;
	[tilespmem:$0x1E000] =	vst v63  }
0x5d: {  	s10 =	simm.s32 $0x14980  }
0x5e: {  	[spmem:s2] =	stream.indirect.scatter.add.f32 [tilespmem:s25], [sflag:$0x2], $0x80, s10, s21, $0xb8;
	[tilespmem:$0x1E000] =	vst v63  }
0x5f: {  	_ =	swait.ge [sflag:s23], $0x4000  }
0x60: {  	[sflag:s23] =	ssyncset.done $0x0  }
0x61: {  	[sflag:s23] =	ssyncadd.s32 $0xFFFFC000  }
0x62: {  	_ =	swait.ge [sflag:s26], $0x4000  }
0x63: {  	[sflag:s26] =	ssyncset.done $0x0  }
0x64: {  	s11 =	simm.s32 $0x14280;
	[sflag:s26] =	ssyncadd.s32 $0xFFFFC000  }
0x65: {  	[tilespmem:s25], [sflag:$0x1] =	stream.indirect.gather [hbm4b:s4+s21], $0x80, s11, s21, $0xb8;
	[tilespmem:$0x1E000] =	vst v63  }
0x66: {  	s10 =	simm.s32 $0x14A00  }
0x67: {  	[spmem:s2] =	stream.indirect.scatter.add.f32 [tilespmem:s22], [sflag:$0x2], $0x80, s10, s21, $0xb8;
	[tilespmem:$0x1E000] =	vst v63  }
0x68: {  	_ =	swait.ge [sflag:s23], $0x4000  }
0x69: {  	[sflag:s23] =	ssyncset.done $0x0  }
0x6a: {  	[sflag:s23] =	ssyncadd.s32 $0xFFFFC000  }
0x6b: {  	_ =	swait.ge [sflag:s26], $0x4000  }
0x6c: {  	[sflag:s26] =	ssyncset.done $0x0  }
0x6d: {  	s11 =	simm.s32 $0x14300;
	[sflag:s26] =	ssyncadd.s32 $0xFFFFC000  }
0x6e: {  	[tilespmem:s22], [sflag:$0x1] =	stream.indirect.gather [hbm4b:s4+s21], $0x80, s11, s21, $0xb8;
	[tilespmem:$0x1E000] =	vst v63  }
0x6f: {  	s10 =	simm.s32 $0x14A80  }
0x70: {  	[spmem:s2] =	stream.indirect.scatter.add.f32 [tilespmem:s25], [sflag:$0x2], $0x80, s10, s21, $0xb8;
	[tilespmem:$0x1E000] =	vst v63  }
0x71: {  	_ =	swait.ge [sflag:s23], $0x4000  }
0x72: {  	[sflag:s23] =	ssyncset.done $0x0  }
0x73: {  	[sflag:s23] =	ssyncadd.s32 $0xFFFFC000  }
0x74: {  	_ =	swait.ge [sflag:s26], $0x4000  }
0x75: {  	[sflag:s26] =	ssyncset.done $0x0  }
0x76: {  	s11 =	simm.s32 $0x14380;
	[sflag:s26] =	ssyncadd.s32 $0xFFFFC000  }
0x77: {  	[tilespmem:s25], [sflag:$0x1] =	stream.indirect.gather [hbm4b:s4+s21], $0x80, s11, s21, $0xb8;
	[tilespmem:$0x1E000] =	vst v63  }
0x78: {  	s10 =	simm.s32 $0x14B00  }
0x79: {  	[spmem:s2] =	stream.indirect.scatter.add.f32 [tilespmem:s22], [sflag:$0x2], $0x80, s10, s21, $0xb8;
	[tilespmem:$0x1E000] =	vst v63  }
0x7a: {  	_ =	swait.ge [sflag:s23], $0x4000  }
0x7b: {  	[sflag:s23] =	ssyncset.done $0x0  }
0x7c: {  	[sflag:s23] =	ssyncadd.s32 $0xFFFFC000  }
0x7d: {  	_ =	swait.ge [sflag:s26], $0x4000  }
0x7e: {  	[sflag:s26] =	ssyncset.done $0x0  }
0x7f: {  	s11 =	simm.s32 $0x14400;
	[sflag:s26] =	ssyncadd.s32 $0xFFFFC000  }
0x80: {  	[tilespmem:s22], [sflag:$0x1] =	stream.indirect.gather [hbm4b:s4+s21], $0x80, s11, s21, $0xb8;
	[tilespmem:$0x1E000] =	vst v63  }
0x81: {  	s10 =	simm.s32 $0x14B80  }
0x82: {  	[spmem:s2] =	stream.indirect.scatter.add.f32 [tilespmem:s25], [sflag:$0x2], $0x80, s10, s21, $0xb8;
	[tilespmem:$0x1E000] =	vst v63  }
0x83: {  	_ =	swait.ge [sflag:s23], $0x4000  }
0x84: {  	[sflag:s23] =	ssyncset.done $0x0  }
0x85: {  	[sflag:s23] =	ssyncadd.s32 $0xFFFFC000  }
0x86: {  	_ =	swait.ge [sflag:s26], $0x4000  }
0x87: {  	[sflag:s26] =	ssyncset.done $0x0  }
0x88: {  	s11 =	simm.s32 $0x14480;
	[sflag:s26] =	ssyncadd.s32 $0xFFFFC000  }
0x89: {  	[tilespmem:s25], [sflag:$0x1] =	stream.indirect.gather [hbm4b:s4+s21], $0x80, s11, s21, $0xb8;
	[tilespmem:$0x1E000] =	vst v63  }
0x8a: {  	s10 =	simm.s32 $0x14C00  }
0x8b: {  	[spmem:s2] =	stream.indirect.scatter.add.f32 [tilespmem:s22], [sflag:$0x2], $0x80, s10, s21, $0xb8;
	[tilespmem:$0x1E000] =	vst v63  }
0x8c: {  	_ =	swait.ge [sflag:s23], $0x4000  }
0x8d: {  	[sflag:s23] =	ssyncset.done $0x0  }
0x8e: {  	[sflag:s23] =	ssyncadd.s32 $0xFFFFC000  }
0x8f: {  	_ =	swait.ge [sflag:s26], $0x4000  }
0x90: {  	[sflag:s26] =	ssyncset.done $0x0  }
0x91: {  	s11 =	simm.s32 $0x14500;
	[sflag:s26] =	ssyncadd.s32 $0xFFFFC000  }
0x92: {  	[tilespmem:s22], [sflag:$0x1] =	stream.indirect.gather [hbm4b:s4+s21], $0x80, s11, s21, $0xb8;
	[tilespmem:$0x1E000] =	vst v63  }
0x93: {  	s10 =	simm.s32 $0x14C80  }
0x94: {  	[spmem:s2] =	stream.indirect.scatter.add.f32 [tilespmem:s25], [sflag:$0x2], $0x80, s10, s21, $0xb8;
	[tilespmem:$0x1E000] =	vst v63  }
0x95: {  	_ =	swait.ge [sflag:s23], $0x4000  }
0x96: {  	[sflag:s23] =	ssyncset.done $0x0  }
0x97: {  	[sflag:s23] =	ssyncadd.s32 $0xFFFFC000  }
0x98: {  	_ =	swait.ge [sflag:s26], $0x4000  }
0x99: {  	[sflag:s26] =	ssyncset.done $0x0  }
0x9a: {  	s11 =	simm.s32 $0x14580;
	[sflag:s26] =	ssyncadd.s32 $0xFFFFC000  }
0x9b: {  	[tilespmem:s25], [sflag:$0x1] =	stream.indirect.gather [hbm4b:s4+s21], $0x80, s11, s21, $0xb8;
	[tilespmem:$0x1E000] =	vst v63  }
0x9c: {  	s10 =	simm.s32 $0x14D00  }
0x9d: {  	[spmem:s2] =	stream.indirect.scatter.add.f32 [tilespmem:s22], [sflag:$0x2], $0x80, s10, s21, $0xb8;
	[tilespmem:$0x1E000] =	vst v63  }
0x9e: {  	_ =	swait.ge [sflag:s23], $0x4000  }
0x9f: {  	[sflag:s23] =	ssyncset.done $0x0  }
0xa0: {  	[sflag:s23] =	ssyncadd.s32 $0xFFFFC000  }
0xa1: {  	_ =	swait.ge [sflag:s26], $0x4000  }
0xa2: {  	[sflag:s26] =	ssyncset.done $0x0  }
0xa3: {  	s11 =	simm.s32 $0x14600;
	[sflag:s26] =	ssyncadd.s32 $0xFFFFC000  }
0xa4: {  	[tilespmem:s22], [sflag:$0x1] =	stream.indirect.gather [hbm4b:s4+s21], $0x80, s11, s21, $0xb8;
	[tilespmem:$0x1E000] =	vst v63  }
0xa5: {  	s10 =	simm.s32 $0x14D80  }
0xa6: {  	[spmem:s2] =	stream.indirect.scatter.add.f32 [tilespmem:s25], [sflag:$0x2], $0x80, s10, s21, $0xb8;
	[tilespmem:$0x1E000] =	vst v63  }
0xa7: {  	_ =	swait.ge [sflag:s23], $0x4000  }
0xa8: {  	[sflag:s23] =	ssyncset.done $0x0  }
0xa9: {  	[sflag:s23] =	ssyncadd.s32 $0xFFFFC000  }
0xaa: {  	_ =	swait.ge [sflag:s26], $0x4000  }
0xab: {  	[sflag:s26] =	ssyncset.done $0x0  }
0xac: {  	s11 =	simm.s32 $0x14680;
	[sflag:s26] =	ssyncadd.s32 $0xFFFFC000  }
0xad: {  	[tilespmem:s25], [sflag:$0x1] =	stream.indirect.gather [hbm4b:s4+s21], $0x80, s11, s21, $0xb8;
	[tilespmem:$0x1E000] =	vst v63  }
0xae: {  	s10 =	simm.s32 $0x14E00  }
0xaf: {  	[spmem:s2] =	stream.indirect.scatter.add.f32 [tilespmem:s22], [sflag:$0x2], $0x80, s10, s21, $0xb8;
	[tilespmem:$0x1E000] =	vst v63  }
0xb0: {  	_ =	swait.ge [sflag:s23], $0x4000  }
0xb1: {  	[sflag:s23] =	ssyncset.done $0x0  }
0xb2: {  	[sflag:s23] =	ssyncadd.s32 $0xFFFFC000  }
0xb3: {  	_ =	swait.ge [sflag:s26], $0x4000  }
0xb4: {  	[sflag:s26] =	ssyncset.done $0x0  }
0xb5: {  	s11 =	simm.s32 $0x14700;
	[sflag:s26] =	ssyncadd.s32 $0xFFFFC000  }
0xb6: {  	[tilespmem:s22], [sflag:$0x1] =	stream.indirect.gather [hbm4b:s4+s21], $0x80, s11, s21, $0xb8;
	[tilespmem:$0x1E000] =	vst v63  }
0xb7: {  	s10 =	simm.s32 $0x14E80  }
0xb8: {  	[spmem:s2] =	stream.indirect.scatter.add.f32 [tilespmem:s25], [sflag:$0x2], $0x80, s10, s21, $0xb8;
	[tilespmem:$0x1E000] =	vst v63  }
0xb9: {  	_ =	swait.ge [sflag:s23], $0x4000  }
0xba: {  	[sflag:s23] =	ssyncset.done $0x0  }
0xbb: {  	[sflag:s23] =	ssyncadd.s32 $0xFFFFC000  }
0xbc: {  	_ =	swait.ge [sflag:s26], $0x4000  }
0xbd: {  	[sflag:s26] =	ssyncset.done $0x0  }
0xbe: {  	s11 =	simm.s32 $0x14780;
	[sflag:s26] =	ssyncadd.s32 $0xFFFFC000  }
0xbf: {  	[tilespmem:s25], [sflag:$0x1] =	stream.indirect.gather [hbm4b:s4+s21], $0x80, s11, s21, $0xb8;
	[tilespmem:$0x1E000] =	vst v63  }
0xc0: {  	s10 =	simm.s32 $0x14F00  }
0xc1: {  	[spmem:s2] =	stream.indirect.scatter.add.f32 [tilespmem:s22], [sflag:$0x2], $0x80, s10, s21, $0xb8;
	[tilespmem:$0x1E000] =	vst v63  }
0xc2: {  	_ =	swait.ge [sflag:s23], $0x4000  }
0xc3: {  	[sflag:s23] =	ssyncset.done $0x0  }
0xc4: {  	[sflag:s23] =	ssyncadd.s32 $0xFFFFC000  }
0xc5: {  	_ =	swait.ge [sflag:s26], $0x4000  }
0xc6: {  	[sflag:s26] =	ssyncset.done $0x0  }
0xc7: {  	s11 =	simm.s32 $0x14F80;
	[sflag:s26] =	ssyncadd.s32 $0xFFFFC000  }
0xc8: {  	[spmem:s2] =	stream.indirect.scatter.add.f32 [tilespmem:s25], [sflag:$0x2], $0x80, s11, s21, $0xb8;
	[tilespmem:$0x1E000] =	vst v63  }
0xc9: {  	_ =	swait.ge [sflag:s26], $0x4000  }
0xca: {  	[sflag:s26] =	ssyncset.done $0x0  }
0xcb: {  	[sflag:s26] =	ssyncadd.s32 $0xFFFFC000  }
0xcc: {  	_ =	swait.ge [sflag:s14], $0x800  }
0xcd: {  	[sflag:s14] =	ssyncset.done $0x0  }
0xce: {  	[sflag:s14] =	ssyncadd.s32 $0xFFFFF800  }
0xcf: {  	p0 =	seq.s32 s9, $0x800;
	_ =	swait.ge [sflag:s14], $0x800  }
0xd0: {  	s7 =	simm.s32 @!p0 $0x14000;
	s10 =	sshrl.u32 @!p0 s8, $0x3;
	[sflag:s14] =	ssyncset.done $0x0  }
0xd1: {  	s10 =	sadd.s32 @!p0 s5, s10;
	s11 =	simm.s32 @!p0 $0x0;
	[sflag:s14] =	ssyncadd.s32 $0xFFFFF800  }
0xd2: {  	[tilespmem:s7], [sflag:$0x3] =	stream.linear.gather @!p0 [hbm4b:s10+s11], $0x800, $0x38;
	[tilespmem:$0x1E000] =	vst v63  }
0xd3: {  	s7 =	sadd.s32 @!p0 s9, s12  }
0xd4: {  	s10 =	simm.s32 @!p0 $0x14800;
	s7 =	sadd.s32 @!p0 $0x200, s7  }
0xd5: {  	[tilespmem:s10], [sflag:$0x3] =	stream.linear.gather @!p0 [hbm4b:s7+s11], $0x800, $0x38;
	[tilespmem:$0x1E000] =	vst v63  }
0xd6: {  	_ = 	snop  }
0xd7: {  	[tilespmem:s22], [sflag:$0x1] =	stream.indirect.gather [hbm4b:s4+s21], $0x80, s19, s21, $0xb8;
	[tilespmem:$0x1E000] =	vst v63  }
0xd8: {  	_ =	swait.ge [sflag:s23], $0x4000  }
0xd9: {  	[sflag:s23] =	ssyncset.done $0x0  }
0xda: {  	s10 =	simm.s32 $0x15080;
	[sflag:s23] =	ssyncadd.s32 $0xFFFFC000  }
0xdb: {  	[tilespmem:s25], [sflag:$0x1] =	stream.indirect.gather [hbm4b:s4+s21], $0x80, s10, s21, $0xb8;
	[tilespmem:$0x1E000] =	vst v63  }
0xdc: {  	_ = 	snop  }
0xdd: {  	[spmem:s2] =	stream.indirect.scatter.add.f32 [tilespmem:s22], [sflag:$0x2], $0x80, s20, s21, $0xb8;
	[tilespmem:$0x1E000] =	vst v63  }
0xde: {  	_ =	swait.ge [sflag:s23], $0x4000  }
0xdf: {  	[sflag:s23] =	ssyncset.done $0x0  }
0xe0: {  	[sflag:s23] =	ssyncadd.s32 $0xFFFFC000  }
0xe1: {  	_ =	swait.ge [sflag:s26], $0x4000  }
0xe2: {  	[sflag:s26] =	ssyncset.done $0x0  }
0xe3: {  	s11 =	simm.s32 $0x15100;
	[sflag:s26] =	ssyncadd.s32 $0xFFFFC000  }
0xe4: {  	[tilespmem:s22], [sflag:$0x1] =	stream.indirect.gather [hbm4b:s4+s21], $0x80, s11, s21, $0xb8;
	[tilespmem:$0x1E000] =	vst v63  }
0xe5: {  	s10 =	simm.s32 $0x15880  }
0xe6: {  	[spmem:s2] =	stream.indirect.scatter.add.f32 [tilespmem:s25], [sflag:$0x2], $0x80, s10, s21, $0xb8;
	[tilespmem:$0x1E000] =	vst v63  }
0xe7: {  	_ =	swait.ge [sflag:s23], $0x4000  }
0xe8: {  	[sflag:s23] =	ssyncset.done $0x0  }
0xe9: {  	[sflag:s23] =	ssyncadd.s32 $0xFFFFC000  }
0xea: {  	_ =	swait.ge [sflag:s26], $0x4000  }
0xeb: {  	[sflag:s26] =	ssyncset.done $0x0  }
0xec: {  	s11 =	simm.s32 $0x15180;
	[sflag:s26] =	ssyncadd.s32 $0xFFFFC000  }
0xed: {  	[tilespmem:s25], [sflag:$0x1] =	stream.indirect.gather [hbm4b:s4+s21], $0x80, s11, s21, $0xb8;
	[tilespmem:$0x1E000] =	vst v63  }
0xee: {  	s10 =	simm.s32 $0x15900  }
0xef: {  	[spmem:s2] =	stream.indirect.scatter.add.f32 [tilespmem:s22], [sflag:$0x2], $0x80, s10, s21, $0xb8;
	[tilespmem:$0x1E000] =	vst v63  }
0xf0: {  	_ =	swait.ge [sflag:s23], $0x4000  }
0xf1: {  	[sflag:s23] =	ssyncset.done $0x0  }
0xf2: {  	[sflag:s23] =	ssyncadd.s32 $0xFFFFC000  }
0xf3: {  	_ =	swait.ge [sflag:s26], $0x4000  }
0xf4: {  	[sflag:s26] =	ssyncset.done $0x0  }
0xf5: {  	s11 =	simm.s32 $0x15200;
	[sflag:s26] =	ssyncadd.s32 $0xFFFFC000  }
0xf6: {  	[tilespmem:s22], [sflag:$0x1] =	stream.indirect.gather [hbm4b:s4+s21], $0x80, s11, s21, $0xb8;
	[tilespmem:$0x1E000] =	vst v63  }
0xf7: {  	s10 =	simm.s32 $0x15980  }
0xf8: {  	[spmem:s2] =	stream.indirect.scatter.add.f32 [tilespmem:s25], [sflag:$0x2], $0x80, s10, s21, $0xb8;
	[tilespmem:$0x1E000] =	vst v63  }
0xf9: {  	_ =	swait.ge [sflag:s23], $0x4000  }
0xfa: {  	[sflag:s23] =	ssyncset.done $0x0  }
0xfb: {  	[sflag:s23] =	ssyncadd.s32 $0xFFFFC000  }
0xfc: {  	_ =	swait.ge [sflag:s26], $0x4000  }
0xfd: {  	[sflag:s26] =	ssyncset.done $0x0  }
0xfe: {  	s11 =	simm.s32 $0x15280;
	[sflag:s26] =	ssyncadd.s32 $0xFFFFC000  }
0xff: {  	[tilespmem:s25], [sflag:$0x1] =	stream.indirect.gather [hbm4b:s4+s21], $0x80, s11, s21, $0xb8;
	[tilespmem:$0x1E000] =	vst v63  }
0x100: {  	s10 =	simm.s32 $0x15A00  }
0x101: {  	[spmem:s2] =	stream.indirect.scatter.add.f32 [tilespmem:s22], [sflag:$0x2], $0x80, s10, s21, $0xb8;
	[tilespmem:$0x1E000] =	vst v63  }
0x102: {  	_ =	swait.ge [sflag:s23], $0x4000  }
0x103: {  	[sflag:s23] =	ssyncset.done $0x0  }
0x104: {  	[sflag:s23] =	ssyncadd.s32 $0xFFFFC000  }
0x105: {  	_ =	swait.ge [sflag:s26], $0x4000  }
0x106: {  	[sflag:s26] =	ssyncset.done $0x0  }
0x107: {  	s11 =	simm.s32 $0x15300;
	[sflag:s26] =	ssyncadd.s32 $0xFFFFC000  }
0x108: {  	[tilespmem:s22], [sflag:$0x1] =	stream.indirect.gather [hbm4b:s4+s21], $0x80, s11, s21, $0xb8;
	[tilespmem:$0x1E000] =	vst v63  }
0x109: {  	s10 =	simm.s32 $0x15A80  }
0x10a: {  	[spmem:s2] =	stream.indirect.scatter.add.f32 [tilespmem:s25], [sflag:$0x2], $0x80, s10, s21, $0xb8;
	[tilespmem:$0x1E000] =	vst v63  }
0x10b: {  	_ =	swait.ge [sflag:s23], $0x4000  }
0x10c: {  	[sflag:s23] =	ssyncset.done $0x0  }
0x10d: {  	[sflag:s23] =	ssyncadd.s32 $0xFFFFC000  }
0x10e: {  	_ =	swait.ge [sflag:s26], $0x4000  }
0x10f: {  	[sflag:s26] =	ssyncset.done $0x0  }
0x110: {  	s11 =	simm.s32 $0x15380;
	[sflag:s26] =	ssyncadd.s32 $0xFFFFC000  }
0x111: {  	[tilespmem:s25], [sflag:$0x1] =	stream.indirect.gather [hbm4b:s4+s21], $0x80, s11, s21, $0xb8;
	[tilespmem:$0x1E000] =	vst v63  }
0x112: {  	s10 =	simm.s32 $0x15B00  }
0x113: {  	[spmem:s2] =	stream.indirect.scatter.add.f32 [tilespmem:s22], [sflag:$0x2], $0x80, s10, s21, $0xb8;
	[tilespmem:$0x1E000] =	vst v63  }
0x114: {  	_ =	swait.ge [sflag:s23], $0x4000  }
0x115: {  	[sflag:s23] =	ssyncset.done $0x0  }
0x116: {  	[sflag:s23] =	ssyncadd.s32 $0xFFFFC000  }
0x117: {  	_ =	swait.ge [sflag:s26], $0x4000  }
0x118: {  	[sflag:s26] =	ssyncset.done $0x0  }
0x119: {  	s11 =	simm.s32 $0x15400;
	[sflag:s26] =	ssyncadd.s32 $0xFFFFC000  }
0x11a: {  	[tilespmem:s22], [sflag:$0x1] =	stream.indirect.gather [hbm4b:s4+s21], $0x80, s11, s21, $0xb8;
	[tilespmem:$0x1E000] =	vst v63  }
0x11b: {  	s10 =	simm.s32 $0x15B80  }
0x11c: {  	[spmem:s2] =	stream.indirect.scatter.add.f32 [tilespmem:s25], [sflag:$0x2], $0x80, s10, s21, $0xb8;
	[tilespmem:$0x1E000] =	vst v63  }
0x11d: {  	_ =	swait.ge [sflag:s23], $0x4000  }
0x11e: {  	[sflag:s23] =	ssyncset.done $0x0  }
0x11f: {  	[sflag:s23] =	ssyncadd.s32 $0xFFFFC000  }
0x120: {  	_ =	swait.ge [sflag:s26], $0x4000  }
0x121: {  	[sflag:s26] =	ssyncset.done $0x0  }
0x122: {  	s11 =	simm.s32 $0x15480;
	[sflag:s26] =	ssyncadd.s32 $0xFFFFC000  }
0x123: {  	[tilespmem:s25], [sflag:$0x1] =	stream.indirect.gather [hbm4b:s4+s21], $0x80, s11, s21, $0xb8;
	[tilespmem:$0x1E000] =	vst v63  }
0x124: {  	s10 =	simm.s32 $0x15C00  }
0x125: {  	[spmem:s2] =	stream.indirect.scatter.add.f32 [tilespmem:s22], [sflag:$0x2], $0x80, s10, s21, $0xb8;
	[tilespmem:$0x1E000] =	vst v63  }
0x126: {  	_ =	swait.ge [sflag:s23], $0x4000  }
0x127: {  	[sflag:s23] =	ssyncset.done $0x0  }
0x128: {  	[sflag:s23] =	ssyncadd.s32 $0xFFFFC000  }
0x129: {  	_ =	swait.ge [sflag:s26], $0x4000  }
0x12a: {  	[sflag:s26] =	ssyncset.done $0x0  }
0x12b: {  	s11 =	simm.s32 $0x15500;
	[sflag:s26] =	ssyncadd.s32 $0xFFFFC000  }
0x12c: {  	[tilespmem:s22], [sflag:$0x1] =	stream.indirect.gather [hbm4b:s4+s21], $0x80, s11, s21, $0xb8;
	[tilespmem:$0x1E000] =	vst v63  }
0x12d: {  	_ = 	snop  }
0x12e: {  	[spmem:s2] =	stream.indirect.scatter.add.f32 [tilespmem:s25], [sflag:$0x2], $0x80, s15, s21, $0xb8;
	[tilespmem:$0x1E000] =	vst v63  }
0x12f: {  	_ =	swait.ge [sflag:s23], $0x4000  }
0x130: {  	[sflag:s23] =	ssyncset.done $0x0  }
0x131: {  	[sflag:s23] =	ssyncadd.s32 $0xFFFFC000  }
0x132: {  	_ =	swait.ge [sflag:s26], $0x4000  }
0x133: {  	[sflag:s26] =	ssyncset.done $0x0  }
0x134: {  	[sflag:s26] =	ssyncadd.s32 $0xFFFFC000  }
0x135: {  	[tilespmem:s25], [sflag:$0x1] =	stream.indirect.gather [hbm4b:s4+s21], $0x80, s16, s21, $0xb8;
	[tilespmem:$0x1E000] =	vst v63  }
0x136: {  	_ = 	snop  }
0x137: {  	[spmem:s2] =	stream.indirect.scatter.add.f32 [tilespmem:s22], [sflag:$0x2], $0x80, s24, s21, $0xb8;
	[tilespmem:$0x1E000] =	vst v63  }
0x138: {  	_ =	swait.ge [sflag:s23], $0x4000  }
0x139: {  	[sflag:s23] =	ssyncset.done $0x0  }
0x13a: {  	[sflag:s23] =	ssyncadd.s32 $0xFFFFC000  }
0x13b: {  	_ =	swait.ge [sflag:s26], $0x4000  }
0x13c: {  	[sflag:s26] =	ssyncset.done $0x0  }
0x13d: {  	[sflag:s26] =	ssyncadd.s32 $0xFFFFC000  }
0x13e: {  	[tilespmem:s22], [sflag:$0x1] =	stream.indirect.gather [hbm4b:s4+s21], $0x80, s28, s21, $0xb8;
	[tilespmem:$0x1E000] =	vst v63  }
0x13f: {  	_ = 	snop  }
0x140: {  	[spmem:s2] =	stream.indirect.scatter.add.f32 [tilespmem:s25], [sflag:$0x2], $0x80, s29, s21, $0xb8;
	[tilespmem:$0x1E000] =	vst v63  }
0x141: {  	_ =	swait.ge [sflag:s23], $0x4000  }
0x142: {  	[sflag:s23] =	ssyncset.done $0x0  }
0x143: {  	[sflag:s23] =	ssyncadd.s32 $0xFFFFC000  }
0x144: {  	_ =	swait.ge [sflag:s26], $0x4000  }
0x145: {  	[sflag:s26] =	ssyncset.done $0x0  }
0x146: {  	[sflag:s26] =	ssyncadd.s32 $0xFFFFC000  }
0x147: {  	[tilespmem:s25], [sflag:$0x1] =	stream.indirect.gather [hbm4b:s4+s21], $0x80, s30, s21, $0xb8;
	[tilespmem:$0x1E000] =	vst v63  }
0x148: {  	_ = 	snop  }
0x149: {  	[spmem:s2] =	stream.indirect.scatter.add.f32 [tilespmem:s22], [sflag:$0x2], $0x80, s17, s21, $0xb8;
	[tilespmem:$0x1E000] =	vst v63  }
0x14a: {  	_ =	swait.ge [sflag:s23], $0x4000  }
0x14b: {  	[sflag:s23] =	ssyncset.done $0x0  }
0x14c: {  	[sflag:s23] =	ssyncadd.s32 $0xFFFFC000  }
0x14d: {  	_ =	swait.ge [sflag:s26], $0x4000  }
0x14e: {  	[sflag:s26] =	ssyncset.done $0x0  }
0x14f: {  	[sflag:s26] =	ssyncadd.s32 $0xFFFFC000  }
0x150: {  	[tilespmem:s22], [sflag:$0x1] =	stream.indirect.gather [hbm4b:s4+s21], $0x80, s31, s21, $0xb8;
	[tilespmem:$0x1E000] =	vst v63  }
0x151: {  	_ = 	snop  }
0x152: {  	[spmem:s2] =	stream.indirect.scatter.add.f32 [tilespmem:s25], [sflag:$0x2], $0x80, s18, s21, $0xb8;
	[tilespmem:$0x1E000] =	vst v63  }
0x153: {  	_ =	swait.ge [sflag:s23], $0x4000  }
0x154: {  	[sflag:s23] =	ssyncset.done $0x0  }
0x155: {  	[sflag:s23] =	ssyncadd.s32 $0xFFFFC000  }
0x156: {  	_ =	swait.ge [sflag:s26], $0x4000  }
0x157: {  	[sflag:s26] =	ssyncset.done $0x0  }
0x158: {  	[sflag:s26] =	ssyncadd.s32 $0xFFFFC000  }
0x159: {  	[tilespmem:s25], [sflag:$0x1] =	stream.indirect.gather [hbm4b:s4+s21], $0x80, s0, s21, $0xb8;
	[tilespmem:$0x1E000] =	vst v63  }
0x15a: {  	_ = 	snop  }
0x15b: {  	[spmem:s2] =	stream.indirect.scatter.add.f32 [tilespmem:s22], [sflag:$0x2], $0x80, s1, s21, $0xb8;
	[tilespmem:$0x1E000] =	vst v63  }
0x15c: {  	_ =	swait.ge [sflag:s23], $0x4000  }
0x15d: {  	[sflag:s23] =	ssyncset.done $0x0  }
0x15e: {  	[sflag:s23] =	ssyncadd.s32 $0xFFFFC000  }
0x15f: {  	_ =	swait.ge [sflag:s26], $0x4000  }
0x160: {  	[sflag:s26] =	ssyncset.done $0x0  }
.Ltmp2:
0x161: {  	[sflag:s26] =	ssyncadd.s32 $0xFFFFC000;
	(pc) =	sbr.rel @p0 .LBB2_4-.Ltmp2, $4  }
0x162: {  	[spmem:s2] =	stream.indirect.scatter.add.f32 [tilespmem:s25], [sflag:$0x2], $0x80, s6, s21, $0xb8;
	[tilespmem:$0x1E000] =	vst v63  }
0x163: {  	_ =	swait.ge [sflag:s26], $0x4000  }
0x164: {  	[sflag:s26] =	ssyncset.done $0x0  }
0x165: {  	[sflag:s26] =	ssyncadd.s32 $0xFFFFC000  }
0x166: {  	_ =	swait.ge [sflag:s14], $0x800  }
.Ltmp3:
0x167: {  	[sflag:s14] =	ssyncset.done $0x0;
	(pc) =	sbr.rel .LBB2_2-.Ltmp3, $4  }
0x168: {  	[sflag:s14] =	ssyncadd.s32 $0xFFFFF800  }
0x169: {  	_ =	swait.ge [sflag:s14], $0x800  }
0x16a: {  	[sflag:s14] =	ssyncset.done $0x0  }
0x16b: {  	s9 =	sadd.s32 $0x200, s9;
	s8 =	sadd.s32 $0x1000, s8;
	[sflag:s14] =	ssyncadd.s32 $0xFFFFF800  }
.LBB2_5:
0x16c: {  	_ =	sfence.sel $0x180000  }
0x16d: {  	[bflag:$0x0] =	sbarrier.arrive $0xFFFF  }
0x16e: {  	_ =	strace $0x9000004D  }
0x16f: {  	s0 =	stileid.u32;
	[bflag:$0x2] =	sbarrier.arrive $0xFFFF  }
0x170: {  	p0 =	sne.s32 s0, $0x0;
	s0 =	rddreg [dreg:$0x2]  }
0x171: {  	s0 =	sadd.s32 @!p0 $0x100000, s0  }
0x172: {  	[sflag:s0] =	ssyncadd.tile.s32 @!p0 $0x1;
	_ =	shalt  }
.Lfunc_end2:
_tile_overlayer_lowered:
.L_overlay_start_2:
0x173: {  	(tag) =	ssettag $0x2  }
0x174: {  	s0 =	rddreg [dreg:$0x0];
	s2 =	stileid.u32  }
0x175: {  	s1 =	rddreg [dreg:$0x1];
	p0 =	sne.s32 s2, $0x0  }
0x176: {  	s3 =	rddreg [dreg:$0x2];
	[bflag:$0x3] =	sbarrier.arrive $0xFFFF;
	s2 =	simm.s32 @!p0 $0x1C04  }
0x177: {  	[timem:s3], [sflag:s2] =	dma.local @!p0 [hbm:s0], s1  }
0x178: {  	s0 =	simm.s32 @!p0 $0x4  }
0x179: {  	_ =	swait.ge @!p0 [sflag:s0], s1  }
0x17a: {  	s1 =	ssub.s32 @!p0 $0x0, s1;
	[sflag:s0] =	ssyncset.done @!p0 $0x0  }
0x17b: {  	[sflag:s0] =	ssyncadd.s32 @!p0 s1  }
0x17c: {  	[bflag:$0x3] =	sbarrier.arrive $0xFFFF  }
0x17d: {  	_ =	shalt  }

// kernel: kernel.18.cloned.1.call-start
scs
__scs_entry_jumppad:
0x0: {  	(pc) =	sbr.rel $0x88, $3  }
0x1: {  	(tag) =	ssettag $0x0;
	lr =	simm.s32 $0x1  }
0x2: {  	[smem:$0x3F9A] =	sst lr;
	_ =	strace $0xD0000000  }
0x3: {  	_ = 	snop  }
0x4: {  	_ = 	snop  }
0x5: {  	_ = 	snop  }
0x6: {  	_ = 	snop  }
0x7: {  	_ = 	snop  }
__scs_overlays_trampoline_lowered:
0x8: {  	[smem:$0x3FA9] =	sst s0  }
0x9: {  	[smem:$0x3FAA] =	sst s1  }
0xa: {  	[smem:$0x3FAB] =	sst s2  }
0xb: {  	[smem:$0x3FAC] =	sst s3  }
0xc: {  	[smem:$0x3FAD] =	sst s4  }
0xd: {  	[smem:$0x3FAE] =	sst s5  }
0xe: {  	[smem:$0x3FAF] =	sst s6  }
0xf: {  	[smem:$0x3FB0] =	sst s7  }
0x10: {  	[smem:$0x3FB1] =	sst s8  }
0x11: {  	[smem:$0x3FB2] =	sst s9;
	s0 =	simm.s32 @!p0 $0x0  }
0x12: {  	s1 =	sld [smem:$0x3F98];
	s0 =	simm.s32 @p0 $0x1  }
0x13: {  	[smem:$0x3FB3] =	sst s0;
	s0 =	simm.s32 @!p1 $0x0  }
0x14: {  	s2 =	sld [smem:$0x3F97];
	s0 =	simm.s32 @p1 $0x1  }
0x15: {  	[smem:$0x3FB4] =	sst s0;
	s0 =	simm.s32 @!p2 $0x0  }
0x16: {  	s3 =	sld [smem:$0x3FDB];
	s0 =	simm.s32 @p2 $0x1  }
0x17: {  	s4 =	simm.s32 $0x1BF5;
	[smem:$0x3FB6] =	sst s0  }
0x18: {  	s0 =	sld [smem:$0x3F99];
	_ =	swait.ge [sflag:s4], $0x0  }
0x19: {  	s7 =	sld [smem:$0x3F9A]  }
0x1a: {  	s8 =	sadd.s32 $0xFFFFE003, lr  }
0x1b: {  	s9 =	sadd.s32 $0xFFFFFEF7, lr;
	s5 =	simm.s32 $0xFFFFFFFF;
	p2 =	slt.u32 s8, $0xFFFFF086  }
0x1c: {  	p1 =	slt.u32 s9, $0xF7A;
	s5 =	simm.s32 @!p2 $0x0  }
0x1d: {  	s5 =	simm.s32 @p1 $0x1;
	p0 =	seq.s32 s7, s2  }
0x1e: {  	s7 =	smul.u32 @!p0 $0xF7A, s2;
	p2 =	seq.s32 @!p0 s5, $0x0  }
0x1f: {  	s9 =	smul.u32 $0xF7A, s1;
	s8 =	simm.s32 @!p0 $0x1BF5;
	p2 =	por !p2, p0  }
0x20: {  	[sflag:s8] =	ssyncset.s32 @!p0 $0xFFFFF086;
	s6 =	sadd.s32 @!p0 s3, s7;
	s7 =	simm.s32 @!p0 $0x108  }
0x21: {  	s3 =	sadd.s32 s3, s9;
	s6 =	sadd.s32 @!p0 $0x88, s6;
	s7 =	simm.s32 @p2 $0x1082  }
0x22: {  	[simem:s7], [sflag:s8] =	dma.local @!p0 [hbm:s6], $0xF7A  }
0x23: {  	s9 =	sor.u32 $0xD0000000, s2;
	s6 =	simm.s32 $0x108;
	_ =	swait.ge @!p0 [sflag:s8], $0x0  }
0x24: {  	s3 =	sadd.s32 $0x88, s3;
	s6 =	simm.s32 @!p1 $0x1082;
	[sflag:s4] =	ssyncset.s32 $0xFFFFF086  }
0x25: {  	[simem:s6], [sflag:s4] =	dma.local [hbm:s3], $0xF7A  }
0x26: {  	[smem:$0x3F9A] =	sst s1;
	(tag) =	ssettag s2;
	_ =	strace s9  }
0x27: {  	s1 =	sld [smem:$0x3FAA]  }
0x28: {  	s2 =	sld [smem:$0x3FAB]  }
0x29: {  	s4 =	sld [smem:$0x3FAD]  }
0x2a: {  	p0 =	seq.s32 s5, $0x0;
	s5 =	sld [smem:$0x3FAE]  }
0x2b: {  	s6 =	sld [smem:$0x3FAF]  }
0x2c: {  	s7 =	sld [smem:$0x3FB0]  }
0x2d: {  	s3 =	simm.s32 $0x108;
	s8 =	sld [smem:$0x3FB1]  }
0x2e: {  	s3 =	simm.s32 @!p0 $0x1082;
	s9 =	sld [smem:$0x3FB2]  }
0x2f: {  	lr =	sadd.s32 s0, s3;
	s0 =	sld [smem:$0x3FA9]  }
0x30: {  	s3 =	sld [smem:$0x3FAC]  }
0x31: {  	[smem:$0x3FB5] =	sst s10  }
0x32: {  	s10 =	sld [smem:$0x3FB3];
	_ =	sdelay $0x3  }
0x33: {  	p0 =	seq.s32 s10, $0x1;
	s10 =	sld [smem:$0x3FB5];
	_ =	sdelay $0x3  }
0x34: {  	[smem:$0x3FB5] =	sst s10  }
0x35: {  	s10 =	sld [smem:$0x3FB4];
	_ =	sdelay $0x3  }
0x36: {  	p1 =	seq.s32 s10, $0x1;
	s10 =	sld [smem:$0x3FB5];
	_ =	sdelay $0x3  }
0x37: {  	[smem:$0x3FB5] =	sst s10  }
0x38: {  	s10 =	sld [smem:$0x3FB6]  }
0x39: {  	_ = 	snop;
	(pc) =	sbr.ind lr, $3  }
0x3a: {  	_ = 	snop  }
0x3b: {  	_ = 	snop  }
0x3c: {  	p2 =	seq.s32 s10, $0x1;
	s10 =	sld [smem:$0x3FB5]  }
0x3d: {  	_ =	shalt  }
0x3e: {  	_ =	shalt  }
0x3f: {  	_ =	shalt  }
0x40: {  	_ =	shalt  }
0x41: {  	_ =	shalt  }
0x42: {  	_ =	shalt  }
0x43: {  	_ =	shalt  }
0x44: {  	_ =	shalt  }
0x45: {  	_ =	shalt  }
0x46: {  	_ =	shalt  }
0x47: {  	_ =	shalt  }
0x48: {  	_ =	shalt  }
0x49: {  	_ =	shalt  }
0x4a: {  	_ =	shalt  }
0x4b: {  	_ =	shalt  }
0x4c: {  	_ =	shalt  }
0x4d: {  	_ =	shalt  }
0x4e: {  	_ =	shalt  }
0x4f: {  	_ =	shalt  }
0x50: {  	_ =	shalt  }
0x51: {  	_ =	shalt  }
0x52: {  	_ =	shalt  }
0x53: {  	_ =	shalt  }
0x54: {  	_ =	shalt  }
0x55: {  	_ =	shalt  }
0x56: {  	_ =	shalt  }
0x57: {  	_ =	shalt  }
0x58: {  	_ =	shalt  }
0x59: {  	_ =	shalt  }
0x5a: {  	_ =	shalt  }
0x5b: {  	_ =	shalt  }
0x5c: {  	_ =	shalt  }
0x5d: {  	_ =	shalt  }
0x5e: {  	_ =	shalt  }
0x5f: {  	_ =	shalt  }
0x60: {  	_ =	shalt  }
0x61: {  	_ =	shalt  }
0x62: {  	_ =	shalt  }
0x63: {  	_ =	shalt  }
0x64: {  	_ =	shalt  }
0x65: {  	_ =	shalt  }
0x66: {  	_ =	shalt  }
0x67: {  	_ =	shalt  }
0x68: {  	_ =	shalt  }
0x69: {  	_ =	shalt  }
0x6a: {  	_ =	shalt  }
0x6b: {  	_ =	shalt  }
0x6c: {  	_ =	shalt  }
0x6d: {  	_ =	shalt  }
0x6e: {  	_ =	shalt  }
0x6f: {  	_ =	shalt  }
0x70: {  	_ =	shalt  }
0x71: {  	_ =	shalt  }
0x72: {  	_ =	shalt  }
0x73: {  	_ =	shalt  }
0x74: {  	_ =	shalt  }
0x75: {  	_ =	shalt  }
0x76: {  	_ =	shalt  }
0x77: {  	_ =	shalt  }
0x78: {  	_ =	shalt  }
0x79: {  	_ =	shalt  }
0x7a: {  	_ =	shalt  }
0x7b: {  	_ =	shalt  }
0x7c: {  	_ =	shalt  }
0x7d: {  	_ =	shalt  }
0x7e: {  	_ =	shalt  }
0x7f: {  	_ =	shalt  }
0x80: {  	_ =	shalt  }
0x81: {  	_ =	shalt  }
0x82: {  	_ =	shalt  }
0x83: {  	_ =	shalt  }
0x84: {  	_ =	shalt  }
0x85: {  	_ =	shalt  }
0x86: {  	_ =	shalt  }
0x87: {  	_ =	shalt  }
.Lfunc_end0:
.L_simem_size_0:
called_computation.3_lowered:
.L_overlay_start_0:
0x88: {  	s2 =	sld [smem:$0x3FD9]  }
0x89: {  	s3 =	sld [smem:$0x3FFE];
	_ =	sdelay $0x1  }
0x8a: {  	s1 =	srdreg.scid  }
0x8b: {  	s0 =	sand.u32 $0x1, s1  }
0x8c: {  	s16 =	sshll.u32 s0, $0xA;
	s2 =	sadd.s32 s3, s2  }
0x8d: {  	s2 =	sadd.s32 s2, s16  }
0x8e: {  	[smem:$0x3FC1] =	sst s2  }
0x8f: {  	_ = 	snop  }
0x90: {  	(tm) =	ssettm $0x1  }
0x91: {  	s17 =	sld [smem:$0x3FFB];
	_ =	sdelay $0x3  }
0x92: {  	_ =	strace s17  }
0x93: {  	s2 =	sld [smem:$0x3FFC];
	_ =	sdelay $0x3  }
0x94: {  	_ =	strace s2  }
0x95: {  	s2 =	sld [smem:$0x3FFD];
	_ =	sdelay $0x3  }
0x96: {  	_ =	strace s2  }
0x97: {  	_ =	strace $0x8FFFFFFF  }
0x98: {  	s18 =	sld [smem:$0x3FDB];
	_ =	sdelay $0x1  }
0x99: {  	s19 =	simm.s32 $_scs_section_size  }
0x9a: {  	s4 =	simm.s32 $_size__tile_overlayer_lowered;
	s5 =	simm.s32 $_tile_overlayer_lowered  }
0x9b: {  	s22 =	simm.s32 $0x1BFF;
	s21 =	sshll.u32 s5, $0x1;
	s2 =	sadd.s32 s19, s18  }
0x9c: {  	s6 =	simm.s32 $0x0;
	s20 =	sshll.u32 s4, $0x1;
	s4 =	sadd.s32 s21, s2  }
0x9d: {  	[timem:s6], [sflag:s22] =	dma.local [hbm:s4], s20  }
0x9e: {  	_ =	swait.ge [sflag:s22], s20  }
0x9f: {  	s3 =	ssub.s32 $0x0, s20;
	[sflag:s22] =	ssyncset.done $0x0  }
0xa0: {  	[sflag:s22] =	ssyncadd.s32 s3;
	_ =	sdelay $0x1  }
0xa1: {  	s23 =	simm.s32 $0x1B8B  }
0xa2: {  	_ =	swait.ge [sflag:s23], $0x1  }
0xa3: {  	[sflag:s23] =	ssyncset.done $0x0  }
0xa4: {  	s25 =	simm.s32 $0x1B8E;
	s24 =	sld [smem:$0x3FFE];
	[sflag:s23] =	ssyncadd.s32 $0xFFFFFFFF  }
0xa5: {  	s26 =	simm.s32 $execute0_lowered;
	[smem:$0x3FD2] =	sst s25  }
0xa6: {  	s4 =	sshll.u32 s26, $0x1;
	_ =	strace $0x8000004F;
	[dreg:$0x1] =	wrdreg $0xFFFFFFFF  }
0xa7: {  	s28 =	simm.s32 $_size_execute0_lowered;
	s2 =	sadd.s32 s2, s4;
	[dreg:$0x0] =	wrdreg $0x0  }
0xa8: {  	s4 =	sshll.u32 s28, $0x1;
	[dreg:$0x2] =	wrdreg s2  }
0xa9: {  	[dreg:$0x3] =	wrdreg s4  }
0xaa: {  	[dreg:$0x4] =	wrdreg $0xC0  }
0xab: {  	_ =	task [dreg:s6], $0x5FFFF  }
0xac: {  	[dreg:$0x1] =	wrdreg $0xFFFFFFFF  }
0xad: {  	[dreg:$0x0] =	wrdreg $0x60  }
0xae: {  	[dreg:$0x2] =	wrdreg s24  }
0xaf: {  	[dreg:$0x3] =	wrdreg $0x0  }
0xb0: {  	[dreg:$0x4] =	wrdreg $0x9  }
0xb1: {  	_ =	task.clear_ibuf [dreg:s6], $0x5FFFF;
	_ =	strace $0x9000004F  }
0xb2: {  	s29 =	simm.s32 $0x9;
	_ =	strace $0x80000051  }
0xb3: {  	_ =	swait.ge [sflag:s29], $0x1  }
0xb4: {  	[sflag:s29] =	ssyncadd.s32 $0xFFFFFFFF  }
0xb5: {  	_ =	strace $0x90000051  }
0xb6: {  	_ =	sfence  }
0xb7: {  	s30 =	sld [smem:$0x0];
	_ =	sdelay $0x2  }
0xb8: {  	s31 =	sshll.u32 s1, $0xD;
	s1 =	sshrl.u32 s1, $0x2  }
0xb9: {  	s3 =	sand.u32 $0x4000, s31;
	s1 =	sadd.s32 s1, s30  }
0xba: {  	s0 =	sor.u32 s3, s0;
	s1 =	sshll.u32 s1, $0x11  }
0xbb: {  	s0 =	sor.u32 s1, s0  }
0xbc: {  	s0 =	sadd.s32 $0x8F2B, s0  }
0xbd: {  	[sflag:s0] =	ssyncadd.remote.s32 $0x1  }
0xbe: {  	_ =	sfence.sel $0xFFFF  }
0xbf: {  	[dreg:$0x0] =	wrdreg $0xFFFFFFFF;
	(pc) =	sbr.abs _section_cstart, $3  }
0xc0: {  	[dreg:$0x1] =	wrdreg $0xFFFFFFFF  }
0xc1: {  	_ =	task.clear_ibuf [dreg:s6], $0x2FFFF;
	_ =	strace $0x9FFFFFFF  }
0xc2: {  	(tm) =	ssettm $0x7FFFFFFF  }
0xc3: {  	_ =	shalt  }
tec
execute0_lowered:
.L_overlay_start_1:
0x0: {  	(tag) =	ssettag $0x1  }
0x1: {  	s0 =	rddreg [dreg:$0x0]  }
0x2: {  	s2 =	rddreg [dreg:$0x1];
	s3 =	simm.s32 $0x0  }
0x3: {  	s1 =	srdreg.scid;
	s12 =	stileid.u32;
	s14 =	simm.s32 $0x3  }
0x4: {  	s15 =	simm.s32 $0x15C80;
	s16 =	simm.s32 $0x15580;
	s28 =	simm.s32 $0x15600  }
0x5: {  	s29 =	simm.s32 $0x15D80;
	s30 =	simm.s32 $0x15680;
	s17 =	simm.s32 $0x15E00  }
0x6: {  	s31 =	simm.s32 $0x15700;
	[smem:$0x7FF] =	sst s3;
	s6 =	smul.u32 $0x2800, s12  }
0x7: {  	s1 =	sand.u32 $0x1, s1;
	s4 =	sadd.s32 $0x3E200, s0;
	s10 =	smul.u32 $0x50000, s12  }
0x8: {  	s5 =	sadd.s32 $0x8E200, s0;
	s8 =	sadd.s32 $0x31200, s0;
	s22 =	smul.u32 $0x5000, s12  }
0x9: {  	s9 =	sadd.s32 $0x3BA00, s0;
	s11 =	sshll.u32 s12, $0x6;
	s24 =	smul.u32 $0xA00, s12  }
0xa: {  	_ =	strace $0x80000050;
	s7 =	smul.u32 $0x28000, s1;
	[dreg:$0x3] =	wrdreg s9  }
0xb: {  	s18 =	sshll.u32 s1, $0x4;
	s19 =	ssub.s32 $0x2, s1;
	s1 =	smul.u32 $0x50000, s1  }
0xc: {  	s13 =	sor.u32 $0x1C04, s11;
	s11 =	simm.s32 $0x0;
	s20 =	sshrl.u32 s19, $0x1  }
0xd: {  	s21 =	sshrl.u32 s10, $0x2;
	s23 =	sshrl.u32 s22, $0x3;
	s10 =	simm.s32 $0x4  }
0xe: {  	s6 =	sadd.s32 s6, s7;
	s7 =	sor.u32 s12, s18;
	s9 =	sadd.s32 s21, s2  }
0xf: {  	s1 =	sadd.s32 s22, s1;
	s12 =	sadd.s32 s24, s8;
	s21 =	simm.s32 $0x80  }
0x10: {  	s22 =	simm.s32 $0x16000;
	s24 =	simm.s32 $0x15D00;
	s18 =	simm.s32 $0x15E80  }
0x11: {  	s0 =	sadd.s32 s6, s0;
	s7 =	smul.u32 $0x5000, s7;
	s6 =	ssub.s32 s19, s20  }
0x12: {  	s25 =	sor.u32 $0x800, s1;
	s26 =	sadd.s32 $0x1000, s1;
	s9 =	sshrl.u32 s9, $0x3  }
0x13: {  	s19 =	simm.s32 $0x15000;
	s20 =	simm.s32 $0x15800;
	[dreg:$0x9] =	wrdreg s26  }
0x14: {  	s1 =	simm.s32 $0x15F00;
	s0 =	sadd.s32 $0xA2200, s0;
	[dreg:$0xa] =	wrdreg s9  }
0x15: {  	s6 =	smax.u32 s6, $0x1;
	s26 =	simm.s32 $0x2;
	[dreg:$0x7] =	wrdreg s0  }
.Ltmp0:
0x16: {  	s7 =	sshrl.u32 s7, $0x3;
	[dreg:$0x8] =	wrdreg s6;
	(pc) =	sbr.rel .LBB2_1-.Ltmp0, $4  }
0x17: {  	s0 =	sshrl.u32 s25, $0x3;
	s25 =	simm.s32 $0x1A000;
	s7 =	sadd.s32 s5, s7  }
0x18: {  	s6 =	simm.s32 $0x15F80;
	[dreg:$0x5] =	wrdreg s7;
	s7 =	sadd.s32 s8, s23  }
0x19: {  	s8 =	smov.u32 s13;
	s13 =	sadd.s32 s0, s5;
	[dreg:$0x6] =	wrdreg s7  }
0x1a: {  	s23 =	simm.s32 $0x1;
	s0 =	simm.s32 $0x15780;
	[dreg:$0x4] =	wrdreg s8  }
.LBB2_4:
0x1b: {  	[bflag:$0x0] =	sbarrier.arrive $0xFFFF  }
0x1c: {  	s8 =	rddreg [dreg:$0x4]  }
0x1d: {  	s7 =	rddreg [dreg:$0x7]  }
0x1e: {  	s10 =	simm.s32 $0x4;
	s9 =	rddreg [dreg:$0xa]  }
0x1f: {  	[hbm:s7], [sflag:s8] =	dma.local [spmem:s9], $0x2800  }
0x20: {  	_ =	swait.ge [sflag:s10], $0x2800  }
0x21: {  	s11 =	rddreg [dreg:$0xb]  }
0x22: {  	s7 =	rddreg [dreg:$0x8];
	s11 =	sadd.s32 $0x1, s11  }
0x23: {  	p0 =	sne.s32 s11, s7  }
.Ltmp1:
0x24: {  	_ = 	snop;
	(pc) =	sbr.rel @!p0 .LBB2_5-.Ltmp1, $3  }
0x25: {  	_ =	sdelay $0x1  }
0x26: {  	[sflag:s10] =	ssyncset.done $0x0  }
0x27: {  	[sflag:s10] =	ssyncadd.s32 $0xFFFFD800  }
.LBB2_1:
0x28: {  	[dreg:$0xb] =	wrdreg s11  }
0x29: {  	s7 =	rddreg [dreg:$0x3]  }
0x2a: {  	[spmem:s9], [sflag:s8] =	dma.local [hbm:s7], $0x2800  }
0x2b: {  	_ =	swait.ge [sflag:s10], $0x2800  }
0x2c: {  	[sflag:s10] =	ssyncset.done $0x0  }
0x2d: {  	s11 =	simm.s32 $0x14000;
	s9 =	rddreg [dreg:$0x5];
	[sflag:s10] =	ssyncadd.s32 $0xFFFFD800  }
0x2e: {  	[tilespmem:s11], [sflag:$0x4] =	stream.linear.gather [hbm4b:s9+s3], $0x800, $0x38;
	[tilespmem:$0x1E000] =	vst v63  }
0x2f: {  	_ =	swait.ge [sflag:s10], $0x800  }
0x30: {  	[sflag:s10] =	ssyncset.done $0x0  }
0x31: {  	s11 =	simm.s32 $0x14800;
	s9 =	rddreg [dreg:$0x6];
	[sflag:s10] =	ssyncadd.s32 $0xFFFFF800  }
0x32: {  	[tilespmem:s11], [sflag:$0x4] =	stream.linear.gather [hbm4b:s9+s3], $0x800, $0x38;
	[tilespmem:$0x1E000] =	vst v63  }
0x33: {  	_ =	swait.ge [sflag:s10], $0x800  }
0x34: {  	[sflag:s10] =	ssyncset.done $0x0  }
0x35: {  	[sflag:s10] =	ssyncadd.s32 $0xFFFFF800  }
0x36: {  	[bflag:$0x0] =	sbarrier.arrive $0xFFFF  }
0x37: {  	s9 =	simm.s32 $0x0;
	s8 =	rddreg [dreg:$0x9]  }
.LBB2_2:
0x38: {  	s10 =	sadd.s32 s9, s13;
	s7 =	sadd.s32 s9, s12  }
0x39: {  	[tilespmem:s19], [sflag:$0x3] =	stream.linear.gather [hbm4b:s10+s3], $0x800, $0x38;
	[tilespmem:$0x1E000] =	vst v63  }
0x3a: {  	s10 =	sadd.s32 $0x100, s7  }
0x3b: {  	[tilespmem:s20], [sflag:$0x3] =	stream.linear.gather [hbm4b:s10+s3], $0x800, $0x38;
	[tilespmem:$0x1E000] =	vst v63  }
0x3c: {  	s7 =	simm.s32 $0x14000  }
0x3d: {  	[tilespmem:s22], [sflag:$0x1] =	stream.indirect.gather [hbm4b:s4+s21], $0x80, s7, s21, $0xb8;
	[tilespmem:$0x1E000] =	vst v63  }
0x3e: {  	_ =	swait.ge [sflag:s23], $0x4000  }
0x3f: {  	[sflag:s23] =	ssyncset.done $0x0  }
0x40: {  	s11 =	simm.s32 $0x14080;
	[sflag:s23] =	ssyncadd.s32 $0xFFFFC000  }
0x41: {  	[tilespmem:s25], [sflag:$0x1] =	stream.indirect.gather [hbm4b:s4+s21], $0x80, s11, s21, $0xb8;
	[tilespmem:$0x1E000] =	vst v63  }
0x42: {  	s10 =	simm.s32 $0x14800  }
0x43: {  	[spmem:s2] =	stream.indirect.scatter.add.f32 [tilespmem:s22], [sflag:$0x2], $0x80, s10, s21, $0xb8;
	[tilespmem:$0x1E000] =	vst v63  }
0x44: {  	_ =	swait.ge [sflag:s23], $0x4000  }
0x45: {  	[sflag:s23] =	ssyncset.done $0x0  }
0x46: {  	[sflag:s23] =	ssyncadd.s32 $0xFFFFC000  }
0x47: {  	_ =	swait.ge [sflag:s26], $0x4000  }
0x48: {  	[sflag:s26] =	ssyncset.done $0x0  }
0x49: {  	s11 =	simm.s32 $0x14100;
	[sflag:s26] =	ssyncadd.s32 $0xFFFFC000  }
0x4a: {  	[tilespmem:s22], [sflag:$0x1] =	stream.indirect.gather [hbm4b:s4+s21], $0x80, s11, s21, $0xb8;
	[tilespmem:$0x1E000] =	vst v63  }
0x4b: {  	s10 =	simm.s32 $0x14880  }
0x4c: {  	[spmem:s2] =	stream.indirect.scatter.add.f32 [tilespmem:s25], [sflag:$0x2], $0x80, s10, s21, $0xb8;
	[tilespmem:$0x1E000] =	vst v63  }
0x4d: {  	_ =	swait.ge [sflag:s23], $0x4000  }
0x4e: {  	[sflag:s23] =	ssyncset.done $0x0  }
0x4f: {  	[sflag:s23] =	ssyncadd.s32 $0xFFFFC000  }
0x50: {  	_ =	swait.ge [sflag:s26], $0x4000  }
0x51: {  	[sflag:s26] =	ssyncset.done $0x0  }
0x52: {  	s11 =	simm.s32 $0x14180;
	[sflag:s26] =	ssyncadd.s32 $0xFFFFC000  }
0x53: {  	[tilespmem:s25], [sflag:$0x1] =	stream.indirect.gather [hbm4b:s4+s21], $0x80, s11, s21, $0xb8;
	[tilespmem:$0x1E000] =	vst v63  }
0x54: {  	s10 =	simm.s32 $0x14900  }
0x55: {  	[spmem:s2] =	stream.indirect.scatter.add.f32 [tilespmem:s22], [sflag:$0x2], $0x80, s10, s21, $0xb8;
	[tilespmem:$0x1E000] =	vst v63  }
0x56: {  	_ =	swait.ge [sflag:s23], $0x4000  }
0x57: {  	[sflag:s23] =	ssyncset.done $0x0  }
0x58: {  	[sflag:s23] =	ssyncadd.s32 $0xFFFFC000  }
0x59: {  	_ =	swait.ge [sflag:s26], $0x4000  }
0x5a: {  	[sflag:s26] =	ssyncset.done $0x0  }
0x5b: {  	s11 =	simm.s32 $0x14200;
	[sflag:s26] =	ssyncadd.s32 $0xFFFFC000  }
0x5c: {  	[tilespmem:s22], [sflag:$0x1] =	stream.indirect.gather [hbm4b:s4+s21], $0x80, s11, s21, $0xb8;
	[tilespmem:$0x1E000] =	vst v63  }
0x5d: {  	s10 =	simm.s32 $0x14980  }
0x5e: {  	[spmem:s2] =	stream.indirect.scatter.add.f32 [tilespmem:s25], [sflag:$0x2], $0x80, s10, s21, $0xb8;
	[tilespmem:$0x1E000] =	vst v63  }
0x5f: {  	_ =	swait.ge [sflag:s23], $0x4000  }
0x60: {  	[sflag:s23] =	ssyncset.done $0x0  }
0x61: {  	[sflag:s23] =	ssyncadd.s32 $0xFFFFC000  }
0x62: {  	_ =	swait.ge [sflag:s26], $0x4000  }
0x63: {  	[sflag:s26] =	ssyncset.done $0x0  }
0x64: {  	s11 =	simm.s32 $0x14280;
	[sflag:s26] =	ssyncadd.s32 $0xFFFFC000  }
0x65: {  	[tilespmem:s25], [sflag:$0x1] =	stream.indirect.gather [hbm4b:s4+s21], $0x80, s11, s21, $0xb8;
	[tilespmem:$0x1E000] =	vst v63  }
0x66: {  	s10 =	simm.s32 $0x14A00  }
0x67: {  	[spmem:s2] =	stream.indirect.scatter.add.f32 [tilespmem:s22], [sflag:$0x2], $0x80, s10, s21, $0xb8;
	[tilespmem:$0x1E000] =	vst v63  }
0x68: {  	_ =	swait.ge [sflag:s23], $0x4000  }
0x69: {  	[sflag:s23] =	ssyncset.done $0x0  }
0x6a: {  	[sflag:s23] =	ssyncadd.s32 $0xFFFFC000  }
0x6b: {  	_ =	swait.ge [sflag:s26], $0x4000  }
0x6c: {  	[sflag:s26] =	ssyncset.done $0x0  }
0x6d: {  	s11 =	simm.s32 $0x14300;
	[sflag:s26] =	ssyncadd.s32 $0xFFFFC000  }
0x6e: {  	[tilespmem:s22], [sflag:$0x1] =	stream.indirect.gather [hbm4b:s4+s21], $0x80, s11, s21, $0xb8;
	[tilespmem:$0x1E000] =	vst v63  }
0x6f: {  	s10 =	simm.s32 $0x14A80  }
0x70: {  	[spmem:s2] =	stream.indirect.scatter.add.f32 [tilespmem:s25], [sflag:$0x2], $0x80, s10, s21, $0xb8;
	[tilespmem:$0x1E000] =	vst v63  }
0x71: {  	_ =	swait.ge [sflag:s23], $0x4000  }
0x72: {  	[sflag:s23] =	ssyncset.done $0x0  }
0x73: {  	[sflag:s23] =	ssyncadd.s32 $0xFFFFC000  }
0x74: {  	_ =	swait.ge [sflag:s26], $0x4000  }
0x75: {  	[sflag:s26] =	ssyncset.done $0x0  }
0x76: {  	s11 =	simm.s32 $0x14380;
	[sflag:s26] =	ssyncadd.s32 $0xFFFFC000  }
0x77: {  	[tilespmem:s25], [sflag:$0x1] =	stream.indirect.gather [hbm4b:s4+s21], $0x80, s11, s21, $0xb8;
	[tilespmem:$0x1E000] =	vst v63  }
0x78: {  	s10 =	simm.s32 $0x14B00  }
0x79: {  	[spmem:s2] =	stream.indirect.scatter.add.f32 [tilespmem:s22], [sflag:$0x2], $0x80, s10, s21, $0xb8;
	[tilespmem:$0x1E000] =	vst v63  }
0x7a: {  	_ =	swait.ge [sflag:s23], $0x4000  }
0x7b: {  	[sflag:s23] =	ssyncset.done $0x0  }
0x7c: {  	[sflag:s23] =	ssyncadd.s32 $0xFFFFC000  }
0x7d: {  	_ =	swait.ge [sflag:s26], $0x4000  }
0x7e: {  	[sflag:s26] =	ssyncset.done $0x0  }
0x7f: {  	s11 =	simm.s32 $0x14400;
	[sflag:s26] =	ssyncadd.s32 $0xFFFFC000  }
0x80: {  	[tilespmem:s22], [sflag:$0x1] =	stream.indirect.gather [hbm4b:s4+s21], $0x80, s11, s21, $0xb8;
	[tilespmem:$0x1E000] =	vst v63  }
0x81: {  	s10 =	simm.s32 $0x14B80  }
0x82: {  	[spmem:s2] =	stream.indirect.scatter.add.f32 [tilespmem:s25], [sflag:$0x2], $0x80, s10, s21, $0xb8;
	[tilespmem:$0x1E000] =	vst v63  }
0x83: {  	_ =	swait.ge [sflag:s23], $0x4000  }
0x84: {  	[sflag:s23] =	ssyncset.done $0x0  }
0x85: {  	[sflag:s23] =	ssyncadd.s32 $0xFFFFC000  }
0x86: {  	_ =	swait.ge [sflag:s26], $0x4000  }
0x87: {  	[sflag:s26] =	ssyncset.done $0x0  }
0x88: {  	s11 =	simm.s32 $0x14480;
	[sflag:s26] =	ssyncadd.s32 $0xFFFFC000  }
0x89: {  	[tilespmem:s25], [sflag:$0x1] =	stream.indirect.gather [hbm4b:s4+s21], $0x80, s11, s21, $0xb8;
	[tilespmem:$0x1E000] =	vst v63  }
0x8a: {  	s10 =	simm.s32 $0x14C00  }
0x8b: {  	[spmem:s2] =	stream.indirect.scatter.add.f32 [tilespmem:s22], [sflag:$0x2], $0x80, s10, s21, $0xb8;
	[tilespmem:$0x1E000] =	vst v63  }
0x8c: {  	_ =	swait.ge [sflag:s23], $0x4000  }
0x8d: {  	[sflag:s23] =	ssyncset.done $0x0  }
0x8e: {  	[sflag:s23] =	ssyncadd.s32 $0xFFFFC000  }
0x8f: {  	_ =	swait.ge [sflag:s26], $0x4000  }
0x90: {  	[sflag:s26] =	ssyncset.done $0x0  }
0x91: {  	s11 =	simm.s32 $0x14500;
	[sflag:s26] =	ssyncadd.s32 $0xFFFFC000  }
0x92: {  	[tilespmem:s22], [sflag:$0x1] =	stream.indirect.gather [hbm4b:s4+s21], $0x80, s11, s21, $0xb8;
	[tilespmem:$0x1E000] =	vst v63  }
0x93: {  	s10 =	simm.s32 $0x14C80  }
0x94: {  	[spmem:s2] =	stream.indirect.scatter.add.f32 [tilespmem:s25], [sflag:$0x2], $0x80, s10, s21, $0xb8;
	[tilespmem:$0x1E000] =	vst v63  }
0x95: {  	_ =	swait.ge [sflag:s23], $0x4000  }
0x96: {  	[sflag:s23] =	ssyncset.done $0x0  }
0x97: {  	[sflag:s23] =	ssyncadd.s32 $0xFFFFC000  }
0x98: {  	_ =	swait.ge [sflag:s26], $0x4000  }
0x99: {  	[sflag:s26] =	ssyncset.done $0x0  }
0x9a: {  	s11 =	simm.s32 $0x14580;
	[sflag:s26] =	ssyncadd.s32 $0xFFFFC000  }
0x9b: {  	[tilespmem:s25], [sflag:$0x1] =	stream.indirect.gather [hbm4b:s4+s21], $0x80, s11, s21, $0xb8;
	[tilespmem:$0x1E000] =	vst v63  }
0x9c: {  	s10 =	simm.s32 $0x14D00  }
0x9d: {  	[spmem:s2] =	stream.indirect.scatter.add.f32 [tilespmem:s22], [sflag:$0x2], $0x80, s10, s21, $0xb8;
	[tilespmem:$0x1E000] =	vst v63  }
0x9e: {  	_ =	swait.ge [sflag:s23], $0x4000  }
0x9f: {  	[sflag:s23] =	ssyncset.done $0x0  }
0xa0: {  	[sflag:s23] =	ssyncadd.s32 $0xFFFFC000  }
0xa1: {  	_ =	swait.ge [sflag:s26], $0x4000  }
0xa2: {  	[sflag:s26] =	ssyncset.done $0x0  }
0xa3: {  	s11 =	simm.s32 $0x14600;
	[sflag:s26] =	ssyncadd.s32 $0xFFFFC000  }
0xa4: {  	[tilespmem:s22], [sflag:$0x1] =	stream.indirect.gather [hbm4b:s4+s21], $0x80, s11, s21, $0xb8;
	[tilespmem:$0x1E000] =	vst v63  }
0xa5: {  	s10 =	simm.s32 $0x14D80  }
0xa6: {  	[spmem:s2] =	stream.indirect.scatter.add.f32 [tilespmem:s25], [sflag:$0x2], $0x80, s10, s21, $0xb8;
	[tilespmem:$0x1E000] =	vst v63  }
0xa7: {  	_ =	swait.ge [sflag:s23], $0x4000  }
0xa8: {  	[sflag:s23] =	ssyncset.done $0x0  }
0xa9: {  	[sflag:s23] =	ssyncadd.s32 $0xFFFFC000  }
0xaa: {  	_ =	swait.ge [sflag:s26], $0x4000  }
0xab: {  	[sflag:s26] =	ssyncset.done $0x0  }
0xac: {  	s11 =	simm.s32 $0x14680;
	[sflag:s26] =	ssyncadd.s32 $0xFFFFC000  }
0xad: {  	[tilespmem:s25], [sflag:$0x1] =	stream.indirect.gather [hbm4b:s4+s21], $0x80, s11, s21, $0xb8;
	[tilespmem:$0x1E000] =	vst v63  }
0xae: {  	s10 =	simm.s32 $0x14E00  }
0xaf: {  	[spmem:s2] =	stream.indirect.scatter.add.f32 [tilespmem:s22], [sflag:$0x2], $0x80, s10, s21, $0xb8;
	[tilespmem:$0x1E000] =	vst v63  }
0xb0: {  	_ =	swait.ge [sflag:s23], $0x4000  }
0xb1: {  	[sflag:s23] =	ssyncset.done $0x0  }
0xb2: {  	[sflag:s23] =	ssyncadd.s32 $0xFFFFC000  }
0xb3: {  	_ =	swait.ge [sflag:s26], $0x4000  }
0xb4: {  	[sflag:s26] =	ssyncset.done $0x0  }
0xb5: {  	s11 =	simm.s32 $0x14700;
	[sflag:s26] =	ssyncadd.s32 $0xFFFFC000  }
0xb6: {  	[tilespmem:s22], [sflag:$0x1] =	stream.indirect.gather [hbm4b:s4+s21], $0x80, s11, s21, $0xb8;
	[tilespmem:$0x1E000] =	vst v63  }
0xb7: {  	s10 =	simm.s32 $0x14E80  }
0xb8: {  	[spmem:s2] =	stream.indirect.scatter.add.f32 [tilespmem:s25], [sflag:$0x2], $0x80, s10, s21, $0xb8;
	[tilespmem:$0x1E000] =	vst v63  }
0xb9: {  	_ =	swait.ge [sflag:s23], $0x4000  }
0xba: {  	[sflag:s23] =	ssyncset.done $0x0  }
0xbb: {  	[sflag:s23] =	ssyncadd.s32 $0xFFFFC000  }
0xbc: {  	_ =	swait.ge [sflag:s26], $0x4000  }
0xbd: {  	[sflag:s26] =	ssyncset.done $0x0  }
0xbe: {  	s11 =	simm.s32 $0x14780;
	[sflag:s26] =	ssyncadd.s32 $0xFFFFC000  }
0xbf: {  	[tilespmem:s25], [sflag:$0x1] =	stream.indirect.gather [hbm4b:s4+s21], $0x80, s11, s21, $0xb8;
	[tilespmem:$0x1E000] =	vst v63  }
0xc0: {  	s10 =	simm.s32 $0x14F00  }
0xc1: {  	[spmem:s2] =	stream.indirect.scatter.add.f32 [tilespmem:s22], [sflag:$0x2], $0x80, s10, s21, $0xb8;
	[tilespmem:$0x1E000] =	vst v63  }
0xc2: {  	_ =	swait.ge [sflag:s23], $0x4000  }
0xc3: {  	[sflag:s23] =	ssyncset.done $0x0  }
0xc4: {  	[sflag:s23] =	ssyncadd.s32 $0xFFFFC000  }
0xc5: {  	_ =	swait.ge [sflag:s26], $0x4000  }
0xc6: {  	[sflag:s26] =	ssyncset.done $0x0  }
0xc7: {  	s11 =	simm.s32 $0x14F80;
	[sflag:s26] =	ssyncadd.s32 $0xFFFFC000  }
0xc8: {  	[spmem:s2] =	stream.indirect.scatter.add.f32 [tilespmem:s25], [sflag:$0x2], $0x80, s11, s21, $0xb8;
	[tilespmem:$0x1E000] =	vst v63  }
0xc9: {  	_ =	swait.ge [sflag:s26], $0x4000  }
0xca: {  	[sflag:s26] =	ssyncset.done $0x0  }
0xcb: {  	[sflag:s26] =	ssyncadd.s32 $0xFFFFC000  }
0xcc: {  	_ =	swait.ge [sflag:s14], $0x800  }
0xcd: {  	[sflag:s14] =	ssyncset.done $0x0  }
0xce: {  	[sflag:s14] =	ssyncadd.s32 $0xFFFFF800  }
0xcf: {  	p0 =	seq.s32 s9, $0x800;
	_ =	swait.ge [sflag:s14], $0x800  }
0xd0: {  	s7 =	simm.s32 @!p0 $0x14000;
	s10 =	sshrl.u32 @!p0 s8, $0x3;
	[sflag:s14] =	ssyncset.done $0x0  }
0xd1: {  	s10 =	sadd.s32 @!p0 s5, s10;
	s11 =	simm.s32 @!p0 $0x0;
	[sflag:s14] =	ssyncadd.s32 $0xFFFFF800  }
0xd2: {  	[tilespmem:s7], [sflag:$0x3] =	stream.linear.gather @!p0 [hbm4b:s10+s11], $0x800, $0x38;
	[tilespmem:$0x1E000] =	vst v63  }
0xd3: {  	s7 =	sadd.s32 @!p0 s9, s12  }
0xd4: {  	s10 =	simm.s32 @!p0 $0x14800;
	s7 =	sadd.s32 @!p0 $0x200, s7  }
0xd5: {  	[tilespmem:s10], [sflag:$0x3] =	stream.linear.gather @!p0 [hbm4b:s7+s11], $0x800, $0x38;
	[tilespmem:$0x1E000] =	vst v63  }
0xd6: {  	_ = 	snop  }
0xd7: {  	[tilespmem:s22], [sflag:$0x1] =	stream.indirect.gather [hbm4b:s4+s21], $0x80, s19, s21, $0xb8;
	[tilespmem:$0x1E000] =	vst v63  }
0xd8: {  	_ =	swait.ge [sflag:s23], $0x4000  }
0xd9: {  	[sflag:s23] =	ssyncset.done $0x0  }
0xda: {  	s10 =	simm.s32 $0x15080;
	[sflag:s23] =	ssyncadd.s32 $0xFFFFC000  }
0xdb: {  	[tilespmem:s25], [sflag:$0x1] =	stream.indirect.gather [hbm4b:s4+s21], $0x80, s10, s21, $0xb8;
	[tilespmem:$0x1E000] =	vst v63  }
0xdc: {  	_ = 	snop  }
0xdd: {  	[spmem:s2] =	stream.indirect.scatter.add.f32 [tilespmem:s22], [sflag:$0x2], $0x80, s20, s21, $0xb8;
	[tilespmem:$0x1E000] =	vst v63  }
0xde: {  	_ =	swait.ge [sflag:s23], $0x4000  }
0xdf: {  	[sflag:s23] =	ssyncset.done $0x0  }
0xe0: {  	[sflag:s23] =	ssyncadd.s32 $0xFFFFC000  }
0xe1: {  	_ =	swait.ge [sflag:s26], $0x4000  }
0xe2: {  	[sflag:s26] =	ssyncset.done $0x0  }
0xe3: {  	s11 =	simm.s32 $0x15100;
	[sflag:s26] =	ssyncadd.s32 $0xFFFFC000  }
0xe4: {  	[tilespmem:s22], [sflag:$0x1] =	stream.indirect.gather [hbm4b:s4+s21], $0x80, s11, s21, $0xb8;
	[tilespmem:$0x1E000] =	vst v63  }
0xe5: {  	s10 =	simm.s32 $0x15880  }
0xe6: {  	[spmem:s2] =	stream.indirect.scatter.add.f32 [tilespmem:s25], [sflag:$0x2], $0x80, s10, s21, $0xb8;
	[tilespmem:$0x1E000] =	vst v63  }
0xe7: {  	_ =	swait.ge [sflag:s23], $0x4000  }
0xe8: {  	[sflag:s23] =	ssyncset.done $0x0  }
0xe9: {  	[sflag:s23] =	ssyncadd.s32 $0xFFFFC000  }
0xea: {  	_ =	swait.ge [sflag:s26], $0x4000  }
0xeb: {  	[sflag:s26] =	ssyncset.done $0x0  }
0xec: {  	s11 =	simm.s32 $0x15180;
	[sflag:s26] =	ssyncadd.s32 $0xFFFFC000  }
0xed: {  	[tilespmem:s25], [sflag:$0x1] =	stream.indirect.gather [hbm4b:s4+s21], $0x80, s11, s21, $0xb8;
	[tilespmem:$0x1E000] =	vst v63  }
0xee: {  	s10 =	simm.s32 $0x15900  }
0xef: {  	[spmem:s2] =	stream.indirect.scatter.add.f32 [tilespmem:s22], [sflag:$0x2], $0x80, s10, s21, $0xb8;
	[tilespmem:$0x1E000] =	vst v63  }
0xf0: {  	_ =	swait.ge [sflag:s23], $0x4000  }
0xf1: {  	[sflag:s23] =	ssyncset.done $0x0  }
0xf2: {  	[sflag:s23] =	ssyncadd.s32 $0xFFFFC000  }
0xf3: {  	_ =	swait.ge [sflag:s26], $0x4000  }
0xf4: {  	[sflag:s26] =	ssyncset.done $0x0  }
0xf5: {  	s11 =	simm.s32 $0x15200;
	[sflag:s26] =	ssyncadd.s32 $0xFFFFC000  }
0xf6: {  	[tilespmem:s22], [sflag:$0x1] =	stream.indirect.gather [hbm4b:s4+s21], $0x80, s11, s21, $0xb8;
	[tilespmem:$0x1E000] =	vst v63  }
0xf7: {  	s10 =	simm.s32 $0x15980  }
0xf8: {  	[spmem:s2] =	stream.indirect.scatter.add.f32 [tilespmem:s25], [sflag:$0x2], $0x80, s10, s21, $0xb8;
	[tilespmem:$0x1E000] =	vst v63  }
0xf9: {  	_ =	swait.ge [sflag:s23], $0x4000  }
0xfa: {  	[sflag:s23] =	ssyncset.done $0x0  }
0xfb: {  	[sflag:s23] =	ssyncadd.s32 $0xFFFFC000  }
0xfc: {  	_ =	swait.ge [sflag:s26], $0x4000  }
0xfd: {  	[sflag:s26] =	ssyncset.done $0x0  }
0xfe: {  	s11 =	simm.s32 $0x15280;
	[sflag:s26] =	ssyncadd.s32 $0xFFFFC000  }
0xff: {  	[tilespmem:s25], [sflag:$0x1] =	stream.indirect.gather [hbm4b:s4+s21], $0x80, s11, s21, $0xb8;
	[tilespmem:$0x1E000] =	vst v63  }
0x100: {  	s10 =	simm.s32 $0x15A00  }
0x101: {  	[spmem:s2] =	stream.indirect.scatter.add.f32 [tilespmem:s22], [sflag:$0x2], $0x80, s10, s21, $0xb8;
	[tilespmem:$0x1E000] =	vst v63  }
0x102: {  	_ =	swait.ge [sflag:s23], $0x4000  }
0x103: {  	[sflag:s23] =	ssyncset.done $0x0  }
0x104: {  	[sflag:s23] =	ssyncadd.s32 $0xFFFFC000  }
0x105: {  	_ =	swait.ge [sflag:s26], $0x4000  }
0x106: {  	[sflag:s26] =	ssyncset.done $0x0  }
0x107: {  	s11 =	simm.s32 $0x15300;
	[sflag:s26] =	ssyncadd.s32 $0xFFFFC000  }
0x108: {  	[tilespmem:s22], [sflag:$0x1] =	stream.indirect.gather [hbm4b:s4+s21], $0x80, s11, s21, $0xb8;
	[tilespmem:$0x1E000] =	vst v63  }
0x109: {  	s10 =	simm.s32 $0x15A80  }
0x10a: {  	[spmem:s2] =	stream.indirect.scatter.add.f32 [tilespmem:s25], [sflag:$0x2], $0x80, s10, s21, $0xb8;
	[tilespmem:$0x1E000] =	vst v63  }
0x10b: {  	_ =	swait.ge [sflag:s23], $0x4000  }
0x10c: {  	[sflag:s23] =	ssyncset.done $0x0  }
0x10d: {  	[sflag:s23] =	ssyncadd.s32 $0xFFFFC000  }
0x10e: {  	_ =	swait.ge [sflag:s26], $0x4000  }
0x10f: {  	[sflag:s26] =	ssyncset.done $0x0  }
0x110: {  	s11 =	simm.s32 $0x15380;
	[sflag:s26] =	ssyncadd.s32 $0xFFFFC000  }
0x111: {  	[tilespmem:s25], [sflag:$0x1] =	stream.indirect.gather [hbm4b:s4+s21], $0x80, s11, s21, $0xb8;
	[tilespmem:$0x1E000] =	vst v63  }
0x112: {  	s10 =	simm.s32 $0x15B00  }
0x113: {  	[spmem:s2] =	stream.indirect.scatter.add.f32 [tilespmem:s22], [sflag:$0x2], $0x80, s10, s21, $0xb8;
	[tilespmem:$0x1E000] =	vst v63  }
0x114: {  	_ =	swait.ge [sflag:s23], $0x4000  }
0x115: {  	[sflag:s23] =	ssyncset.done $0x0  }
0x116: {  	[sflag:s23] =	ssyncadd.s32 $0xFFFFC000  }
0x117: {  	_ =	swait.ge [sflag:s26], $0x4000  }
0x118: {  	[sflag:s26] =	ssyncset.done $0x0  }
0x119: {  	s11 =	simm.s32 $0x15400;
	[sflag:s26] =	ssyncadd.s32 $0xFFFFC000  }
0x11a: {  	[tilespmem:s22], [sflag:$0x1] =	stream.indirect.gather [hbm4b:s4+s21], $0x80, s11, s21, $0xb8;
	[tilespmem:$0x1E000] =	vst v63  }
0x11b: {  	s10 =	simm.s32 $0x15B80  }
0x11c: {  	[spmem:s2] =	stream.indirect.scatter.add.f32 [tilespmem:s25], [sflag:$0x2], $0x80, s10, s21, $0xb8;
	[tilespmem:$0x1E000] =	vst v63  }
0x11d: {  	_ =	swait.ge [sflag:s23], $0x4000  }
0x11e: {  	[sflag:s23] =	ssyncset.done $0x0  }
0x11f: {  	[sflag:s23] =	ssyncadd.s32 $0xFFFFC000  }
0x120: {  	_ =	swait.ge [sflag:s26], $0x4000  }
0x121: {  	[sflag:s26] =	ssyncset.done $0x0  }
0x122: {  	s11 =	simm.s32 $0x15480;
	[sflag:s26] =	ssyncadd.s32 $0xFFFFC000  }
0x123: {  	[tilespmem:s25], [sflag:$0x1] =	stream.indirect.gather [hbm4b:s4+s21], $0x80, s11, s21, $0xb8;
	[tilespmem:$0x1E000] =	vst v63  }
0x124: {  	s10 =	simm.s32 $0x15C00  }
0x125: {  	[spmem:s2] =	stream.indirect.scatter.add.f32 [tilespmem:s22], [sflag:$0x2], $0x80, s10, s21, $0xb8;
	[tilespmem:$0x1E000] =	vst v63  }
0x126: {  	_ =	swait.ge [sflag:s23], $0x4000  }
0x127: {  	[sflag:s23] =	ssyncset.done $0x0  }
0x128: {  	[sflag:s23] =	ssyncadd.s32 $0xFFFFC000  }
0x129: {  	_ =	swait.ge [sflag:s26], $0x4000  }
0x12a: {  	[sflag:s26] =	ssyncset.done $0x0  }
0x12b: {  	s11 =	simm.s32 $0x15500;
	[sflag:s26] =	ssyncadd.s32 $0xFFFFC000  }
0x12c: {  	[tilespmem:s22], [sflag:$0x1] =	stream.indirect.gather [hbm4b:s4+s21], $0x80, s11, s21, $0xb8;
	[tilespmem:$0x1E000] =	vst v63  }
0x12d: {  	_ = 	snop  }
0x12e: {  	[spmem:s2] =	stream.indirect.scatter.add.f32 [tilespmem:s25], [sflag:$0x2], $0x80, s15, s21, $0xb8;
	[tilespmem:$0x1E000] =	vst v63  }
0x12f: {  	_ =	swait.ge [sflag:s23], $0x4000  }
0x130: {  	[sflag:s23] =	ssyncset.done $0x0  }
0x131: {  	[sflag:s23] =	ssyncadd.s32 $0xFFFFC000  }
0x132: {  	_ =	swait.ge [sflag:s26], $0x4000  }
0x133: {  	[sflag:s26] =	ssyncset.done $0x0  }
0x134: {  	[sflag:s26] =	ssyncadd.s32 $0xFFFFC000  }
0x135: {  	[tilespmem:s25], [sflag:$0x1] =	stream.indirect.gather [hbm4b:s4+s21], $0x80, s16, s21, $0xb8;
	[tilespmem:$0x1E000] =	vst v63  }
0x136: {  	_ = 	snop  }
0x137: {  	[spmem:s2] =	stream.indirect.scatter.add.f32 [tilespmem:s22], [sflag:$0x2], $0x80, s24, s21, $0xb8;
	[tilespmem:$0x1E000] =	vst v63  }
0x138: {  	_ =	swait.ge [sflag:s23], $0x4000  }
0x139: {  	[sflag:s23] =	ssyncset.done $0x0  }
0x13a: {  	[sflag:s23] =	ssyncadd.s32 $0xFFFFC000  }
0x13b: {  	_ =	swait.ge [sflag:s26], $0x4000  }
0x13c: {  	[sflag:s26] =	ssyncset.done $0x0  }
0x13d: {  	[sflag:s26] =	ssyncadd.s32 $0xFFFFC000  }
0x13e: {  	[tilespmem:s22], [sflag:$0x1] =	stream.indirect.gather [hbm4b:s4+s21], $0x80, s28, s21, $0xb8;
	[tilespmem:$0x1E000] =	vst v63  }
0x13f: {  	_ = 	snop  }
0x140: {  	[spmem:s2] =	stream.indirect.scatter.add.f32 [tilespmem:s25], [sflag:$0x2], $0x80, s29, s21, $0xb8;
	[tilespmem:$0x1E000] =	vst v63  }
0x141: {  	_ =	swait.ge [sflag:s23], $0x4000  }
0x142: {  	[sflag:s23] =	ssyncset.done $0x0  }
0x143: {  	[sflag:s23] =	ssyncadd.s32 $0xFFFFC000  }
0x144: {  	_ =	swait.ge [sflag:s26], $0x4000  }
0x145: {  	[sflag:s26] =	ssyncset.done $0x0  }
0x146: {  	[sflag:s26] =	ssyncadd.s32 $0xFFFFC000  }
0x147: {  	[tilespmem:s25], [sflag:$0x1] =	stream.indirect.gather [hbm4b:s4+s21], $0x80, s30, s21, $0xb8;
	[tilespmem:$0x1E000] =	vst v63  }
0x148: {  	_ = 	snop  }
0x149: {  	[spmem:s2] =	stream.indirect.scatter.add.f32 [tilespmem:s22], [sflag:$0x2], $0x80, s17, s21, $0xb8;
	[tilespmem:$0x1E000] =	vst v63  }
0x14a: {  	_ =	swait.ge [sflag:s23], $0x4000  }
0x14b: {  	[sflag:s23] =	ssyncset.done $0x0  }
0x14c: {  	[sflag:s23] =	ssyncadd.s32 $0xFFFFC000  }
0x14d: {  	_ =	swait.ge [sflag:s26], $0x4000  }
0x14e: {  	[sflag:s26] =	ssyncset.done $0x0  }
0x14f: {  	[sflag:s26] =	ssyncadd.s32 $0xFFFFC000  }
0x150: {  	[tilespmem:s22], [sflag:$0x1] =	stream.indirect.gather [hbm4b:s4+s21], $0x80, s31, s21, $0xb8;
	[tilespmem:$0x1E000] =	vst v63  }
0x151: {  	_ = 	snop  }
0x152: {  	[spmem:s2] =	stream.indirect.scatter.add.f32 [tilespmem:s25], [sflag:$0x2], $0x80, s18, s21, $0xb8;
	[tilespmem:$0x1E000] =	vst v63  }
0x153: {  	_ =	swait.ge [sflag:s23], $0x4000  }
0x154: {  	[sflag:s23] =	ssyncset.done $0x0  }
0x155: {  	[sflag:s23] =	ssyncadd.s32 $0xFFFFC000  }
0x156: {  	_ =	swait.ge [sflag:s26], $0x4000  }
0x157: {  	[sflag:s26] =	ssyncset.done $0x0  }
0x158: {  	[sflag:s26] =	ssyncadd.s32 $0xFFFFC000  }
0x159: {  	[tilespmem:s25], [sflag:$0x1] =	stream.indirect.gather [hbm4b:s4+s21], $0x80, s0, s21, $0xb8;
	[tilespmem:$0x1E000] =	vst v63  }
0x15a: {  	_ = 	snop  }
0x15b: {  	[spmem:s2] =	stream.indirect.scatter.add.f32 [tilespmem:s22], [sflag:$0x2], $0x80, s1, s21, $0xb8;
	[tilespmem:$0x1E000] =	vst v63  }
0x15c: {  	_ =	swait.ge [sflag:s23], $0x4000  }
0x15d: {  	[sflag:s23] =	ssyncset.done $0x0  }
0x15e: {  	[sflag:s23] =	ssyncadd.s32 $0xFFFFC000  }
0x15f: {  	_ =	swait.ge [sflag:s26], $0x4000  }
0x160: {  	[sflag:s26] =	ssyncset.done $0x0  }
.Ltmp2:
0x161: {  	[sflag:s26] =	ssyncadd.s32 $0xFFFFC000;
	(pc) =	sbr.rel @p0 .LBB2_4-.Ltmp2, $4  }
0x162: {  	[spmem:s2] =	stream.indirect.scatter.add.f32 [tilespmem:s25], [sflag:$0x2], $0x80, s6, s21, $0xb8;
	[tilespmem:$0x1E000] =	vst v63  }
0x163: {  	_ =	swait.ge [sflag:s26], $0x4000  }
0x164: {  	[sflag:s26] =	ssyncset.done $0x0  }
0x165: {  	[sflag:s26] =	ssyncadd.s32 $0xFFFFC000  }
0x166: {  	_ =	swait.ge [sflag:s14], $0x800  }
.Ltmp3:
0x167: {  	[sflag:s14] =	ssyncset.done $0x0;
	(pc) =	sbr.rel .LBB2_2-.Ltmp3, $4  }
0x168: {  	[sflag:s14] =	ssyncadd.s32 $0xFFFFF800  }
0x169: {  	_ =	swait.ge [sflag:s14], $0x800  }
0x16a: {  	[sflag:s14] =	ssyncset.done $0x0  }
0x16b: {  	s9 =	sadd.s32 $0x200, s9;
	s8 =	sadd.s32 $0x1000, s8;
	[sflag:s14] =	ssyncadd.s32 $0xFFFFF800  }
.LBB2_5:
0x16c: {  	_ =	sfence.sel $0x180000  }
0x16d: {  	[bflag:$0x0] =	sbarrier.arrive $0xFFFF  }
0x16e: {  	_ =	strace $0x90000050  }
0x16f: {  	s0 =	stileid.u32;
	[bflag:$0x2] =	sbarrier.arrive $0xFFFF  }
0x170: {  	p0 =	sne.s32 s0, $0x0;
	s0 =	rddreg [dreg:$0x2]  }
0x171: {  	s0 =	sadd.s32 @!p0 $0x100000, s0  }
0x172: {  	[sflag:s0] =	ssyncadd.tile.s32 @!p0 $0x1;
	_ =	shalt  }
.Lfunc_end2:
_tile_overlayer_lowered:
.L_overlay_start_2:
0x173: {  	(tag) =	ssettag $0x2  }
0x174: {  	s0 =	rddreg [dreg:$0x0];
	s2 =	stileid.u32  }
0x175: {  	s1 =	rddreg [dreg:$0x1];
	p0 =	sne.s32 s2, $0x0  }
0x176: {  	s3 =	rddreg [dreg:$0x2];
	[bflag:$0x3] =	sbarrier.arrive $0xFFFF;
	s2 =	simm.s32 @!p0 $0x1C04  }
0x177: {  	[timem:s3], [sflag:s2] =	dma.local @!p0 [hbm:s0], s1  }
0x178: {  	s0 =	simm.s32 @!p0 $0x4  }
0x179: {  	_ =	swait.ge @!p0 [sflag:s0], s1  }
0x17a: {  	s1 =	ssub.s32 @!p0 $0x0, s1;
	[sflag:s0] =	ssyncset.done @!p0 $0x0  }
0x17b: {  	[sflag:s0] =	ssyncadd.s32 @!p0 s1  }
0x17c: {  	[bflag:$0x3] =	sbarrier.arrive $0xFFFF  }
0x17d: {  	_ =	shalt  }

// kernel: kernel.9.cloned.1.call-start
scs
__scs_entry_jumppad:
0x0: {  	(pc) =	sbr.rel $0x88, $3  }
0x1: {  	(tag) =	ssettag $0x0;
	lr =	simm.s32 $0x1  }
0x2: {  	[smem:$0x3F9A] =	sst lr;
	_ =	strace $0xD0000000  }
0x3: {  	_ = 	snop  }
0x4: {  	_ = 	snop  }
0x5: {  	_ = 	snop  }
0x6: {  	_ = 	snop  }
0x7: {  	_ = 	snop  }
__scs_overlays_trampoline_lowered:
0x8: {  	[smem:$0x3FA9] =	sst s0  }
0x9: {  	[smem:$0x3FAA] =	sst s1  }
0xa: {  	[smem:$0x3FAB] =	sst s2  }
0xb: {  	[smem:$0x3FAC] =	sst s3  }
0xc: {  	[smem:$0x3FAD] =	sst s4  }
0xd: {  	[smem:$0x3FAE] =	sst s5  }
0xe: {  	[smem:$0x3FAF] =	sst s6  }
0xf: {  	[smem:$0x3FB0] =	sst s7  }
0x10: {  	[smem:$0x3FB1] =	sst s8  }
0x11: {  	[smem:$0x3FB2] =	sst s9;
	s0 =	simm.s32 @!p0 $0x0  }
0x12: {  	s1 =	sld [smem:$0x3F98];
	s0 =	simm.s32 @p0 $0x1  }
0x13: {  	[smem:$0x3FB3] =	sst s0;
	s0 =	simm.s32 @!p1 $0x0  }
0x14: {  	s2 =	sld [smem:$0x3F97];
	s0 =	simm.s32 @p1 $0x1  }
0x15: {  	[smem:$0x3FB4] =	sst s0;
	s0 =	simm.s32 @!p2 $0x0  }
0x16: {  	s3 =	sld [smem:$0x3FDB];
	s0 =	simm.s32 @p2 $0x1  }
0x17: {  	s4 =	simm.s32 $0x1BF5;
	[smem:$0x3FB6] =	sst s0  }
0x18: {  	s0 =	sld [smem:$0x3F99];
	_ =	swait.ge [sflag:s4], $0x0  }
0x19: {  	s7 =	sld [smem:$0x3F9A]  }
0x1a: {  	s8 =	sadd.s32 $0xFFFFE003, lr  }
0x1b: {  	s9 =	sadd.s32 $0xFFFFFEF7, lr;
	s5 =	simm.s32 $0xFFFFFFFF;
	p2 =	slt.u32 s8, $0xFFFFF086  }
0x1c: {  	p1 =	slt.u32 s9, $0xF7A;
	s5 =	simm.s32 @!p2 $0x0  }
0x1d: {  	s5 =	simm.s32 @p1 $0x1;
	p0 =	seq.s32 s7, s2  }
0x1e: {  	s7 =	smul.u32 @!p0 $0xF7A, s2;
	p2 =	seq.s32 @!p0 s5, $0x0  }
0x1f: {  	s9 =	smul.u32 $0xF7A, s1;
	s8 =	simm.s32 @!p0 $0x1BF5;
	p2 =	por !p2, p0  }
0x20: {  	[sflag:s8] =	ssyncset.s32 @!p0 $0xFFFFF086;
	s6 =	sadd.s32 @!p0 s3, s7;
	s7 =	simm.s32 @!p0 $0x108  }
0x21: {  	s3 =	sadd.s32 s3, s9;
	s6 =	sadd.s32 @!p0 $0x88, s6;
	s7 =	simm.s32 @p2 $0x1082  }
0x22: {  	[simem:s7], [sflag:s8] =	dma.local @!p0 [hbm:s6], $0xF7A  }
0x23: {  	s9 =	sor.u32 $0xD0000000, s2;
	s6 =	simm.s32 $0x108;
	_ =	swait.ge @!p0 [sflag:s8], $0x0  }
0x24: {  	s3 =	sadd.s32 $0x88, s3;
	s6 =	simm.s32 @!p1 $0x1082;
	[sflag:s4] =	ssyncset.s32 $0xFFFFF086  }
0x25: {  	[simem:s6], [sflag:s4] =	dma.local [hbm:s3], $0xF7A  }
0x26: {  	[smem:$0x3F9A] =	sst s1;
	(tag) =	ssettag s2;
	_ =	strace s9  }
0x27: {  	s1 =	sld [smem:$0x3FAA]  }
0x28: {  	s2 =	sld [smem:$0x3FAB]  }
0x29: {  	s4 =	sld [smem:$0x3FAD]  }
0x2a: {  	p0 =	seq.s32 s5, $0x0;
	s5 =	sld [smem:$0x3FAE]  }
0x2b: {  	s6 =	sld [smem:$0x3FAF]  }
0x2c: {  	s7 =	sld [smem:$0x3FB0]  }
0x2d: {  	s3 =	simm.s32 $0x108;
	s8 =	sld [smem:$0x3FB1]  }
0x2e: {  	s3 =	simm.s32 @!p0 $0x1082;
	s9 =	sld [smem:$0x3FB2]  }
0x2f: {  	lr =	sadd.s32 s0, s3;
	s0 =	sld [smem:$0x3FA9]  }
0x30: {  	s3 =	sld [smem:$0x3FAC]  }
0x31: {  	[smem:$0x3FB5] =	sst s10  }
0x32: {  	s10 =	sld [smem:$0x3FB3];
	_ =	sdelay $0x3  }
0x33: {  	p0 =	seq.s32 s10, $0x1;
	s10 =	sld [smem:$0x3FB5];
	_ =	sdelay $0x3  }
0x34: {  	[smem:$0x3FB5] =	sst s10  }
0x35: {  	s10 =	sld [smem:$0x3FB4];
	_ =	sdelay $0x3  }
0x36: {  	p1 =	seq.s32 s10, $0x1;
	s10 =	sld [smem:$0x3FB5];
	_ =	sdelay $0x3  }
0x37: {  	[smem:$0x3FB5] =	sst s10  }
0x38: {  	s10 =	sld [smem:$0x3FB6]  }
0x39: {  	_ = 	snop;
	(pc) =	sbr.ind lr, $3  }
0x3a: {  	_ = 	snop  }
0x3b: {  	_ = 	snop  }
0x3c: {  	p2 =	seq.s32 s10, $0x1;
	s10 =	sld [smem:$0x3FB5]  }
0x3d: {  	_ =	shalt  }
0x3e: {  	_ =	shalt  }
0x3f: {  	_ =	shalt  }
0x40: {  	_ =	shalt  }
0x41: {  	_ =	shalt  }
0x42: {  	_ =	shalt  }
0x43: {  	_ =	shalt  }
0x44: {  	_ =	shalt  }
0x45: {  	_ =	shalt  }
0x46: {  	_ =	shalt  }
0x47: {  	_ =	shalt  }
0x48: {  	_ =	shalt  }
0x49: {  	_ =	shalt  }
0x4a: {  	_ =	shalt  }
0x4b: {  	_ =	shalt  }
0x4c: {  	_ =	shalt  }
0x4d: {  	_ =	shalt  }
0x4e: {  	_ =	shalt  }
0x4f: {  	_ =	shalt  }
0x50: {  	_ =	shalt  }
0x51: {  	_ =	shalt  }
0x52: {  	_ =	shalt  }
0x53: {  	_ =	shalt  }
0x54: {  	_ =	shalt  }
0x55: {  	_ =	shalt  }
0x56: {  	_ =	shalt  }
0x57: {  	_ =	shalt  }
0x58: {  	_ =	shalt  }
0x59: {  	_ =	shalt  }
0x5a: {  	_ =	shalt  }
0x5b: {  	_ =	shalt  }
0x5c: {  	_ =	shalt  }
0x5d: {  	_ =	shalt  }
0x5e: {  	_ =	shalt  }
0x5f: {  	_ =	shalt  }
0x60: {  	_ =	shalt  }
0x61: {  	_ =	shalt  }
0x62: {  	_ =	shalt  }
0x63: {  	_ =	shalt  }
0x64: {  	_ =	shalt  }
0x65: {  	_ =	shalt  }
0x66: {  	_ =	shalt  }
0x67: {  	_ =	shalt  }
0x68: {  	_ =	shalt  }
0x69: {  	_ =	shalt  }
0x6a: {  	_ =	shalt  }
0x6b: {  	_ =	shalt  }
0x6c: {  	_ =	shalt  }
0x6d: {  	_ =	shalt  }
0x6e: {  	_ =	shalt  }
0x6f: {  	_ =	shalt  }
0x70: {  	_ =	shalt  }
0x71: {  	_ =	shalt  }
0x72: {  	_ =	shalt  }
0x73: {  	_ =	shalt  }
0x74: {  	_ =	shalt  }
0x75: {  	_ =	shalt  }
0x76: {  	_ =	shalt  }
0x77: {  	_ =	shalt  }
0x78: {  	_ =	shalt  }
0x79: {  	_ =	shalt  }
0x7a: {  	_ =	shalt  }
0x7b: {  	_ =	shalt  }
0x7c: {  	_ =	shalt  }
0x7d: {  	_ =	shalt  }
0x7e: {  	_ =	shalt  }
0x7f: {  	_ =	shalt  }
0x80: {  	_ =	shalt  }
0x81: {  	_ =	shalt  }
0x82: {  	_ =	shalt  }
0x83: {  	_ =	shalt  }
0x84: {  	_ =	shalt  }
0x85: {  	_ =	shalt  }
0x86: {  	_ =	shalt  }
0x87: {  	_ =	shalt  }
.Lfunc_end0:
.L_simem_size_0:
called_computation_lowered:
.L_overlay_start_0:
0x88: {  	s2 =	sld [smem:$0x3FD9]  }
0x89: {  	s3 =	sld [smem:$0x3FFE];
	_ =	sdelay $0x1  }
0x8a: {  	s1 =	srdreg.scid  }
0x8b: {  	s0 =	sand.u32 $0x1, s1  }
0x8c: {  	s17 =	sshll.u32 s0, $0xA;
	s2 =	sadd.s32 s3, s2  }
0x8d: {  	s2 =	sadd.s32 s2, s17  }
0x8e: {  	[smem:$0x3FC1] =	sst s2  }
0x8f: {  	_ = 	snop  }
0x90: {  	s2 =	sld [smem:$0x3FC9];
	(tm) =	ssettm $0x1  }
0x91: {  	s18 =	sld [smem:$0x3FFB];
	_ =	sdelay $0x3  }
0x92: {  	_ =	strace s18  }
0x93: {  	s3 =	sld [smem:$0x3FFC];
	_ =	sdelay $0x3  }
0x94: {  	_ =	strace s3  }
0x95: {  	s3 =	sld [smem:$0x3FFD];
	_ =	sdelay $0x3  }
0x96: {  	_ =	strace s3  }
0x97: {  	_ =	strace $0x8FFFFFFF  }
0x98: {  	s19 =	sld [smem:$0x3FDB];
	_ =	sdelay $0x1  }
0x99: {  	s4 =	simm.s32 $_scs_section_size  }
0x9a: {  	s5 =	simm.s32 $_size__tile_overlayer_lowered;
	s6 =	simm.s32 $_tile_overlayer_lowered  }
0x9b: {  	s22 =	simm.s32 $0x1BFF;
	s21 =	sshll.u32 s6, $0x1;
	s3 =	sadd.s32 s4, s19  }
0x9c: {  	s7 =	simm.s32 $0x0;
	s20 =	sshll.u32 s5, $0x1;
	s5 =	sadd.s32 s21, s3  }
0x9d: {  	[timem:s7], [sflag:s22] =	dma.local [hbm:s5], s20  }
0x9e: {  	_ =	swait.ge [sflag:s22], s20  }
0x9f: {  	s4 =	ssub.s32 $0x0, s20;
	[sflag:s22] =	ssyncset.done $0x0  }
0xa0: {  	[sflag:s22] =	ssyncadd.s32 s4;
	_ =	sdelay $0x1  }
0xa1: {  	s23 =	simm.s32 $0x1B8B  }
0xa2: {  	_ =	swait.ge [sflag:s23], $0x1  }
0xa3: {  	[sflag:s23] =	ssyncset.done $0x0  }
0xa4: {  	s25 =	simm.s32 $0x1B8E;
	s24 =	sld [smem:$0x3FFE];
	[sflag:s23] =	ssyncadd.s32 $0xFFFFFFFF  }
0xa5: {  	s26 =	simm.s32 $execute0_lowered;
	[smem:$0x3FD2] =	sst s25  }
0xa6: {  	s5 =	sshll.u32 s26, $0x1;
	_ =	strace $0x80000046;
	[dreg:$0x1] =	wrdreg $0xFFFFFFFF  }
0xa7: {  	s28 =	simm.s32 $_size_execute0_lowered;
	s3 =	sadd.s32 s3, s5;
	[dreg:$0x0] =	wrdreg $0x0  }
0xa8: {  	s5 =	sshll.u32 s28, $0x1;
	[dreg:$0x2] =	wrdreg s3  }
0xa9: {  	[dreg:$0x3] =	wrdreg s5  }
0xaa: {  	[dreg:$0x4] =	wrdreg $0xC0  }
0xab: {  	_ =	task [dreg:s7], $0x5FFFF  }
0xac: {  	[dreg:$0x1] =	wrdreg $0xFFFFFFFF  }
0xad: {  	[dreg:$0x0] =	wrdreg $0x60  }
0xae: {  	[dreg:$0x2] =	wrdreg s24  }
0xaf: {  	[dreg:$0x3] =	wrdreg s2  }
0xb0: {  	[dreg:$0x4] =	wrdreg $0x9  }
0xb1: {  	_ =	task.clear_ibuf [dreg:s7], $0x5FFFF;
	_ =	strace $0x90000046  }
0xb2: {  	s29 =	simm.s32 $0x9;
	_ =	strace $0x80000048  }
0xb3: {  	_ =	swait.ge [sflag:s29], $0x1  }
0xb4: {  	[sflag:s29] =	ssyncadd.s32 $0xFFFFFFFF  }
0xb5: {  	_ =	strace $0x90000048  }
0xb6: {  	_ =	sfence  }
0xb7: {  	s30 =	sld [smem:$0x0];
	_ =	sdelay $0x2  }
0xb8: {  	s31 =	sshll.u32 s1, $0xD;
	s1 =	sshrl.u32 s1, $0x2  }
0xb9: {  	s3 =	sand.u32 $0x4000, s31;
	s1 =	sadd.s32 s1, s30  }
0xba: {  	s0 =	sor.u32 s3, s0;
	s1 =	sshll.u32 s1, $0x11  }
0xbb: {  	s0 =	sor.u32 s1, s0  }
0xbc: {  	s0 =	sadd.s32 $0x8F2B, s0  }
0xbd: {  	[sflag:s0] =	ssyncadd.remote.s32 $0x1  }
0xbe: {  	_ =	sfence.sel $0xFFFF  }
0xbf: {  	[dreg:$0x0] =	wrdreg $0xFFFFFFFF;
	(pc) =	sbr.abs _section_cstart, $3  }
0xc0: {  	[dreg:$0x1] =	wrdreg $0xFFFFFFFF  }
0xc1: {  	_ =	task.clear_ibuf [dreg:s7], $0x2FFFF;
	_ =	strace $0x9FFFFFFF  }
0xc2: {  	(tm) =	ssettm $0x7FFFFFFF  }
0xc3: {  	_ =	shalt  }
tec
execute0_lowered:
.L_overlay_start_1:
0x0: {  	(tag) =	ssettag $0x1  }
0x1: {  	s0 =	srdreg.scid  }
0x2: {  	s12 =	sand.u32 $0x1, s0  }
0x3: {  	s9 =	rddreg [dreg:$0x0];
	s0 =	stileid.u32;
	s1 =	sshll.u32 s12, $0x4  }
0x4: {  	s2 =	rddreg [dreg:$0x1];
	s3 =	simm.s32 $0x0;
	s10 =	sor.u32 s0, s1  }
0x5: {  	[smem:$0x7FF] =	sst s3;
	s4 =	sshll.u32 s10, $0x6  }
0x6: {  	s1 =	rddreg [dreg:$0x2];
	s4 =	sadd.s32 s4, s9  }
0x7: {  	_ =	strace $0x80000047;
	s5 =	sadd.s32 $0xA00, s4;
	s4 =	simm.s32 $0x2  }
0x8: {  	[tilespmem:s3], [sflag:$0x2] =	stream.linear.gather [hbm4b:s5+s3], $0x180, $0x38;
	[tilespmem:$0x8400] =	vst v63  }
0x9: {  	_ =	swait.ge [sflag:s4], $0x180  }
0xa: {  	s6 =	simm.s32 $0x80;
	[sflag:s4] =	ssyncset.done $0x0  }
0xb: {  	s7 =	simm.s32 $0x400;
	s8 =	simm.s32 $0x1;
	[sflag:s4] =	ssyncadd.s32 $0xFFFFFE80  }
0xc: {  	[tilespmem:s7], [sflag:$0x1] =	stream.indirect.gather [hbm4b:s2+s6], $0x80, s3, s6, $0xb8;
	[tilespmem:$0x8400] =	vst v63  }
0xd: {  	s11 =	smul.u32 $0x1800, s10;
	_ =	swait.ge [sflag:s8], $0x4000  }
0xe: {  	s13 =	sadd.s32 $0x1200, s9;
	[sflag:s8] =	ssyncset.done $0x0  }
0xf: {  	s9 =	sadd.s32 s13, s11;
	[sflag:s8] =	ssyncadd.s32 $0xFFFFC000  }
0x10: {  	[hbm4b:s9+s3] =	stream.linear.scatter [tilespmem:s7], [sflag:$0x2], $0x4000, $0x38;
	[tilespmem:$0x8400] =	vst v63  }
0x11: {  	_ =	swait.ge [sflag:s4], $0x4000  }
0x12: {  	[sflag:s4] =	ssyncset.done $0x0  }
0x13: {  	s31 =	smul.u32 $0xC000, s10;
	s10 =	simm.s32 $0x4400;
	[sflag:s4] =	ssyncadd.s32 $0xFFFFC000  }
0x14: {  	[tilespmem:s10], [sflag:$0x1] =	stream.indirect.gather [hbm4b:s2+s6], $0x80, s6, s6, $0xb8;
	[tilespmem:$0x8400] =	vst v63  }
0x15: {  	s11 =	sshrl.u32 s31, $0x3;
	_ =	swait.ge [sflag:s8], $0x4000  }
0x16: {  	s13 =	sadd.s32 s13, s11;
	[sflag:s8] =	ssyncset.done $0x0  }
0x17: {  	s14 =	ssub.s32 $0x2, s12;
	s11 =	sadd.s32 $0x800, s13;
	[sflag:s8] =	ssyncadd.s32 $0xFFFFC000  }
0x18: {  	[hbm4b:s11+s3] =	stream.linear.scatter [tilespmem:s10], [sflag:$0x2], $0x4000, $0x38;
	[tilespmem:$0x8400] =	vst v63  }
0x19: {  	s15 =	sshrl.u32 s14, $0x1;
	_ =	swait.ge [sflag:s4], $0x4000  }
0x1a: {  	s14 =	ssub.s32 s14, s15;
	[sflag:s4] =	ssyncset.done $0x0  }
0x1b: {  	s12 =	simm.s32 $0x100;
	s14 =	smax.u32 s14, $0x1;
	[sflag:s4] =	ssyncadd.s32 $0xFFFFC000  }
0x1c: {  	[tilespmem:s7], [sflag:$0x1] =	stream.indirect.gather [hbm4b:s2+s6], $0x80, s12, s6, $0xb8;
	[tilespmem:$0x8400] =	vst v63  }
0x1d: {  	p0 =	sne.s32 s14, $0x1;
	_ =	swait.ge [sflag:s8], $0x4000  }
.Ltmp0:
0x1e: {  	[sflag:s8] =	ssyncset.done $0x0;
	(pc) =	sbr.rel @!p0 .LBB2_2-.Ltmp0, $4  }
0x1f: {  	s13 =	sadd.s32 $0x1000, s13;
	[sflag:s8] =	ssyncadd.s32 $0xFFFFC000  }
0x20: {  	[hbm4b:s13+s3] =	stream.linear.scatter [tilespmem:s7], [sflag:$0x2], $0x4000, $0x38;
	[tilespmem:$0x8400] =	vst v63  }
0x21: {  	_ =	swait.ge [sflag:s4], $0x4000  }
0x22: {  	s14 =	sadd.s32 $0xFFFFFFFF, s14;
	[sflag:s4] =	ssyncset.done $0x0  }
.LBB2_1:
0x23: {  	p0 =	sne.s32 s14, $0x1;
	s14 =	sadd.s32 $0xFFFFFFFF, s14;
	[sflag:s4] =	ssyncadd.s32 $0xFFFFC000  }
0x24: {  	[tilespmem:s3], [sflag:$0x2] =	stream.linear.gather [hbm4b:s5+s3], $0x180, $0x38;
	[tilespmem:$0x8400] =	vst v63  }
0x25: {  	_ =	swait.ge [sflag:s4], $0x180  }
0x26: {  	[sflag:s4] =	ssyncset.done $0x0  }
0x27: {  	[sflag:s4] =	ssyncadd.s32 $0xFFFFFE80  }
0x28: {  	[tilespmem:s7], [sflag:$0x1] =	stream.indirect.gather [hbm4b:s2+s6], $0x80, s3, s6, $0xb8;
	[tilespmem:$0x8400] =	vst v63  }
0x29: {  	_ =	swait.ge [sflag:s8], $0x4000  }
0x2a: {  	[sflag:s8] =	ssyncset.done $0x0  }
0x2b: {  	[sflag:s8] =	ssyncadd.s32 $0xFFFFC000  }
0x2c: {  	[hbm4b:s9+s3] =	stream.linear.scatter [tilespmem:s7], [sflag:$0x2], $0x4000, $0x38;
	[tilespmem:$0x8400] =	vst v63  }
0x2d: {  	_ =	swait.ge [sflag:s4], $0x4000  }
0x2e: {  	[sflag:s4] =	ssyncset.done $0x0  }
0x2f: {  	[sflag:s4] =	ssyncadd.s32 $0xFFFFC000  }
0x30: {  	[tilespmem:s10], [sflag:$0x1] =	stream.indirect.gather [hbm4b:s2+s6], $0x80, s6, s6, $0xb8;
	[tilespmem:$0x8400] =	vst v63  }
0x31: {  	_ =	swait.ge [sflag:s8], $0x4000  }
0x32: {  	[sflag:s8] =	ssyncset.done $0x0  }
0x33: {  	[sflag:s8] =	ssyncadd.s32 $0xFFFFC000  }
0x34: {  	[hbm4b:s11+s3] =	stream.linear.scatter [tilespmem:s10], [sflag:$0x2], $0x4000, $0x38;
	[tilespmem:$0x8400] =	vst v63  }
0x35: {  	_ =	swait.ge [sflag:s4], $0x4000  }
0x36: {  	[sflag:s4] =	ssyncset.done $0x0  }
0x37: {  	[sflag:s4] =	ssyncadd.s32 $0xFFFFC000  }
0x38: {  	[tilespmem:s7], [sflag:$0x1] =	stream.indirect.gather [hbm4b:s2+s6], $0x80, s12, s6, $0xb8;
	[tilespmem:$0x8400] =	vst v63  }
0x39: {  	_ =	swait.ge [sflag:s8], $0x4000  }
.Ltmp1:
0x3a: {  	[sflag:s8] =	ssyncset.done $0x0;
	(pc) =	sbr.rel @p0 .LBB2_1-.Ltmp1, $4  }
0x3b: {  	[sflag:s8] =	ssyncadd.s32 $0xFFFFC000  }
0x3c: {  	[hbm4b:s13+s3] =	stream.linear.scatter [tilespmem:s7], [sflag:$0x2], $0x4000, $0x38;
	[tilespmem:$0x8400] =	vst v63  }
0x3d: {  	_ =	swait.ge [sflag:s4], $0x4000  }
0x3e: {  	[sflag:s4] =	ssyncset.done $0x0  }
.LBB2_2:
0x3f: {  	[sflag:s4] =	ssyncadd.s32 $0xFFFFC000  }
0x40: {  	_ =	sfence.sel $0x180000  }
0x41: {  	[bflag:$0x0] =	sbarrier.arrive $0xFFFF  }
0x42: {  	p0 =	sne.s32 s0, $0x0;
	_ =	strace $0x90000047  }
0x43: {  	s0 =	sadd.s32 @!p0 $0x100000, s1;
	[bflag:$0x2] =	sbarrier.arrive $0xFFFF  }
0x44: {  	[sflag:s0] =	ssyncadd.tile.s32 @!p0 $0x1;
	_ =	shalt  }
.Lfunc_end2:
_tile_overlayer_lowered:
.L_overlay_start_2:
0x45: {  	(tag) =	ssettag $0x2  }
0x46: {  	s0 =	rddreg [dreg:$0x0];
	s2 =	stileid.u32  }
0x47: {  	s1 =	rddreg [dreg:$0x1];
	p0 =	sne.s32 s2, $0x0  }
0x48: {  	s3 =	rddreg [dreg:$0x2];
	[bflag:$0x3] =	sbarrier.arrive $0xFFFF;
	s2 =	simm.s32 @!p0 $0x1C02  }
0x49: {  	[timem:s3], [sflag:s2] =	dma.local @!p0 [hbm:s0], s1  }
0x4a: {  	s0 =	simm.s32 @!p0 $0x2  }
0x4b: {  	_ =	swait.ge @!p0 [sflag:s0], s1  }
0x4c: {  	s1 =	ssub.s32 @!p0 $0x0, s1;
	[sflag:s0] =	ssyncset.done @!p0 $0x0  }
0x4d: {  	[sflag:s0] =	ssyncadd.s32 @!p0 s1  }
0x4e: {  	[bflag:$0x3] =	sbarrier.arrive $0xFFFF  }
0x4f: {  	_ =	shalt  }

</sc_bundles>
